<compile_context>
chip_gen: v7x
topology: tpu7x:2x2x1
jax: 0.10.2.dev20260603
libtpu: 0.0.44.dev20260713+nightly
codegen_flags: <defaults>
</compile_context>

<pallas_src>
import functools

import jax
import jax.numpy as jnp
from jax import lax
from jax.experimental import pallas as pl
from jax.experimental.pallas import tpu as pltpu
from jax.experimental.pallas import tpu_sc as plsc

NUM_NODES = 1000000
DIM = 64
BATCH = 16384

_INFO = plsc.get_sparse_core_info()
_NC = _INFO.num_cores
_NS = _INFO.num_subcores
_NW = _NC * _NS
_BPW = BATCH // _NW
_NGROUP = _BPW // 16
_NSLOT = 4


def _log_sigmoid(x):
    t = jnp.exp(-jnp.abs(x))
    z = t / (t + 2.0)
    z2 = z * z
    log1p = 2.0 * z * (1.0 + z2 * (1.0 / 3.0 + z2 * (0.2 + z2 * (1.0 / 7.0 + z2 * (1.0 / 9.0)))))
    return jnp.minimum(x, 0.0) - log1p


@functools.partial(
    pl.kernel,
    out_type=jax.ShapeDtypeStruct((_NW, 128), jnp.float32),
    mesh=plsc.VectorSubcoreMesh(core_axis_name="c", subcore_axis_name="s"),
    compiler_params=pltpu.CompilerParams(
        needs_layout_passes=False, use_tc_tiling_on_sc=True),
    scratch_types=(
        [pltpu.VMEM((_BPW,), jnp.int32)] * 2 +
        [pltpu.VMEM((DIM, 128), jnp.float32)] * 8 +
        [pltpu.VMEM((_BPW,), jnp.float32),
         pltpu.VMEM((128,), jnp.float32)] +
        [pltpu.SemaphoreType.DMA] * _NSLOT
    ),
)
def _sc_loss(u_hbm, v_hbm, sign_hbm, embt_hbm, ctxt_hbm, out_hbm,
             u_idx, v_idx,
             eb0, eb1, eb2, eb3, cb0, cb1, cb2, cb3,
             sign_v, stage_v, sem0, sem1, sem2, sem3):
    wid = lax.axis_index("s") * _NC + lax.axis_index("c")
    base = wid * _BPW

    pltpu.sync_copy(u_hbm.at[pl.ds(base, _BPW)], u_idx)
    pltpu.sync_copy(v_hbm.at[pl.ds(base, _BPW)], v_idx)
    pltpu.sync_copy(sign_hbm.at[pl.ds(base, _BPW)], sign_v)

    ebufs = [eb0, eb1, eb2, eb3]
    cbufs = [cb0, cb1, cb2, cb3]
    sems = [sem0, sem1, sem2, sem3]
    lane = lax.iota(jnp.int32, 16)

    def copies(uu, vv, j, slot):
        ub = pl.multiple_of((uu[j] >> 7) * 128, 128)
        vb = pl.multiple_of((vv[j] >> 7) * 128, 128)
        return ((embt_hbm.at[:, pl.ds(ub, 128)], ebufs[slot], sems[slot]),
                (ctxt_hbm.at[:, pl.ds(vb, 128)], cbufs[slot], sems[slot]))

    def fire(uu, vv, j, slot):
        for src, dst, sem in copies(uu, vv, j, slot):
            pltpu.async_copy(src, dst, sem)

    def wait(uu, vv, j, slot):
        for src, dst, sem in copies(uu, vv, j, slot):
            pltpu.make_async_copy(src, dst, sem).wait()

    uu0 = u_idx[pl.ds(0, 16)]
    vv0 = v_idx[pl.ds(0, 16)]
    fire(uu0, vv0, 0, 0)
    fire(uu0, vv0, 1, 1)
    fire(uu0, vv0, 2, 2)

    def group_body(g, loss):
        gsl = pl.ds(g * 16, 16)
        uu = u_idx[gsl]
        vv = v_idx[gsl]
        gn = jnp.minimum(g + 1, _NGROUP - 1)
        nsl = pl.ds(gn * 16, 16)
        uun = u_idx[nsl]
        vvn = v_idx[nsl]

        x16 = jnp.zeros((16,), jnp.float32)
        for s in range(16):
            slot = s % _NSLOT
            fslot = (s + 3) % _NSLOT
            if s + 3 < 16:
                fire(uu, vv, s + 3, fslot)
            else:
                fire(uun, vvn, s + 3 - 16, fslot)
            wait(uu, vv, s, slot)
            ucv = jnp.full((16,), uu[s] & 127, jnp.int32)
            vcv = jnp.full((16,), vv[s] & 127, jnp.int32)
            p = jnp.zeros((16,), jnp.float32)
            for c in range(DIM // 16):
                rows = c * 16 + lane
                e = plsc.load_gather(ebufs[slot], [rows, ucv])
                x = plsc.load_gather(cbufs[slot], [rows, vcv])
                p = p + e * x
            dot = jnp.sum(p)
            x16 = jnp.where(lane == s, dot, x16)
        x = x16 * sign_v[gsl]
        return loss + _log_sigmoid(x)

    loss = lax.fori_loop(0, _NGROUP, group_body, jnp.zeros((16,), jnp.float32))

    uuL = u_idx[pl.ds((_NGROUP - 1) * 16, 16)]
    vvL = v_idx[pl.ds((_NGROUP - 1) * 16, 16)]
    wait(uuL, vvL, 0, 0)
    wait(uuL, vvL, 1, 1)
    wait(uuL, vvL, 2, 2)

    zeros = jnp.zeros((16,), jnp.float32)
    for k in range(8):
        stage_v[pl.ds(k * 16, 16)] = loss if k == 0 else zeros
    pltpu.sync_copy(stage_v, out_hbm.at[wid])


def kernel(u, v, sign, emb, ctx):
    partials = _sc_loss(u.astype(jnp.int32), v.astype(jnp.int32),
                        sign, emb.T, ctx.T)
    return -jnp.sum(partials)

# --- scband reference (transcript-rebuilt; emitter-appended) ---
"""Pipeline reference for scband-skip-gram-ns-19318762897801 (READ-ONLY COPY).

The authoritative reference and input builder live on the scoring server;
editing this copy changes nothing except your own understanding.
"""

import jax, jax.numpy as jnp
import numpy as np

NUM_NODES = 1000000
DIM = 64
BATCH = 16384

def setup_inputs(seed: int = 0) -> dict:
    key = jax.random.key(seed)
    k1, k2, k3, k4 = jax.random.split(key, 4)
    u = jax.random.randint(k1, (BATCH,), 0, NUM_NODES)
    v = jax.random.randint(k2, (BATCH,), 0, NUM_NODES)
    sign = jnp.ones((BATCH,), dtype=jnp.float32)
    emb = jax.random.normal(k3, (NUM_NODES, DIM), dtype=jnp.float32) * (1.0 / np.sqrt(DIM))
    ctx = jax.random.normal(k4, (NUM_NODES, DIM), dtype=jnp.float32) * (1.0 / np.sqrt(DIM))
    return {"u": u, "v": v, "sign": sign, "emb": emb, "ctx": ctx}

def reference(u, v, sign, emb, ctx):
    emb_u = jnp.take(emb, u, axis=0)
    ctx_v = jnp.take(ctx, v, axis=0)
    prod = jnp.sum(emb_u * ctx_v, axis=1)
    prod = sign * prod
    loss = jnp.sum(jax.nn.log_sigmoid(prod))
    return -loss

if __name__ == "__main__":
    import jax
    _d = setup_inputs()
    print(jax.jit(kernel)(*tuple(_d.values())))

</pallas_src>

<mosaic_0001>
#map = affine_map<(d0, d1) -> (0)>
#map1 = affine_map<(d0, d1) -> (0, 0)>
module attributes {stable_mosaic.version = 14 : i64} {
  func.func @_sc_loss(%arg0: i32, %arg1: i32, %arg2: memref<16384xi32, #tpu.memory_space<hbm>>, %arg3: memref<16384xi32, #tpu.memory_space<hbm>>, %arg4: memref<16384xf32, #tpu.memory_space<hbm>>, %arg5: memref<64x1000000xf32, #tpu.memory_space<hbm>>, %arg6: memref<64x1000000xf32, #tpu.memory_space<hbm>>, %arg7: memref<32x128xf32, #tpu.memory_space<hbm>>, %arg8: memref<512xi32, #tpu.memory_space<vmem>>, %arg9: memref<512xi32, #tpu.memory_space<vmem>>, %arg10: memref<64x128xf32, #tpu.memory_space<vmem>>, %arg11: memref<64x128xf32, #tpu.memory_space<vmem>>, %arg12: memref<64x128xf32, #tpu.memory_space<vmem>>, %arg13: memref<64x128xf32, #tpu.memory_space<vmem>>, %arg14: memref<64x128xf32, #tpu.memory_space<vmem>>, %arg15: memref<64x128xf32, #tpu.memory_space<vmem>>, %arg16: memref<64x128xf32, #tpu.memory_space<vmem>>, %arg17: memref<64x128xf32, #tpu.memory_space<vmem>>, %arg18: memref<512xf32, #tpu.memory_space<vmem>>, %arg19: memref<128xf32, #tpu.memory_space<vmem>>, %arg20: memref<!tpu.dma_semaphore, #tpu.memory_space<semaphore_mem>>, %arg21: memref<!tpu.dma_semaphore, #tpu.memory_space<semaphore_mem>>, %arg22: memref<!tpu.dma_semaphore, #tpu.memory_space<semaphore_mem>>, %arg23: memref<!tpu.dma_semaphore, #tpu.memory_space<semaphore_mem>>) attributes {dimension_semantics = [#tpu.dimension_semantics<core_parallel>, #tpu.dimension_semantics<subcore_parallel>], iteration_bounds = array<i64: 2, 16>, scalar_prefetch = 0 : i64, scratch_operands = 16 : i64, tpu.core_type = #tpu.core_type<sc_vector_subcore>, window_params = [{transform_indices = #map}, {transform_indices = #map}, {transform_indices = #map}, {transform_indices = #map1}, {transform_indices = #map1}, {transform_indices = #map1}]} {
    %mul3A = arith.constant 2 : i32
    %mul3A_0 = arith.muli %arg1, %mul3A : i32
    %add3A = arith.addi %mul3A_0, %arg0 : i32
    %mul3A_1 = arith.constant 512 : i32
    %mul3A_2 = arith.muli %add3A, %mul3A_1 : i32
    "tpu.region"() ({
      %run_scoped3A = tpu.sem_alloc : memref<!tpu.dma_semaphore, #tpu.memory_space<semaphore_mem>>
      %dma_start3A_159 = tpu.memref_slice %arg2[%mul3A_2] : memref<16384xi32, #tpu.memory_space<hbm>> -> memref<512xi32, #tpu.memory_space<hbm>>
      %dma_start3A_160 = tpu.memref_slice %arg2[%mul3A_2] : memref<16384xi32, #tpu.memory_space<hbm>> -> memref<512xi32, #tpu.memory_space<hbm>>
      tpu.enqueue_dma source(%dma_start3A_160 : memref<512xi32, #tpu.memory_space<hbm>>) target(%arg8 : memref<512xi32, #tpu.memory_space<vmem>>) target_semaphore(%run_scoped3A : memref<!tpu.dma_semaphore, #tpu.memory_space<semaphore_mem>>)
      %dma_wait3A_161 = tpu.memref_slice %arg2[%mul3A_2] : memref<16384xi32, #tpu.memory_space<hbm>> -> memref<512xi32, #tpu.memory_space<hbm>>
      %dma_wait3A_162 = tpu.memref_slice %arg2[%mul3A_2] : memref<16384xi32, #tpu.memory_space<hbm>> -> memref<512xi32, #tpu.memory_space<hbm>>
      tpu.wait_dma2 semaphore(%run_scoped3A : memref<!tpu.dma_semaphore, #tpu.memory_space<semaphore_mem>>) src(%dma_wait3A_162 : memref<512xi32, #tpu.memory_space<hbm>>) dst(%arg8 : memref<512xi32, #tpu.memory_space<vmem>>)
      tpu.yield
    }) : () -> ()
    "tpu.region"() ({
      %run_scoped3A = tpu.sem_alloc : memref<!tpu.dma_semaphore, #tpu.memory_space<semaphore_mem>>
      %dma_start3A_159 = tpu.memref_slice %arg3[%mul3A_2] : memref<16384xi32, #tpu.memory_space<hbm>> -> memref<512xi32, #tpu.memory_space<hbm>>
      %dma_start3A_160 = tpu.memref_slice %arg3[%mul3A_2] : memref<16384xi32, #tpu.memory_space<hbm>> -> memref<512xi32, #tpu.memory_space<hbm>>
      tpu.enqueue_dma source(%dma_start3A_160 : memref<512xi32, #tpu.memory_space<hbm>>) target(%arg9 : memref<512xi32, #tpu.memory_space<vmem>>) target_semaphore(%run_scoped3A : memref<!tpu.dma_semaphore, #tpu.memory_space<semaphore_mem>>)
      %dma_wait3A_161 = tpu.memref_slice %arg3[%mul3A_2] : memref<16384xi32, #tpu.memory_space<hbm>> -> memref<512xi32, #tpu.memory_space<hbm>>
      %dma_wait3A_162 = tpu.memref_slice %arg3[%mul3A_2] : memref<16384xi32, #tpu.memory_space<hbm>> -> memref<512xi32, #tpu.memory_space<hbm>>
      tpu.wait_dma2 semaphore(%run_scoped3A : memref<!tpu.dma_semaphore, #tpu.memory_space<semaphore_mem>>) src(%dma_wait3A_162 : memref<512xi32, #tpu.memory_space<hbm>>) dst(%arg9 : memref<512xi32, #tpu.memory_space<vmem>>)
      tpu.yield
    }) : () -> ()
    "tpu.region"() ({
      %run_scoped3A = tpu.sem_alloc : memref<!tpu.dma_semaphore, #tpu.memory_space<semaphore_mem>>
      %dma_start3A_159 = tpu.memref_slice %arg4[%mul3A_2] : memref<16384xf32, #tpu.memory_space<hbm>> -> memref<512xf32, #tpu.memory_space<hbm>>
      %dma_start3A_160 = tpu.memref_slice %arg4[%mul3A_2] : memref<16384xf32, #tpu.memory_space<hbm>> -> memref<512xf32, #tpu.memory_space<hbm>>
      tpu.enqueue_dma source(%dma_start3A_160 : memref<512xf32, #tpu.memory_space<hbm>>) target(%arg18 : memref<512xf32, #tpu.memory_space<vmem>>) target_semaphore(%run_scoped3A : memref<!tpu.dma_semaphore, #tpu.memory_space<semaphore_mem>>)
      %dma_wait3A_161 = tpu.memref_slice %arg4[%mul3A_2] : memref<16384xf32, #tpu.memory_space<hbm>> -> memref<512xf32, #tpu.memory_space<hbm>>
      %dma_wait3A_162 = tpu.memref_slice %arg4[%mul3A_2] : memref<16384xf32, #tpu.memory_space<hbm>> -> memref<512xf32, #tpu.memory_space<hbm>>
      tpu.wait_dma2 semaphore(%run_scoped3A : memref<!tpu.dma_semaphore, #tpu.memory_space<semaphore_mem>>) src(%dma_wait3A_162 : memref<512xf32, #tpu.memory_space<hbm>>) dst(%arg18 : memref<512xf32, #tpu.memory_space<vmem>>)
      tpu.yield
    }) : () -> ()
    %iota3A = tpu.iota {dimensions = array<i32: 0>} : vector<16xi32>
    %get3A = arith.constant 0 : index
    %get3A_3 = tpu.vector_load %arg8[%get3A] {strides = array<i32>} : memref<512xi32, #tpu.memory_space<vmem>>, vector<16xi32>,
    %get3A_4 = arith.constant 0 : index
    %get3A_5 = tpu.vector_load %arg9[%get3A_4] {strides = array<i32>} : memref<512xi32, #tpu.memory_space<vmem>>, vector<16xi32>,
    %slice3A = vector.extract_strided_slice %get3A_3 {offsets = [0], sizes = [1], strides = [1]} : vector<16xi32> to vector<1xi32>
    %squeeze3A = vector.extract %slice3A[0] : i32 from vector<1xi32>
    %shift_right_arithmetic3A = arith.constant 7 : i32
    %shift_right_arithmetic3A_6 = arith.shrsi %squeeze3A, %shift_right_arithmetic3A : i32
    %mul3A_7 = arith.constant 128 : i32
    %mul3A_8 = arith.muli %shift_right_arithmetic3A_6, %mul3A_7 : i32
    %multiple_of3A = tpu.assume_multiple %mul3A_8, 128 : i32
    %slice3A_9 = vector.extract_strided_slice %get3A_5 {offsets = [0], sizes = [1], strides = [1]} : vector<16xi32> to vector<1xi32>
    %squeeze3A_10 = vector.extract %slice3A_9[0] : i32 from vector<1xi32>
    %shift_right_arithmetic3A_11 = arith.constant 7 : i32
    %shift_right_arithmetic3A_12 = arith.shrsi %squeeze3A_10, %shift_right_arithmetic3A_11 : i32
    %mul3A_13 = arith.constant 128 : i32
    %mul3A_14 = arith.muli %shift_right_arithmetic3A_12, %mul3A_13 : i32
    %multiple_of3A_15 = tpu.assume_multiple %mul3A_14, 128 : i32
    %dma_start3A = arith.constant 0 : i32
    %dma_start3A_16 = tpu.memref_slice %arg5[%dma_start3A, %multiple_of3A] : memref<64x1000000xf32, #tpu.memory_space<hbm>> -> memref<64x128xf32, #tpu.memory_space<hbm>>
    %dma_start3A_17 = arith.constant 0 : i32
    %dma_start3A_18 = tpu.memref_slice %arg5[%dma_start3A_17, %multiple_of3A] : memref<64x1000000xf32, #tpu.memory_space<hbm>> -> memref<64x128xf32, #tpu.memory_space<hbm>>
    tpu.enqueue_dma source(%dma_start3A_18 : memref<64x128xf32, #tpu.memory_space<hbm>>) target(%arg10 : memref<64x128xf32, #tpu.memory_space<vmem>>) target_semaphore(%arg20 : memref<!tpu.dma_semaphore, #tpu.memory_space<semaphore_mem>>)
    %dma_start3A_19 = arith.constant 0 : i32
    %dma_start3A_20 = tpu.memref_slice %arg6[%dma_start3A_19, %multiple_of3A_15] : memref<64x1000000xf32, #tpu.memory_space<hbm>> -> memref<64x128xf32, #tpu.memory_space<hbm>>
    %dma_start3A_21 = arith.constant 0 : i32
    %dma_start3A_22 = tpu.memref_slice %arg6[%dma_start3A_21, %multiple_of3A_15] : memref<64x1000000xf32, #tpu.memory_space<hbm>> -> memref<64x128xf32, #tpu.memory_space<hbm>>
    tpu.enqueue_dma source(%dma_start3A_22 : memref<64x128xf32, #tpu.memory_space<hbm>>) target(%arg14 : memref<64x128xf32, #tpu.memory_space<vmem>>) target_semaphore(%arg20 : memref<!tpu.dma_semaphore, #tpu.memory_space<semaphore_mem>>)
    %slice3A_23 = vector.extract_strided_slice %get3A_3 {offsets = [1], sizes = [1], strides = [1]} : vector<16xi32> to vector<1xi32>
    %squeeze3A_24 = vector.extract %slice3A_23[0] : i32 from vector<1xi32>
    %shift_right_arithmetic3A_25 = arith.constant 7 : i32
    %shift_right_arithmetic3A_26 = arith.shrsi %squeeze3A_24, %shift_right_arithmetic3A_25 : i32
    %mul3A_27 = arith.constant 128 : i32
    %mul3A_28 = arith.muli %shift_right_arithmetic3A_26, %mul3A_27 : i32
    %multiple_of3A_29 = tpu.assume_multiple %mul3A_28, 128 : i32
    %slice3A_30 = vector.extract_strided_slice %get3A_5 {offsets = [1], sizes = [1], strides = [1]} : vector<16xi32> to vector<1xi32>
    %squeeze3A_31 = vector.extract %slice3A_30[0] : i32 from vector<1xi32>
    %shift_right_arithmetic3A_32 = arith.constant 7 : i32
    %shift_right_arithmetic3A_33 = arith.shrsi %squeeze3A_31, %shift_right_arithmetic3A_32 : i32
    %mul3A_34 = arith.constant 128 : i32
    %mul3A_35 = arith.muli %shift_right_arithmetic3A_33, %mul3A_34 : i32
    %multiple_of3A_36 = tpu.assume_multiple %mul3A_35, 128 : i32
    %dma_start3A_37 = arith.constant 0 : i32
    %dma_start3A_38 = tpu.memref_slice %arg5[%dma_start3A_37, %multiple_of3A_29] : memref<64x1000000xf32, #tpu.memory_space<hbm>> -> memref<64x128xf32, #tpu.memory_space<hbm>>
    %dma_start3A_39 = arith.constant 0 : i32
    %dma_start3A_40 = tpu.memref_slice %arg5[%dma_start3A_39, %multiple_of3A_29] : memref<64x1000000xf32, #tpu.memory_space<hbm>> -> memref<64x128xf32, #tpu.memory_space<hbm>>
    tpu.enqueue_dma source(%dma_start3A_40 : memref<64x128xf32, #tpu.memory_space<hbm>>) target(%arg11 : memref<64x128xf32, #tpu.memory_space<vmem>>) target_semaphore(%arg21 : memref<!tpu.dma_semaphore, #tpu.memory_space<semaphore_mem>>)
    %dma_start3A_41 = arith.constant 0 : i32
    %dma_start3A_42 = tpu.memref_slice %arg6[%dma_start3A_41, %multiple_of3A_36] : memref<64x1000000xf32, #tpu.memory_space<hbm>> -> memref<64x128xf32, #tpu.memory_space<hbm>>
    %dma_start3A_43 = arith.constant 0 : i32
    %dma_start3A_44 = tpu.memref_slice %arg6[%dma_start3A_43, %multiple_of3A_36] : memref<64x1000000xf32, #tpu.memory_space<hbm>> -> memref<64x128xf32, #tpu.memory_space<hbm>>
    tpu.enqueue_dma source(%dma_start3A_44 : memref<64x128xf32, #tpu.memory_space<hbm>>) target(%arg15 : memref<64x128xf32, #tpu.memory_space<vmem>>) target_semaphore(%arg21 : memref<!tpu.dma_semaphore, #tpu.memory_space<semaphore_mem>>)
    %slice3A_45 = vector.extract_strided_slice %get3A_3 {offsets = [2], sizes = [1], strides = [1]} : vector<16xi32> to vector<1xi32>
    %squeeze3A_46 = vector.extract %slice3A_45[0] : i32 from vector<1xi32>
    %shift_right_arithmetic3A_47 = arith.constant 7 : i32
    %shift_right_arithmetic3A_48 = arith.shrsi %squeeze3A_46, %shift_right_arithmetic3A_47 : i32
    %mul3A_49 = arith.constant 128 : i32
    %mul3A_50 = arith.muli %shift_right_arithmetic3A_48, %mul3A_49 : i32
    %multiple_of3A_51 = tpu.assume_multiple %mul3A_50, 128 : i32
    %slice3A_52 = vector.extract_strided_slice %get3A_5 {offsets = [2], sizes = [1], strides = [1]} : vector<16xi32> to vector<1xi32>
    %squeeze3A_53 = vector.extract %slice3A_52[0] : i32 from vector<1xi32>
    %shift_right_arithmetic3A_54 = arith.constant 7 : i32
    %shift_right_arithmetic3A_55 = arith.shrsi %squeeze3A_53, %shift_right_arithmetic3A_54 : i32
    %mul3A_56 = arith.constant 128 : i32
    %mul3A_57 = arith.muli %shift_right_arithmetic3A_55, %mul3A_56 : i32
    %multiple_of3A_58 = tpu.assume_multiple %mul3A_57, 128 : i32
    %dma_start3A_59 = arith.constant 0 : i32
    %dma_start3A_60 = tpu.memref_slice %arg5[%dma_start3A_59, %multiple_of3A_51] : memref<64x1000000xf32, #tpu.memory_space<hbm>> -> memref<64x128xf32, #tpu.memory_space<hbm>>
    %dma_start3A_61 = arith.constant 0 : i32
    %dma_start3A_62 = tpu.memref_slice %arg5[%dma_start3A_61, %multiple_of3A_51] : memref<64x1000000xf32, #tpu.memory_space<hbm>> -> memref<64x128xf32, #tpu.memory_space<hbm>>
    tpu.enqueue_dma source(%dma_start3A_62 : memref<64x128xf32, #tpu.memory_space<hbm>>) target(%arg12 : memref<64x128xf32, #tpu.memory_space<vmem>>) target_semaphore(%arg22 : memref<!tpu.dma_semaphore, #tpu.memory_space<semaphore_mem>>)
    %dma_start3A_63 = arith.constant 0 : i32
    %dma_start3A_64 = tpu.memref_slice %arg6[%dma_start3A_63, %multiple_of3A_58] : memref<64x1000000xf32, #tpu.memory_space<hbm>> -> memref<64x128xf32, #tpu.memory_space<hbm>>
    %dma_start3A_65 = arith.constant 0 : i32
    %dma_start3A_66 = tpu.memref_slice %arg6[%dma_start3A_65, %multiple_of3A_58] : memref<64x1000000xf32, #tpu.memory_space<hbm>> -> memref<64x128xf32, #tpu.memory_space<hbm>>
    tpu.enqueue_dma source(%dma_start3A_66 : memref<64x128xf32, #tpu.memory_space<hbm>>) target(%arg16 : memref<64x128xf32, #tpu.memory_space<vmem>>) target_semaphore(%arg22 : memref<!tpu.dma_semaphore, #tpu.memory_space<semaphore_mem>>)
    %broadcast_in_dim3A = arith.constant 0.000000e+00 : f32
    %broadcast_in_dim3A_67 = vector.broadcast %broadcast_in_dim3A : f32 to vector<16xf32>
    %scan3A = arith.constant 0 : i32
    %scan3A_68 = arith.constant 32 : i32
    %scan3A_69 = arith.addi %scan3A, %scan3A_68 : i32
    %scan3A_70 = arith.constant 1 : i32
    %scan3A_71 = scf.for %scan3A_159 = %scan3A to %scan3A_69 step %scan3A_70 iter_args(%scan3A_160 = %broadcast_in_dim3A_67) -> (vector<16xf32>)  : i32 {
      %mul3A_161 = arith.constant 16 : i32
      %mul3A_162 = arith.muli %scan3A_159, %mul3A_161 : i32
      %get3A_163 = arith.index_cast %mul3A_162 : i32 to index
      %get3A_164 = tpu.vector_load %arg8[%get3A_163] {strides = array<i32>} : memref<512xi32, #tpu.memory_space<vmem>>, vector<16xi32>,
      %get3A_165 = arith.index_cast %mul3A_162 : i32 to index
      %get3A_166 = tpu.vector_load %arg9[%get3A_165] {strides = array<i32>} : memref<512xi32, #tpu.memory_space<vmem>>, vector<16xi32>,
      %add3A_167 = arith.constant 1 : i32
      %add3A_168 = arith.addi %scan3A_159, %add3A_167 : i32
      %min3A = arith.constant 31 : i32
      %min3A_169 = arith.minsi %add3A_168, %min3A : i32
      %mul3A_170 = arith.constant 16 : i32
      %mul3A_171 = arith.muli %min3A_169, %mul3A_170 : i32
      %get3A_172 = arith.index_cast %mul3A_171 : i32 to index
      %get3A_173 = tpu.vector_load %arg8[%get3A_172] {strides = array<i32>} : memref<512xi32, #tpu.memory_space<vmem>>, vector<16xi32>,
      %get3A_174 = arith.index_cast %mul3A_171 : i32 to index
      %get3A_175 = tpu.vector_load %arg9[%get3A_174] {strides = array<i32>} : memref<512xi32, #tpu.memory_space<vmem>>, vector<16xi32>,
      %broadcast_in_dim3A_176 = arith.constant 0.000000e+00 : f32
      %broadcast_in_dim3A_177 = vector.broadcast %broadcast_in_dim3A_176 : f32 to vector<16xf32>
      %slice3A_178 = vector.extract_strided_slice %get3A_164 {offsets = [3], sizes = [1], strides = [1]} : vector<16xi32> to vector<1xi32>
      %squeeze3A_179 = vector.extract %slice3A_178[0] : i32 from vector<1xi32>
      %shift_right_arithmetic3A_180 = arith.constant 7 : i32
      %shift_right_arithmetic3A_181 = arith.shrsi %squeeze3A_179, %shift_right_arithmetic3A_180 : i32
      %mul3A_182 = arith.constant 128 : i32
      %mul3A_183 = arith.muli %shift_right_arithmetic3A_181, %mul3A_182 : i32
      %multiple_of3A_184 = tpu.assume_multiple %mul3A_183, 128 : i32
      %slice3A_185 = vector.extract_strided_slice %get3A_166 {offsets = [3], sizes = [1], strides = [1]} : vector<16xi32> to vector<1xi32>
      %squeeze3A_186 = vector.extract %slice3A_185[0] : i32 from vector<1xi32>
      %shift_right_arithmetic3A_187 = arith.constant 7 : i32
      %shift_right_arithmetic3A_188 = arith.shrsi %squeeze3A_186, %shift_right_arithmetic3A_187 : i32
      %mul3A_189 = arith.constant 128 : i32
      %mul3A_190 = arith.muli %shift_right_arithmetic3A_188, %mul3A_189 : i32
      %multiple_of3A_191 = tpu.assume_multiple %mul3A_190, 128 : i32
      %dma_start3A_192 = arith.constant 0 : i32
      %dma_start3A_193 = tpu.memref_slice %arg5[%dma_start3A_192, %multiple_of3A_184] : memref<64x1000000xf32, #tpu.memory_space<hbm>> -> memref<64x128xf32, #tpu.memory_space<hbm>>
      %dma_start3A_194 = arith.constant 0 : i32
      %dma_start3A_195 = tpu.memref_slice %arg5[%dma_start3A_194, %multiple_of3A_184] : memref<64x1000000xf32, #tpu.memory_space<hbm>> -> memref<64x128xf32, #tpu.memory_space<hbm>>
      tpu.enqueue_dma source(%dma_start3A_195 : memref<64x128xf32, #tpu.memory_space<hbm>>) target(%arg13 : memref<64x128xf32, #tpu.memory_space<vmem>>) target_semaphore(%arg23 : memref<!tpu.dma_semaphore, #tpu.memory_space<semaphore_mem>>)
      %dma_start3A_196 = arith.constant 0 : i32
      %dma_start3A_197 = tpu.memref_slice %arg6[%dma_start3A_196, %multiple_of3A_191] : memref<64x1000000xf32, #tpu.memory_space<hbm>> -> memref<64x128xf32, #tpu.memory_space<hbm>>
      %dma_start3A_198 = arith.constant 0 : i32
      %dma_start3A_199 = tpu.memref_slice %arg6[%dma_start3A_198, %multiple_of3A_191] : memref<64x1000000xf32, #tpu.memory_space<hbm>> -> memref<64x128xf32, #tpu.memory_space<hbm>>
      tpu.enqueue_dma source(%dma_start3A_199 : memref<64x128xf32, #tpu.memory_space<hbm>>) target(%arg17 : memref<64x128xf32, #tpu.memory_space<vmem>>) target_semaphore(%arg23 : memref<!tpu.dma_semaphore, #tpu.memory_space<semaphore_mem>>)
      %slice3A_200 = vector.extract_strided_slice %get3A_164 {offsets = [0], sizes = [1], strides = [1]} : vector<16xi32> to vector<1xi32>
      %squeeze3A_201 = vector.extract %slice3A_200[0] : i32 from vector<1xi32>
      %shift_right_arithmetic3A_202 = arith.constant 7 : i32
      %shift_right_arithmetic3A_203 = arith.shrsi %squeeze3A_201, %shift_right_arithmetic3A_202 : i32
      %mul3A_204 = arith.constant 128 : i32
      %mul3A_205 = arith.muli %shift_right_arithmetic3A_203, %mul3A_204 : i32
      %multiple_of3A_206 = tpu.assume_multiple %mul3A_205, 128 : i32
      %slice3A_207 = vector.extract_strided_slice %get3A_166 {offsets = [0], sizes = [1], strides = [1]} : vector<16xi32> to vector<1xi32>
      %squeeze3A_208 = vector.extract %slice3A_207[0] : i32 from vector<1xi32>
      %shift_right_arithmetic3A_209 = arith.constant 7 : i32
      %shift_right_arithmetic3A_210 = arith.shrsi %squeeze3A_208, %shift_right_arithmetic3A_209 : i32
      %mul3A_211 = arith.constant 128 : i32
      %mul3A_212 = arith.muli %shift_right_arithmetic3A_210, %mul3A_211 : i32
      %multiple_of3A_213 = tpu.assume_multiple %mul3A_212, 128 : i32
      %dma_wait3A_214 = arith.constant 0 : i32
      %dma_wait3A_215 = tpu.memref_slice %arg5[%dma_wait3A_214, %multiple_of3A_206] : memref<64x1000000xf32, #tpu.memory_space<hbm>> -> memref<64x128xf32, #tpu.memory_space<hbm>>
      %dma_wait3A_216 = arith.constant 0 : i32
      %dma_wait3A_217 = tpu.memref_slice %arg5[%dma_wait3A_216, %multiple_of3A_206] : memref<64x1000000xf32, #tpu.memory_space<hbm>> -> memref<64x128xf32, #tpu.memory_space<hbm>>
      tpu.wait_dma2 semaphore(%arg20 : memref<!tpu.dma_semaphore, #tpu.memory_space<semaphore_mem>>) src(%dma_wait3A_217 : memref<64x128xf32, #tpu.memory_space<hbm>>) dst(%arg10 : memref<64x128xf32, #tpu.memory_space<vmem>>)
      %dma_wait3A_218 = arith.constant 0 : i32
      %dma_wait3A_219 = tpu.memref_slice %arg6[%dma_wait3A_218, %multiple_of3A_213] : memref<64x1000000xf32, #tpu.memory_space<hbm>> -> memref<64x128xf32, #tpu.memory_space<hbm>>
      %dma_wait3A_220 = arith.constant 0 : i32
      %dma_wait3A_221 = tpu.memref_slice %arg6[%dma_wait3A_220, %multiple_of3A_213] : memref<64x1000000xf32, #tpu.memory_space<hbm>> -> memref<64x128xf32, #tpu.memory_space<hbm>>
      tpu.wait_dma2 semaphore(%arg20 : memref<!tpu.dma_semaphore, #tpu.memory_space<semaphore_mem>>) src(%dma_wait3A_221 : memref<64x128xf32, #tpu.memory_space<hbm>>) dst(%arg14 : memref<64x128xf32, #tpu.memory_space<vmem>>)
      %slice3A_222 = vector.extract_strided_slice %get3A_164 {offsets = [0], sizes = [1], strides = [1]} : vector<16xi32> to vector<1xi32>
      %squeeze3A_223 = vector.extract %slice3A_222[0] : i32 from vector<1xi32>
      %and3A = arith.constant 127 : i32
      %and3A_224 = arith.andi %squeeze3A_223, %and3A : i32
      %broadcast_in_dim3A_225 = vector.broadcast %and3A_224 : i32 to vector<16xi32>
      %slice3A_226 = vector.extract_strided_slice %get3A_166 {offsets = [0], sizes = [1], strides = [1]} : vector<16xi32> to vector<1xi32>
      %squeeze3A_227 = vector.extract %slice3A_226[0] : i32 from vector<1xi32>
      %and3A_228 = arith.constant 127 : i32
      %and3A_229 = arith.andi %squeeze3A_227, %and3A_228 : i32
      %broadcast_in_dim3A_230 = vector.broadcast %and3A_229 : i32 to vector<16xi32>
      %broadcast_in_dim3A_231 = arith.constant 0.000000e+00 : f32
      %broadcast_in_dim3A_232 = vector.broadcast %broadcast_in_dim3A_231 : f32 to vector<16xf32>
      %add3A_233 = arith.constant 0 : i32
      %add3A_234 = vector.broadcast %add3A_233 : i32 to vector<16xi32>
      %add3A_235 = arith.addi %add3A_234, %iota3A : vector<16xi32>
      %gather3A = tpu.vector_load_idx %arg10[%add3A_235, %broadcast_in_dim3A_225] : memref<64x128xf32, #tpu.memory_space<vmem>>[vector<16xi32>, vector<16xi32>], vector<16xf32>,
      %gather3A_236 = tpu.vector_load_idx %arg14[%add3A_235, %broadcast_in_dim3A_230] : memref<64x128xf32, #tpu.memory_space<vmem>>[vector<16xi32>, vector<16xi32>], vector<16xf32>,
      %mul3A_237 = arith.mulf %gather3A, %gather3A_236 : vector<16xf32>
      %add3A_238 = arith.addf %broadcast_in_dim3A_232, %mul3A_237 : vector<16xf32>
      %add3A_239 = arith.constant 16 : i32
      %add3A_240 = vector.broadcast %add3A_239 : i32 to vector<16xi32>
      %add3A_241 = arith.addi %add3A_240, %iota3A : vector<16xi32>
      %gather3A_242 = tpu.vector_load_idx %arg10[%add3A_241, %broadcast_in_dim3A_225] : memref<64x128xf32, #tpu.memory_space<vmem>>[vector<16xi32>, vector<16xi32>], vector<16xf32>,
      %gather3A_243 = tpu.vector_load_idx %arg14[%add3A_241, %broadcast_in_dim3A_230] : memref<64x128xf32, #tpu.memory_space<vmem>>[vector<16xi32>, vector<16xi32>], vector<16xf32>,
      %mul3A_244 = arith.mulf %gather3A_242, %gather3A_243 : vector<16xf32>
      %add3A_245 = arith.addf %add3A_238, %mul3A_244 : vector<16xf32>
      %add3A_246 = arith.constant 32 : i32
      %add3A_247 = vector.broadcast %add3A_246 : i32 to vector<16xi32>
      %add3A_248 = arith.addi %add3A_247, %iota3A : vector<16xi32>
      %gather3A_249 = tpu.vector_load_idx %arg10[%add3A_248, %broadcast_in_dim3A_225] : memref<64x128xf32, #tpu.memory_space<vmem>>[vector<16xi32>, vector<16xi32>], vector<16xf32>,
      %gather3A_250 = tpu.vector_load_idx %arg14[%add3A_248, %broadcast_in_dim3A_230] : memref<64x128xf32, #tpu.memory_space<vmem>>[vector<16xi32>, vector<16xi32>], vector<16xf32>,
      %mul3A_251 = arith.mulf %gather3A_249, %gather3A_250 : vector<16xf32>
      %add3A_252 = arith.addf %add3A_245, %mul3A_251 : vector<16xf32>
      %add3A_253 = arith.constant 48 : i32
      %add3A_254 = vector.broadcast %add3A_253 : i32 to vector<16xi32>
      %add3A_255 = arith.addi %add3A_254, %iota3A : vector<16xi32>
      %gather3A_256 = tpu.vector_load_idx %arg10[%add3A_255, %broadcast_in_dim3A_225] : memref<64x128xf32, #tpu.memory_space<vmem>>[vector<16xi32>, vector<16xi32>], vector<16xf32>,
      %gather3A_257 = tpu.vector_load_idx %arg14[%add3A_255, %broadcast_in_dim3A_230] : memref<64x128xf32, #tpu.memory_space<vmem>>[vector<16xi32>, vector<16xi32>], vector<16xf32>,
      %mul3A_258 = arith.mulf %gather3A_256, %gather3A_257 : vector<16xf32>
      %add3A_259 = arith.addf %add3A_252, %mul3A_258 : vector<16xf32>
      %reduce_sum3A = arith.constant true
      %reduce_sum3A_260 = vector.broadcast %reduce_sum3A : i1 to vector<16xi1>
      %reduce_sum3A_261 = tpu.scan <sum>, %add3A_259 masked %reduce_sum3A_260 : vector<16xf32>, vector<16xi1> -> vector<16xf32>
      %reduce_sum3A_262 = vector.extract %reduce_sum3A_261[15] : f32 from vector<16xf32>
      %eq3A = arith.constant 0 : i32
      %eq3A_263 = vector.broadcast %eq3A : i32 to vector<16xi32>
      %eq3A_264 = arith.cmpi eq, %iota3A, %eq3A_263 : vector<16xi32>
      %broadcast_in_dim3A_265 = vector.broadcast %reduce_sum3A_262 : f32 to vector<16xf32>
      %select_n3A = arith.select %eq3A_264, %broadcast_in_dim3A_265, %broadcast_in_dim3A_177 : vector<16xi1>, vector<16xf32>
      %slice3A_266 = vector.extract_strided_slice %get3A_164 {offsets = [4], sizes = [1], strides = [1]} : vector<16xi32> to vector<1xi32>
      %squeeze3A_267 = vector.extract %slice3A_266[0] : i32 from vector<1xi32>
      %shift_right_arithmetic3A_268 = arith.constant 7 : i32
      %shift_right_arithmetic3A_269 = arith.shrsi %squeeze3A_267, %shift_right_arithmetic3A_268 : i32
      %mul3A_270 = arith.constant 128 : i32
      %mul3A_271 = arith.muli %shift_right_arithmetic3A_269, %mul3A_270 : i32
      %multiple_of3A_272 = tpu.assume_multiple %mul3A_271, 128 : i32
      %slice3A_273 = vector.extract_strided_slice %get3A_166 {offsets = [4], sizes = [1], strides = [1]} : vector<16xi32> to vector<1xi32>
      %squeeze3A_274 = vector.extract %slice3A_273[0] : i32 from vector<1xi32>
      %shift_right_arithmetic3A_275 = arith.constant 7 : i32
      %shift_right_arithmetic3A_276 = arith.shrsi %squeeze3A_274, %shift_right_arithmetic3A_275 : i32
      %mul3A_277 = arith.constant 128 : i32
      %mul3A_278 = arith.muli %shift_right_arithmetic3A_276, %mul3A_277 : i32
      %multiple_of3A_279 = tpu.assume_multiple %mul3A_278, 128 : i32
      %dma_start3A_280 = arith.constant 0 : i32
      %dma_start3A_281 = tpu.memref_slice %arg5[%dma_start3A_280, %multiple_of3A_272] : memref<64x1000000xf32, #tpu.memory_space<hbm>> -> memref<64x128xf32, #tpu.memory_space<hbm>>
      %dma_start3A_282 = arith.constant 0 : i32
      %dma_start3A_283 = tpu.memref_slice %arg5[%dma_start3A_282, %multiple_of3A_272] : memref<64x1000000xf32, #tpu.memory_space<hbm>> -> memref<64x128xf32, #tpu.memory_space<hbm>>
      tpu.enqueue_dma source(%dma_start3A_283 : memref<64x128xf32, #tpu.memory_space<hbm>>) target(%arg10 : memref<64x128xf32, #tpu.memory_space<vmem>>) target_semaphore(%arg20 : memref<!tpu.dma_semaphore, #tpu.memory_space<semaphore_mem>>)
      %dma_start3A_284 = arith.constant 0 : i32
      %dma_start3A_285 = tpu.memref_slice %arg6[%dma_start3A_284, %multiple_of3A_279] : memref<64x1000000xf32, #tpu.memory_space<hbm>> -> memref<64x128xf32, #tpu.memory_space<hbm>>
      %dma_start3A_286 = arith.constant 0 : i32
      %dma_start3A_287 = tpu.memref_slice %arg6[%dma_start3A_286, %multiple_of3A_279] : memref<64x1000000xf32, #tpu.memory_space<hbm>> -> memref<64x128xf32, #tpu.memory_space<hbm>>
      tpu.enqueue_dma source(%dma_start3A_287 : memref<64x128xf32, #tpu.memory_space<hbm>>) target(%arg14 : memref<64x128xf32, #tpu.memory_space<vmem>>) target_semaphore(%arg20 : memref<!tpu.dma_semaphore, #tpu.memory_space<semaphore_mem>>)
      %slice3A_288 = vector.extract_strided_slice %get3A_164 {offsets = [1], sizes = [1], strides = [1]} : vector<16xi32> to vector<1xi32>
      %squeeze3A_289 = vector.extract %slice3A_288[0] : i32 from vector<1xi32>
      %shift_right_arithmetic3A_290 = arith.constant 7 : i32
      %shift_right_arithmetic3A_291 = arith.shrsi %squeeze3A_289, %shift_right_arithmetic3A_290 : i32
      %mul3A_292 = arith.constant 128 : i32
      %mul3A_293 = arith.muli %shift_right_arithmetic3A_291, %mul3A_292 : i32
      %multiple_of3A_294 = tpu.assume_multiple %mul3A_293, 128 : i32
      %slice3A_295 = vector.extract_strided_slice %get3A_166 {offsets = [1], sizes = [1], strides = [1]} : vector<16xi32> to vector<1xi32>
      %squeeze3A_296 = vector.extract %slice3A_295[0] : i32 from vector<1xi32>
      %shift_right_arithmetic3A_297 = arith.constant 7 : i32
      %shift_right_arithmetic3A_298 = arith.shrsi %squeeze3A_296, %shift_right_arithmetic3A_297 : i32
      %mul3A_299 = arith.constant 128 : i32
      %mul3A_300 = arith.muli %shift_right_arithmetic3A_298, %mul3A_299 : i32
      %multiple_of3A_301 = tpu.assume_multiple %mul3A_300, 128 : i32
      %dma_wait3A_302 = arith.constant 0 : i32
      %dma_wait3A_303 = tpu.memref_slice %arg5[%dma_wait3A_302, %multiple_of3A_294] : memref<64x1000000xf32, #tpu.memory_space<hbm>> -> memref<64x128xf32, #tpu.memory_space<hbm>>
      %dma_wait3A_304 = arith.constant 0 : i32
      %dma_wait3A_305 = tpu.memref_slice %arg5[%dma_wait3A_304, %multiple_of3A_294] : memref<64x1000000xf32, #tpu.memory_space<hbm>> -> memref<64x128xf32, #tpu.memory_space<hbm>>
      tpu.wait_dma2 semaphore(%arg21 : memref<!tpu.dma_semaphore, #tpu.memory_space<semaphore_mem>>) src(%dma_wait3A_305 : memref<64x128xf32, #tpu.memory_space<hbm>>) dst(%arg11 : memref<64x128xf32, #tpu.memory_space<vmem>>)
      %dma_wait3A_306 = arith.constant 0 : i32
      %dma_wait3A_307 = tpu.memref_slice %arg6[%dma_wait3A_306, %multiple_of3A_301] : memref<64x1000000xf32, #tpu.memory_space<hbm>> -> memref<64x128xf32, #tpu.memory_space<hbm>>
      %dma_wait3A_308 = arith.constant 0 : i32
      %dma_wait3A_309 = tpu.memref_slice %arg6[%dma_wait3A_308, %multiple_of3A_301] : memref<64x1000000xf32, #tpu.memory_space<hbm>> -> memref<64x128xf32, #tpu.memory_space<hbm>>
      tpu.wait_dma2 semaphore(%arg21 : memref<!tpu.dma_semaphore, #tpu.memory_space<semaphore_mem>>) src(%dma_wait3A_309 : memref<64x128xf32, #tpu.memory_space<hbm>>) dst(%arg15 : memref<64x128xf32, #tpu.memory_space<vmem>>)
      %slice3A_310 = vector.extract_strided_slice %get3A_164 {offsets = [1], sizes = [1], strides = [1]} : vector<16xi32> to vector<1xi32>
      %squeeze3A_311 = vector.extract %slice3A_310[0] : i32 from vector<1xi32>
      %and3A_312 = arith.constant 127 : i32
      %and3A_313 = arith.andi %squeeze3A_311, %and3A_312 : i32
      %broadcast_in_dim3A_314 = vector.broadcast %and3A_313 : i32 to vector<16xi32>
      %slice3A_315 = vector.extract_strided_slice %get3A_166 {offsets = [1], sizes = [1], strides = [1]} : vector<16xi32> to vector<1xi32>
      %squeeze3A_316 = vector.extract %slice3A_315[0] : i32 from vector<1xi32>
      %and3A_317 = arith.constant 127 : i32
      %and3A_318 = arith.andi %squeeze3A_316, %and3A_317 : i32
      %broadcast_in_dim3A_319 = vector.broadcast %and3A_318 : i32 to vector<16xi32>
      %broadcast_in_dim3A_320 = arith.constant 0.000000e+00 : f32
      %broadcast_in_dim3A_321 = vector.broadcast %broadcast_in_dim3A_320 : f32 to vector<16xf32>
      %add3A_322 = arith.constant 0 : i32
      %add3A_323 = vector.broadcast %add3A_322 : i32 to vector<16xi32>
      %add3A_324 = arith.addi %add3A_323, %iota3A : vector<16xi32>
      %gather3A_325 = tpu.vector_load_idx %arg11[%add3A_324, %broadcast_in_dim3A_314] : memref<64x128xf32, #tpu.memory_space<vmem>>[vector<16xi32>, vector<16xi32>], vector<16xf32>,
      %gather3A_326 = tpu.vector_load_idx %arg15[%add3A_324, %broadcast_in_dim3A_319] : memref<64x128xf32, #tpu.memory_space<vmem>>[vector<16xi32>, vector<16xi32>], vector<16xf32>,
      %mul3A_327 = arith.mulf %gather3A_325, %gather3A_326 : vector<16xf32>
      %add3A_328 = arith.addf %broadcast_in_dim3A_321, %mul3A_327 : vector<16xf32>
      %add3A_329 = arith.constant 16 : i32
      %add3A_330 = vector.broadcast %add3A_329 : i32 to vector<16xi32>
      %add3A_331 = arith.addi %add3A_330, %iota3A : vector<16xi32>
      %gather3A_332 = tpu.vector_load_idx %arg11[%add3A_331, %broadcast_in_dim3A_314] : memref<64x128xf32, #tpu.memory_space<vmem>>[vector<16xi32>, vector<16xi32>], vector<16xf32>,
      %gather3A_333 = tpu.vector_load_idx %arg15[%add3A_331, %broadcast_in_dim3A_319] : memref<64x128xf32, #tpu.memory_space<vmem>>[vector<16xi32>, vector<16xi32>], vector<16xf32>,
      %mul3A_334 = arith.mulf %gather3A_332, %gather3A_333 : vector<16xf32>
      %add3A_335 = arith.addf %add3A_328, %mul3A_334 : vector<16xf32>
      %add3A_336 = arith.constant 32 : i32
      %add3A_337 = vector.broadcast %add3A_336 : i32 to vector<16xi32>
      %add3A_338 = arith.addi %add3A_337, %iota3A : vector<16xi32>
      %gather3A_339 = tpu.vector_load_idx %arg11[%add3A_338, %broadcast_in_dim3A_314] : memref<64x128xf32, #tpu.memory_space<vmem>>[vector<16xi32>, vector<16xi32>], vector<16xf32>,
      %gather3A_340 = tpu.vector_load_idx %arg15[%add3A_338, %broadcast_in_dim3A_319] : memref<64x128xf32, #tpu.memory_space<vmem>>[vector<16xi32>, vector<16xi32>], vector<16xf32>,
      %mul3A_341 = arith.mulf %gather3A_339, %gather3A_340 : vector<16xf32>
      %add3A_342 = arith.addf %add3A_335, %mul3A_341 : vector<16xf32>
      %add3A_343 = arith.constant 48 : i32
      %add3A_344 = vector.broadcast %add3A_343 : i32 to vector<16xi32>
      %add3A_345 = arith.addi %add3A_344, %iota3A : vector<16xi32>
      %gather3A_346 = tpu.vector_load_idx %arg11[%add3A_345, %broadcast_in_dim3A_314] : memref<64x128xf32, #tpu.memory_space<vmem>>[vector<16xi32>, vector<16xi32>], vector<16xf32>,
      %gather3A_347 = tpu.vector_load_idx %arg15[%add3A_345, %broadcast_in_dim3A_319] : memref<64x128xf32, #tpu.memory_space<vmem>>[vector<16xi32>, vector<16xi32>], vector<16xf32>,
      %mul3A_348 = arith.mulf %gather3A_346, %gather3A_347 : vector<16xf32>
      %add3A_349 = arith.addf %add3A_342, %mul3A_348 : vector<16xf32>
      %reduce_sum3A_350 = arith.constant true
      %reduce_sum3A_351 = vector.broadcast %reduce_sum3A_350 : i1 to vector<16xi1>
      %reduce_sum3A_352 = tpu.scan <sum>, %add3A_349 masked %reduce_sum3A_351 : vector<16xf32>, vector<16xi1> -> vector<16xf32>
      %reduce_sum3A_353 = vector.extract %reduce_sum3A_352[15] : f32 from vector<16xf32>
      %eq3A_354 = arith.constant 1 : i32
      %eq3A_355 = vector.broadcast %eq3A_354 : i32 to vector<16xi32>
      %eq3A_356 = arith.cmpi eq, %iota3A, %eq3A_355 : vector<16xi32>
      %broadcast_in_dim3A_357 = vector.broadcast %reduce_sum3A_353 : f32 to vector<16xf32>
      %select_n3A_358 = arith.select %eq3A_356, %broadcast_in_dim3A_357, %select_n3A : vector<16xi1>, vector<16xf32>
      %slice3A_359 = vector.extract_strided_slice %get3A_164 {offsets = [5], sizes = [1], strides = [1]} : vector<16xi32> to vector<1xi32>
      %squeeze3A_360 = vector.extract %slice3A_359[0] : i32 from vector<1xi32>
      %shift_right_arithmetic3A_361 = arith.constant 7 : i32
      %shift_right_arithmetic3A_362 = arith.shrsi %squeeze3A_360, %shift_right_arithmetic3A_361 : i32
      %mul3A_363 = arith.constant 128 : i32
      %mul3A_364 = arith.muli %shift_right_arithmetic3A_362, %mul3A_363 : i32
      %multiple_of3A_365 = tpu.assume_multiple %mul3A_364, 128 : i32
      %slice3A_366 = vector.extract_strided_slice %get3A_166 {offsets = [5], sizes = [1], strides = [1]} : vector<16xi32> to vector<1xi32>
      %squeeze3A_367 = vector.extract %slice3A_366[0] : i32 from vector<1xi32>
      %shift_right_arithmetic3A_368 = arith.constant 7 : i32
      %shift_right_arithmetic3A_369 = arith.shrsi %squeeze3A_367, %shift_right_arithmetic3A_368 : i32
      %mul3A_370 = arith.constant 128 : i32
      %mul3A_371 = arith.muli %shift_right_arithmetic3A_369, %mul3A_370 : i32
      %multiple_of3A_372 = tpu.assume_multiple %mul3A_371, 128 : i32
      %dma_start3A_373 = arith.constant 0 : i32
      %dma_start3A_374 = tpu.memref_slice %arg5[%dma_start3A_373, %multiple_of3A_365] : memref<64x1000000xf32, #tpu.memory_space<hbm>> -> memref<64x128xf32, #tpu.memory_space<hbm>>
      %dma_start3A_375 = arith.constant 0 : i32
      %dma_start3A_376 = tpu.memref_slice %arg5[%dma_start3A_375, %multiple_of3A_365] : memref<64x1000000xf32, #tpu.memory_space<hbm>> -> memref<64x128xf32, #tpu.memory_space<hbm>>
      tpu.enqueue_dma source(%dma_start3A_376 : memref<64x128xf32, #tpu.memory_space<hbm>>) target(%arg11 : memref<64x128xf32, #tpu.memory_space<vmem>>) target_semaphore(%arg21 : memref<!tpu.dma_semaphore, #tpu.memory_space<semaphore_mem>>)
      %dma_start3A_377 = arith.constant 0 : i32
      %dma_start3A_378 = tpu.memref_slice %arg6[%dma_start3A_377, %multiple_of3A_372] : memref<64x1000000xf32, #tpu.memory_space<hbm>> -> memref<64x128xf32, #tpu.memory_space<hbm>>
      %dma_start3A_379 = arith.constant 0 : i32
      %dma_start3A_380 = tpu.memref_slice %arg6[%dma_start3A_379, %multiple_of3A_372] : memref<64x1000000xf32, #tpu.memory_space<hbm>> -> memref<64x128xf32, #tpu.memory_space<hbm>>
      tpu.enqueue_dma source(%dma_start3A_380 : memref<64x128xf32, #tpu.memory_space<hbm>>) target(%arg15 : memref<64x128xf32, #tpu.memory_space<vmem>>) target_semaphore(%arg21 : memref<!tpu.dma_semaphore, #tpu.memory_space<semaphore_mem>>)
      %slice3A_381 = vector.extract_strided_slice %get3A_164 {offsets = [2], sizes = [1], strides = [1]} : vector<16xi32> to vector<1xi32>
      %squeeze3A_382 = vector.extract %slice3A_381[0] : i32 from vector<1xi32>
      %shift_right_arithmetic3A_383 = arith.constant 7 : i32
      %shift_right_arithmetic3A_384 = arith.shrsi %squeeze3A_382, %shift_right_arithmetic3A_383 : i32
      %mul3A_385 = arith.constant 128 : i32
      %mul3A_386 = arith.muli %shift_right_arithmetic3A_384, %mul3A_385 : i32
      %multiple_of3A_387 = tpu.assume_multiple %mul3A_386, 128 : i32
      %slice3A_388 = vector.extract_strided_slice %get3A_166 {offsets = [2], sizes = [1], strides = [1]} : vector<16xi32> to vector<1xi32>
      %squeeze3A_389 = vector.extract %slice3A_388[0] : i32 from vector<1xi32>
      %shift_right_arithmetic3A_390 = arith.constant 7 : i32
      %shift_right_arithmetic3A_391 = arith.shrsi %squeeze3A_389, %shift_right_arithmetic3A_390 : i32
      %mul3A_392 = arith.constant 128 : i32
      %mul3A_393 = arith.muli %shift_right_arithmetic3A_391, %mul3A_392 : i32
      %multiple_of3A_394 = tpu.assume_multiple %mul3A_393, 128 : i32
      %dma_wait3A_395 = arith.constant 0 : i32
      %dma_wait3A_396 = tpu.memref_slice %arg5[%dma_wait3A_395, %multiple_of3A_387] : memref<64x1000000xf32, #tpu.memory_space<hbm>> -> memref<64x128xf32, #tpu.memory_space<hbm>>
      %dma_wait3A_397 = arith.constant 0 : i32
      %dma_wait3A_398 = tpu.memref_slice %arg5[%dma_wait3A_397, %multiple_of3A_387] : memref<64x1000000xf32, #tpu.memory_space<hbm>> -> memref<64x128xf32, #tpu.memory_space<hbm>>
      tpu.wait_dma2 semaphore(%arg22 : memref<!tpu.dma_semaphore, #tpu.memory_space<semaphore_mem>>) src(%dma_wait3A_398 : memref<64x128xf32, #tpu.memory_space<hbm>>) dst(%arg12 : memref<64x128xf32, #tpu.memory_space<vmem>>)
      %dma_wait3A_399 = arith.constant 0 : i32
      %dma_wait3A_400 = tpu.memref_slice %arg6[%dma_wait3A_399, %multiple_of3A_394] : memref<64x1000000xf32, #tpu.memory_space<hbm>> -> memref<64x128xf32, #tpu.memory_space<hbm>>
      %dma_wait3A_401 = arith.constant 0 : i32
      %dma_wait3A_402 = tpu.memref_slice %arg6[%dma_wait3A_401, %multiple_of3A_394] : memref<64x1000000xf32, #tpu.memory_space<hbm>> -> memref<64x128xf32, #tpu.memory_space<hbm>>
      tpu.wait_dma2 semaphore(%arg22 : memref<!tpu.dma_semaphore, #tpu.memory_space<semaphore_mem>>) src(%dma_wait3A_402 : memref<64x128xf32, #tpu.memory_space<hbm>>) dst(%arg16 : memref<64x128xf32, #tpu.memory_space<vmem>>)
      %slice3A_403 = vector.extract_strided_slice %get3A_164 {offsets = [2], sizes = [1], strides = [1]} : vector<16xi32> to vector<1xi32>
      %squeeze3A_404 = vector.extract %slice3A_403[0] : i32 from vector<1xi32>
      %and3A_405 = arith.constant 127 : i32
      %and3A_406 = arith.andi %squeeze3A_404, %and3A_405 : i32
      %broadcast_in_dim3A_407 = vector.broadcast %and3A_406 : i32 to vector<16xi32>
      %slice3A_408 = vector.extract_strided_slice %get3A_166 {offsets = [2], sizes = [1], strides = [1]} : vector<16xi32> to vector<1xi32>
      %squeeze3A_409 = vector.extract %slice3A_408[0] : i32 from vector<1xi32>
      %and3A_410 = arith.constant 127 : i32
      %and3A_411 = arith.andi %squeeze3A_409, %and3A_410 : i32
      %broadcast_in_dim3A_412 = vector.broadcast %and3A_411 : i32 to vector<16xi32>
      %broadcast_in_dim3A_413 = arith.constant 0.000000e+00 : f32
      %broadcast_in_dim3A_414 = vector.broadcast %broadcast_in_dim3A_413 : f32 to vector<16xf32>
      %add3A_415 = arith.constant 0 : i32
      %add3A_416 = vector.broadcast %add3A_415 : i32 to vector<16xi32>
      %add3A_417 = arith.addi %add3A_416, %iota3A : vector<16xi32>
      %gather3A_418 = tpu.vector_load_idx %arg12[%add3A_417, %broadcast_in_dim3A_407] : memref<64x128xf32, #tpu.memory_space<vmem>>[vector<16xi32>, vector<16xi32>], vector<16xf32>,
      %gather3A_419 = tpu.vector_load_idx %arg16[%add3A_417, %broadcast_in_dim3A_412] : memref<64x128xf32, #tpu.memory_space<vmem>>[vector<16xi32>, vector<16xi32>], vector<16xf32>,
      %mul3A_420 = arith.mulf %gather3A_418, %gather3A_419 : vector<16xf32>
      %add3A_421 = arith.addf %broadcast_in_dim3A_414, %mul3A_420 : vector<16xf32>
      %add3A_422 = arith.constant 16 : i32
      %add3A_423 = vector.broadcast %add3A_422 : i32 to vector<16xi32>
      %add3A_424 = arith.addi %add3A_423, %iota3A : vector<16xi32>
      %gather3A_425 = tpu.vector_load_idx %arg12[%add3A_424, %broadcast_in_dim3A_407] : memref<64x128xf32, #tpu.memory_space<vmem>>[vector<16xi32>, vector<16xi32>], vector<16xf32>,
      %gather3A_426 = tpu.vector_load_idx %arg16[%add3A_424, %broadcast_in_dim3A_412] : memref<64x128xf32, #tpu.memory_space<vmem>>[vector<16xi32>, vector<16xi32>], vector<16xf32>,
      %mul3A_427 = arith.mulf %gather3A_425, %gather3A_426 : vector<16xf32>
      %add3A_428 = arith.addf %add3A_421, %mul3A_427 : vector<16xf32>
      %add3A_429 = arith.constant 32 : i32
      %add3A_430 = vector.broadcast %add3A_429 : i32 to vector<16xi32>
      %add3A_431 = arith.addi %add3A_430, %iota3A : vector<16xi32>
      %gather3A_432 = tpu.vector_load_idx %arg12[%add3A_431, %broadcast_in_dim3A_407] : memref<64x128xf32, #tpu.memory_space<vmem>>[vector<16xi32>, vector<16xi32>], vector<16xf32>,
      %gather3A_433 = tpu.vector_load_idx %arg16[%add3A_431, %broadcast_in_dim3A_412] : memref<64x128xf32, #tpu.memory_space<vmem>>[vector<16xi32>, vector<16xi32>], vector<16xf32>,
      %mul3A_434 = arith.mulf %gather3A_432, %gather3A_433 : vector<16xf32>
      %add3A_435 = arith.addf %add3A_428, %mul3A_434 : vector<16xf32>
      %add3A_436 = arith.constant 48 : i32
      %add3A_437 = vector.broadcast %add3A_436 : i32 to vector<16xi32>
      %add3A_438 = arith.addi %add3A_437, %iota3A : vector<16xi32>
      %gather3A_439 = tpu.vector_load_idx %arg12[%add3A_438, %broadcast_in_dim3A_407] : memref<64x128xf32, #tpu.memory_space<vmem>>[vector<16xi32>, vector<16xi32>], vector<16xf32>,
      %gather3A_440 = tpu.vector_load_idx %arg16[%add3A_438, %broadcast_in_dim3A_412] : memref<64x128xf32, #tpu.memory_space<vmem>>[vector<16xi32>, vector<16xi32>], vector<16xf32>,
      %mul3A_441 = arith.mulf %gather3A_439, %gather3A_440 : vector<16xf32>
      %add3A_442 = arith.addf %add3A_435, %mul3A_441 : vector<16xf32>
      %reduce_sum3A_443 = arith.constant true
      %reduce_sum3A_444 = vector.broadcast %reduce_sum3A_443 : i1 to vector<16xi1>
      %reduce_sum3A_445 = tpu.scan <sum>, %add3A_442 masked %reduce_sum3A_444 : vector<16xf32>, vector<16xi1> -> vector<16xf32>
      %reduce_sum3A_446 = vector.extract %reduce_sum3A_445[15] : f32 from vector<16xf32>
      %eq3A_447 = arith.constant 2 : i32
      %eq3A_448 = vector.broadcast %eq3A_447 : i32 to vector<16xi32>
      %eq3A_449 = arith.cmpi eq, %iota3A, %eq3A_448 : vector<16xi32>
      %broadcast_in_dim3A_450 = vector.broadcast %reduce_sum3A_446 : f32 to vector<16xf32>
      %select_n3A_451 = arith.select %eq3A_449, %broadcast_in_dim3A_450, %select_n3A_358 : vector<16xi1>, vector<16xf32>
      %slice3A_452 = vector.extract_strided_slice %get3A_164 {offsets = [6], sizes = [1], strides = [1]} : vector<16xi32> to vector<1xi32>
      %squeeze3A_453 = vector.extract %slice3A_452[0] : i32 from vector<1xi32>
      %shift_right_arithmetic3A_454 = arith.constant 7 : i32
      %shift_right_arithmetic3A_455 = arith.shrsi %squeeze3A_453, %shift_right_arithmetic3A_454 : i32
      %mul3A_456 = arith.constant 128 : i32
      %mul3A_457 = arith.muli %shift_right_arithmetic3A_455, %mul3A_456 : i32
      %multiple_of3A_458 = tpu.assume_multiple %mul3A_457, 128 : i32
      %slice3A_459 = vector.extract_strided_slice %get3A_166 {offsets = [6], sizes = [1], strides = [1]} : vector<16xi32> to vector<1xi32>
      %squeeze3A_460 = vector.extract %slice3A_459[0] : i32 from vector<1xi32>
      %shift_right_arithmetic3A_461 = arith.constant 7 : i32
      %shift_right_arithmetic3A_462 = arith.shrsi %squeeze3A_460, %shift_right_arithmetic3A_461 : i32
      %mul3A_463 = arith.constant 128 : i32
      %mul3A_464 = arith.muli %shift_right_arithmetic3A_462, %mul3A_463 : i32
      %multiple_of3A_465 = tpu.assume_multiple %mul3A_464, 128 : i32
      %dma_start3A_466 = arith.constant 0 : i32
      %dma_start3A_467 = tpu.memref_slice %arg5[%dma_start3A_466, %multiple_of3A_458] : memref<64x1000000xf32, #tpu.memory_space<hbm>> -> memref<64x128xf32, #tpu.memory_space<hbm>>
      %dma_start3A_468 = arith.constant 0 : i32
      %dma_start3A_469 = tpu.memref_slice %arg5[%dma_start3A_468, %multiple_of3A_458] : memref<64x1000000xf32, #tpu.memory_space<hbm>> -> memref<64x128xf32, #tpu.memory_space<hbm>>
      tpu.enqueue_dma source(%dma_start3A_469 : memref<64x128xf32, #tpu.memory_space<hbm>>) target(%arg12 : memref<64x128xf32, #tpu.memory_space<vmem>>) target_semaphore(%arg22 : memref<!tpu.dma_semaphore, #tpu.memory_space<semaphore_mem>>)
      %dma_start3A_470 = arith.constant 0 : i32
      %dma_start3A_471 = tpu.memref_slice %arg6[%dma_start3A_470, %multiple_of3A_465] : memref<64x1000000xf32, #tpu.memory_space<hbm>> -> memref<64x128xf32, #tpu.memory_space<hbm>>
      %dma_start3A_472 = arith.constant 0 : i32
      %dma_start3A_473 = tpu.memref_slice %arg6[%dma_start3A_472, %multiple_of3A_465] : memref<64x1000000xf32, #tpu.memory_space<hbm>> -> memref<64x128xf32, #tpu.memory_space<hbm>>
      tpu.enqueue_dma source(%dma_start3A_473 : memref<64x128xf32, #tpu.memory_space<hbm>>) target(%arg16 : memref<64x128xf32, #tpu.memory_space<vmem>>) target_semaphore(%arg22 : memref<!tpu.dma_semaphore, #tpu.memory_space<semaphore_mem>>)
      %slice3A_474 = vector.extract_strided_slice %get3A_164 {offsets = [3], sizes = [1], strides = [1]} : vector<16xi32> to vector<1xi32>
      %squeeze3A_475 = vector.extract %slice3A_474[0] : i32 from vector<1xi32>
      %shift_right_arithmetic3A_476 = arith.constant 7 : i32
      %shift_right_arithmetic3A_477 = arith.shrsi %squeeze3A_475, %shift_right_arithmetic3A_476 : i32
      %mul3A_478 = arith.constant 128 : i32
      %mul3A_479 = arith.muli %shift_right_arithmetic3A_477, %mul3A_478 : i32
      %multiple_of3A_480 = tpu.assume_multiple %mul3A_479, 128 : i32
      %slice3A_481 = vector.extract_strided_slice %get3A_166 {offsets = [3], sizes = [1], strides = [1]} : vector<16xi32> to vector<1xi32>
      %squeeze3A_482 = vector.extract %slice3A_481[0] : i32 from vector<1xi32>
      %shift_right_arithmetic3A_483 = arith.constant 7 : i32
      %shift_right_arithmetic3A_484 = arith.shrsi %squeeze3A_482, %shift_right_arithmetic3A_483 : i32
      %mul3A_485 = arith.constant 128 : i32
      %mul3A_486 = arith.muli %shift_right_arithmetic3A_484, %mul3A_485 : i32
      %multiple_of3A_487 = tpu.assume_multiple %mul3A_486, 128 : i32
      %dma_wait3A_488 = arith.constant 0 : i32
      %dma_wait3A_489 = tpu.memref_slice %arg5[%dma_wait3A_488, %multiple_of3A_480] : memref<64x1000000xf32, #tpu.memory_space<hbm>> -> memref<64x128xf32, #tpu.memory_space<hbm>>
      %dma_wait3A_490 = arith.constant 0 : i32
      %dma_wait3A_491 = tpu.memref_slice %arg5[%dma_wait3A_490, %multiple_of3A_480] : memref<64x1000000xf32, #tpu.memory_space<hbm>> -> memref<64x128xf32, #tpu.memory_space<hbm>>
      tpu.wait_dma2 semaphore(%arg23 : memref<!tpu.dma_semaphore, #tpu.memory_space<semaphore_mem>>) src(%dma_wait3A_491 : memref<64x128xf32, #tpu.memory_space<hbm>>) dst(%arg13 : memref<64x128xf32, #tpu.memory_space<vmem>>)
      %dma_wait3A_492 = arith.constant 0 : i32
      %dma_wait3A_493 = tpu.memref_slice %arg6[%dma_wait3A_492, %multiple_of3A_487] : memref<64x1000000xf32, #tpu.memory_space<hbm>> -> memref<64x128xf32, #tpu.memory_space<hbm>>
      %dma_wait3A_494 = arith.constant 0 : i32
      %dma_wait3A_495 = tpu.memref_slice %arg6[%dma_wait3A_494, %multiple_of3A_487] : memref<64x1000000xf32, #tpu.memory_space<hbm>> -> memref<64x128xf32, #tpu.memory_space<hbm>>
      tpu.wait_dma2 semaphore(%arg23 : memref<!tpu.dma_semaphore, #tpu.memory_space<semaphore_mem>>) src(%dma_wait3A_495 : memref<64x128xf32, #tpu.memory_space<hbm>>) dst(%arg17 : memref<64x128xf32, #tpu.memory_space<vmem>>)
      %slice3A_496 = vector.extract_strided_slice %get3A_164 {offsets = [3], sizes = [1], strides = [1]} : vector<16xi32> to vector<1xi32>
      %squeeze3A_497 = vector.extract %slice3A_496[0] : i32 from vector<1xi32>
      %and3A_498 = arith.constant 127 : i32
      %and3A_499 = arith.andi %squeeze3A_497, %and3A_498 : i32
      %broadcast_in_dim3A_500 = vector.broadcast %and3A_499 : i32 to vector<16xi32>
      %slice3A_501 = vector.extract_strided_slice %get3A_166 {offsets = [3], sizes = [1], strides = [1]} : vector<16xi32> to vector<1xi32>
      %squeeze3A_502 = vector.extract %slice3A_501[0] : i32 from vector<1xi32>
      %and3A_503 = arith.constant 127 : i32
      %and3A_504 = arith.andi %squeeze3A_502, %and3A_503 : i32
      %broadcast_in_dim3A_505 = vector.broadcast %and3A_504 : i32 to vector<16xi32>
      %broadcast_in_dim3A_506 = arith.constant 0.000000e+00 : f32
      %broadcast_in_dim3A_507 = vector.broadcast %broadcast_in_dim3A_506 : f32 to vector<16xf32>
      %add3A_508 = arith.constant 0 : i32
      %add3A_509 = vector.broadcast %add3A_508 : i32 to vector<16xi32>
      %add3A_510 = arith.addi %add3A_509, %iota3A : vector<16xi32>
      %gather3A_511 = tpu.vector_load_idx %arg13[%add3A_510, %broadcast_in_dim3A_500] : memref<64x128xf32, #tpu.memory_space<vmem>>[vector<16xi32>, vector<16xi32>], vector<16xf32>,
      %gather3A_512 = tpu.vector_load_idx %arg17[%add3A_510, %broadcast_in_dim3A_505] : memref<64x128xf32, #tpu.memory_space<vmem>>[vector<16xi32>, vector<16xi32>], vector<16xf32>,
      %mul3A_513 = arith.mulf %gather3A_511, %gather3A_512 : vector<16xf32>
      %add3A_514 = arith.addf %broadcast_in_dim3A_507, %mul3A_513 : vector<16xf32>
      %add3A_515 = arith.constant 16 : i32
      %add3A_516 = vector.broadcast %add3A_515 : i32 to vector<16xi32>
      %add3A_517 = arith.addi %add3A_516, %iota3A : vector<16xi32>
      %gather3A_518 = tpu.vector_load_idx %arg13[%add3A_517, %broadcast_in_dim3A_500] : memref<64x128xf32, #tpu.memory_space<vmem>>[vector<16xi32>, vector<16xi32>], vector<16xf32>,
      %gather3A_519 = tpu.vector_load_idx %arg17[%add3A_517, %broadcast_in_dim3A_505] : memref<64x128xf32, #tpu.memory_space<vmem>>[vector<16xi32>, vector<16xi32>], vector<16xf32>,
      %mul3A_520 = arith.mulf %gather3A_518, %gather3A_519 : vector<16xf32>
      %add3A_521 = arith.addf %add3A_514, %mul3A_520 : vector<16xf32>
      %add3A_522 = arith.constant 32 : i32
      %add3A_523 = vector.broadcast %add3A_522 : i32 to vector<16xi32>
      %add3A_524 = arith.addi %add3A_523, %iota3A : vector<16xi32>
      %gather3A_525 = tpu.vector_load_idx %arg13[%add3A_524, %broadcast_in_dim3A_500] : memref<64x128xf32, #tpu.memory_space<vmem>>[vector<16xi32>, vector<16xi32>], vector<16xf32>,
      %gather3A_526 = tpu.vector_load_idx %arg17[%add3A_524, %broadcast_in_dim3A_505] : memref<64x128xf32, #tpu.memory_space<vmem>>[vector<16xi32>, vector<16xi32>], vector<16xf32>,
      %mul3A_527 = arith.mulf %gather3A_525, %gather3A_526 : vector<16xf32>
      %add3A_528 = arith.addf %add3A_521, %mul3A_527 : vector<16xf32>
      %add3A_529 = arith.constant 48 : i32
      %add3A_530 = vector.broadcast %add3A_529 : i32 to vector<16xi32>
      %add3A_531 = arith.addi %add3A_530, %iota3A : vector<16xi32>
      %gather3A_532 = tpu.vector_load_idx %arg13[%add3A_531, %broadcast_in_dim3A_500] : memref<64x128xf32, #tpu.memory_space<vmem>>[vector<16xi32>, vector<16xi32>], vector<16xf32>,
      %gather3A_533 = tpu.vector_load_idx %arg17[%add3A_531, %broadcast_in_dim3A_505] : memref<64x128xf32, #tpu.memory_space<vmem>>[vector<16xi32>, vector<16xi32>], vector<16xf32>,
      %mul3A_534 = arith.mulf %gather3A_532, %gather3A_533 : vector<16xf32>
      %add3A_535 = arith.addf %add3A_528, %mul3A_534 : vector<16xf32>
      %reduce_sum3A_536 = arith.constant true
      %reduce_sum3A_537 = vector.broadcast %reduce_sum3A_536 : i1 to vector<16xi1>
      %reduce_sum3A_538 = tpu.scan <sum>, %add3A_535 masked %reduce_sum3A_537 : vector<16xf32>, vector<16xi1> -> vector<16xf32>
      %reduce_sum3A_539 = vector.extract %reduce_sum3A_538[15] : f32 from vector<16xf32>
      %eq3A_540 = arith.constant 3 : i32
      %eq3A_541 = vector.broadcast %eq3A_540 : i32 to vector<16xi32>
      %eq3A_542 = arith.cmpi eq, %iota3A, %eq3A_541 : vector<16xi32>
      %broadcast_in_dim3A_543 = vector.broadcast %reduce_sum3A_539 : f32 to vector<16xf32>
      %select_n3A_544 = arith.select %eq3A_542, %broadcast_in_dim3A_543, %select_n3A_451 : vector<16xi1>, vector<16xf32>
      %slice3A_545 = vector.extract_strided_slice %get3A_164 {offsets = [7], sizes = [1], strides = [1]} : vector<16xi32> to vector<1xi32>
      %squeeze3A_546 = vector.extract %slice3A_545[0] : i32 from vector<1xi32>
      %shift_right_arithmetic3A_547 = arith.constant 7 : i32
      %shift_right_arithmetic3A_548 = arith.shrsi %squeeze3A_546, %shift_right_arithmetic3A_547 : i32
      %mul3A_549 = arith.constant 128 : i32
      %mul3A_550 = arith.muli %shift_right_arithmetic3A_548, %mul3A_549 : i32
      %multiple_of3A_551 = tpu.assume_multiple %mul3A_550, 128 : i32
      %slice3A_552 = vector.extract_strided_slice %get3A_166 {offsets = [7], sizes = [1], strides = [1]} : vector<16xi32> to vector<1xi32>
      %squeeze3A_553 = vector.extract %slice3A_552[0] : i32 from vector<1xi32>
      %shift_right_arithmetic3A_554 = arith.constant 7 : i32
      %shift_right_arithmetic3A_555 = arith.shrsi %squeeze3A_553, %shift_right_arithmetic3A_554 : i32
      %mul3A_556 = arith.constant 128 : i32
      %mul3A_557 = arith.muli %shift_right_arithmetic3A_555, %mul3A_556 : i32
      %multiple_of3A_558 = tpu.assume_multiple %mul3A_557, 128 : i32
      %dma_start3A_559 = arith.constant 0 : i32
      %dma_start3A_560 = tpu.memref_slice %arg5[%dma_start3A_559, %multiple_of3A_551] : memref<64x1000000xf32, #tpu.memory_space<hbm>> -> memref<64x128xf32, #tpu.memory_space<hbm>>
      %dma_start3A_561 = arith.constant 0 : i32
      %dma_start3A_562 = tpu.memref_slice %arg5[%dma_start3A_561, %multiple_of3A_551] : memref<64x1000000xf32, #tpu.memory_space<hbm>> -> memref<64x128xf32, #tpu.memory_space<hbm>>
      tpu.enqueue_dma source(%dma_start3A_562 : memref<64x128xf32, #tpu.memory_space<hbm>>) target(%arg13 : memref<64x128xf32, #tpu.memory_space<vmem>>) target_semaphore(%arg23 : memref<!tpu.dma_semaphore, #tpu.memory_space<semaphore_mem>>)
      %dma_start3A_563 = arith.constant 0 : i32
      %dma_start3A_564 = tpu.memref_slice %arg6[%dma_start3A_563, %multiple_of3A_558] : memref<64x1000000xf32, #tpu.memory_space<hbm>> -> memref<64x128xf32, #tpu.memory_space<hbm>>
      %dma_start3A_565 = arith.constant 0 : i32
      %dma_start3A_566 = tpu.memref_slice %arg6[%dma_start3A_565, %multiple_of3A_558] : memref<64x1000000xf32, #tpu.memory_space<hbm>> -> memref<64x128xf32, #tpu.memory_space<hbm>>
      tpu.enqueue_dma source(%dma_start3A_566 : memref<64x128xf32, #tpu.memory_space<hbm>>) target(%arg17 : memref<64x128xf32, #tpu.memory_space<vmem>>) target_semaphore(%arg23 : memref<!tpu.dma_semaphore, #tpu.memory_space<semaphore_mem>>)
      %slice3A_567 = vector.extract_strided_slice %get3A_164 {offsets = [4], sizes = [1], strides = [1]} : vector<16xi32> to vector<1xi32>
      %squeeze3A_568 = vector.extract %slice3A_567[0] : i32 from vector<1xi32>
      %shift_right_arithmetic3A_569 = arith.constant 7 : i32
      %shift_right_arithmetic3A_570 = arith.shrsi %squeeze3A_568, %shift_right_arithmetic3A_569 : i32
      %mul3A_571 = arith.constant 128 : i32
      %mul3A_572 = arith.muli %shift_right_arithmetic3A_570, %mul3A_571 : i32
      %multiple_of3A_573 = tpu.assume_multiple %mul3A_572, 128 : i32
      %slice3A_574 = vector.extract_strided_slice %get3A_166 {offsets = [4], sizes = [1], strides = [1]} : vector<16xi32> to vector<1xi32>
      %squeeze3A_575 = vector.extract %slice3A_574[0] : i32 from vector<1xi32>
      %shift_right_arithmetic3A_576 = arith.constant 7 : i32
      %shift_right_arithmetic3A_577 = arith.shrsi %squeeze3A_575, %shift_right_arithmetic3A_576 : i32
      %mul3A_578 = arith.constant 128 : i32
      %mul3A_579 = arith.muli %shift_right_arithmetic3A_577, %mul3A_578 : i32
      %multiple_of3A_580 = tpu.assume_multiple %mul3A_579, 128 : i32
      %dma_wait3A_581 = arith.constant 0 : i32
      %dma_wait3A_582 = tpu.memref_slice %arg5[%dma_wait3A_581, %multiple_of3A_573] : memref<64x1000000xf32, #tpu.memory_space<hbm>> -> memref<64x128xf32, #tpu.memory_space<hbm>>
      %dma_wait3A_583 = arith.constant 0 : i32
      %dma_wait3A_584 = tpu.memref_slice %arg5[%dma_wait3A_583, %multiple_of3A_573] : memref<64x1000000xf32, #tpu.memory_space<hbm>> -> memref<64x128xf32, #tpu.memory_space<hbm>>
      tpu.wait_dma2 semaphore(%arg20 : memref<!tpu.dma_semaphore, #tpu.memory_space<semaphore_mem>>) src(%dma_wait3A_584 : memref<64x128xf32, #tpu.memory_space<hbm>>) dst(%arg10 : memref<64x128xf32, #tpu.memory_space<vmem>>)
      %dma_wait3A_585 = arith.constant 0 : i32
      %dma_wait3A_586 = tpu.memref_slice %arg6[%dma_wait3A_585, %multiple_of3A_580] : memref<64x1000000xf32, #tpu.memory_space<hbm>> -> memref<64x128xf32, #tpu.memory_space<hbm>>
      %dma_wait3A_587 = arith.constant 0 : i32
      %dma_wait3A_588 = tpu.memref_slice %arg6[%dma_wait3A_587, %multiple_of3A_580] : memref<64x1000000xf32, #tpu.memory_space<hbm>> -> memref<64x128xf32, #tpu.memory_space<hbm>>
      tpu.wait_dma2 semaphore(%arg20 : memref<!tpu.dma_semaphore, #tpu.memory_space<semaphore_mem>>) src(%dma_wait3A_588 : memref<64x128xf32, #tpu.memory_space<hbm>>) dst(%arg14 : memref<64x128xf32, #tpu.memory_space<vmem>>)
      %slice3A_589 = vector.extract_strided_slice %get3A_164 {offsets = [4], sizes = [1], strides = [1]} : vector<16xi32> to vector<1xi32>
      %squeeze3A_590 = vector.extract %slice3A_589[0] : i32 from vector<1xi32>
      %and3A_591 = arith.constant 127 : i32
      %and3A_592 = arith.andi %squeeze3A_590, %and3A_591 : i32
      %broadcast_in_dim3A_593 = vector.broadcast %and3A_592 : i32 to vector<16xi32>
      %slice3A_594 = vector.extract_strided_slice %get3A_166 {offsets = [4], sizes = [1], strides = [1]} : vector<16xi32> to vector<1xi32>
      %squeeze3A_595 = vector.extract %slice3A_594[0] : i32 from vector<1xi32>
      %and3A_596 = arith.constant 127 : i32
      %and3A_597 = arith.andi %squeeze3A_595, %and3A_596 : i32
      %broadcast_in_dim3A_598 = vector.broadcast %and3A_597 : i32 to vector<16xi32>
      %broadcast_in_dim3A_599 = arith.constant 0.000000e+00 : f32
      %broadcast_in_dim3A_600 = vector.broadcast %broadcast_in_dim3A_599 : f32 to vector<16xf32>
      %add3A_601 = arith.constant 0 : i32
      %add3A_602 = vector.broadcast %add3A_601 : i32 to vector<16xi32>
      %add3A_603 = arith.addi %add3A_602, %iota3A : vector<16xi32>
      %gather3A_604 = tpu.vector_load_idx %arg10[%add3A_603, %broadcast_in_dim3A_593] : memref<64x128xf32, #tpu.memory_space<vmem>>[vector<16xi32>, vector<16xi32>], vector<16xf32>,
      %gather3A_605 = tpu.vector_load_idx %arg14[%add3A_603, %broadcast_in_dim3A_598] : memref<64x128xf32, #tpu.memory_space<vmem>>[vector<16xi32>, vector<16xi32>], vector<16xf32>,
      %mul3A_606 = arith.mulf %gather3A_604, %gather3A_605 : vector<16xf32>
      %add3A_607 = arith.addf %broadcast_in_dim3A_600, %mul3A_606 : vector<16xf32>
      %add3A_608 = arith.constant 16 : i32
      %add3A_609 = vector.broadcast %add3A_608 : i32 to vector<16xi32>
      %add3A_610 = arith.addi %add3A_609, %iota3A : vector<16xi32>
      %gather3A_611 = tpu.vector_load_idx %arg10[%add3A_610, %broadcast_in_dim3A_593] : memref<64x128xf32, #tpu.memory_space<vmem>>[vector<16xi32>, vector<16xi32>], vector<16xf32>,
      %gather3A_612 = tpu.vector_load_idx %arg14[%add3A_610, %broadcast_in_dim3A_598] : memref<64x128xf32, #tpu.memory_space<vmem>>[vector<16xi32>, vector<16xi32>], vector<16xf32>,
      %mul3A_613 = arith.mulf %gather3A_611, %gather3A_612 : vector<16xf32>
      %add3A_614 = arith.addf %add3A_607, %mul3A_613 : vector<16xf32>
      %add3A_615 = arith.constant 32 : i32
      %add3A_616 = vector.broadcast %add3A_615 : i32 to vector<16xi32>
      %add3A_617 = arith.addi %add3A_616, %iota3A : vector<16xi32>
      %gather3A_618 = tpu.vector_load_idx %arg10[%add3A_617, %broadcast_in_dim3A_593] : memref<64x128xf32, #tpu.memory_space<vmem>>[vector<16xi32>, vector<16xi32>], vector<16xf32>,
      %gather3A_619 = tpu.vector_load_idx %arg14[%add3A_617, %broadcast_in_dim3A_598] : memref<64x128xf32, #tpu.memory_space<vmem>>[vector<16xi32>, vector<16xi32>], vector<16xf32>,
      %mul3A_620 = arith.mulf %gather3A_618, %gather3A_619 : vector<16xf32>
      %add3A_621 = arith.addf %add3A_614, %mul3A_620 : vector<16xf32>
      %add3A_622 = arith.constant 48 : i32
      %add3A_623 = vector.broadcast %add3A_622 : i32 to vector<16xi32>
      %add3A_624 = arith.addi %add3A_623, %iota3A : vector<16xi32>
      %gather3A_625 = tpu.vector_load_idx %arg10[%add3A_624, %broadcast_in_dim3A_593] : memref<64x128xf32, #tpu.memory_space<vmem>>[vector<16xi32>, vector<16xi32>], vector<16xf32>,
      %gather3A_626 = tpu.vector_load_idx %arg14[%add3A_624, %broadcast_in_dim3A_598] : memref<64x128xf32, #tpu.memory_space<vmem>>[vector<16xi32>, vector<16xi32>], vector<16xf32>,
      %mul3A_627 = arith.mulf %gather3A_625, %gather3A_626 : vector<16xf32>
      %add3A_628 = arith.addf %add3A_621, %mul3A_627 : vector<16xf32>
      %reduce_sum3A_629 = arith.constant true
      %reduce_sum3A_630 = vector.broadcast %reduce_sum3A_629 : i1 to vector<16xi1>
      %reduce_sum3A_631 = tpu.scan <sum>, %add3A_628 masked %reduce_sum3A_630 : vector<16xf32>, vector<16xi1> -> vector<16xf32>
      %reduce_sum3A_632 = vector.extract %reduce_sum3A_631[15] : f32 from vector<16xf32>
      %eq3A_633 = arith.constant 4 : i32
      %eq3A_634 = vector.broadcast %eq3A_633 : i32 to vector<16xi32>
      %eq3A_635 = arith.cmpi eq, %iota3A, %eq3A_634 : vector<16xi32>
      %broadcast_in_dim3A_636 = vector.broadcast %reduce_sum3A_632 : f32 to vector<16xf32>
      %select_n3A_637 = arith.select %eq3A_635, %broadcast_in_dim3A_636, %select_n3A_544 : vector<16xi1>, vector<16xf32>
      %slice3A_638 = vector.extract_strided_slice %get3A_164 {offsets = [8], sizes = [1], strides = [1]} : vector<16xi32> to vector<1xi32>
      %squeeze3A_639 = vector.extract %slice3A_638[0] : i32 from vector<1xi32>
      %shift_right_arithmetic3A_640 = arith.constant 7 : i32
      %shift_right_arithmetic3A_641 = arith.shrsi %squeeze3A_639, %shift_right_arithmetic3A_640 : i32
      %mul3A_642 = arith.constant 128 : i32
      %mul3A_643 = arith.muli %shift_right_arithmetic3A_641, %mul3A_642 : i32
      %multiple_of3A_644 = tpu.assume_multiple %mul3A_643, 128 : i32
      %slice3A_645 = vector.extract_strided_slice %get3A_166 {offsets = [8], sizes = [1], strides = [1]} : vector<16xi32> to vector<1xi32>
      %squeeze3A_646 = vector.extract %slice3A_645[0] : i32 from vector<1xi32>
      %shift_right_arithmetic3A_647 = arith.constant 7 : i32
      %shift_right_arithmetic3A_648 = arith.shrsi %squeeze3A_646, %shift_right_arithmetic3A_647 : i32
      %mul3A_649 = arith.constant 128 : i32
      %mul3A_650 = arith.muli %shift_right_arithmetic3A_648, %mul3A_649 : i32
      %multiple_of3A_651 = tpu.assume_multiple %mul3A_650, 128 : i32
      %dma_start3A_652 = arith.constant 0 : i32
      %dma_start3A_653 = tpu.memref_slice %arg5[%dma_start3A_652, %multiple_of3A_644] : memref<64x1000000xf32, #tpu.memory_space<hbm>> -> memref<64x128xf32, #tpu.memory_space<hbm>>
      %dma_start3A_654 = arith.constant 0 : i32
      %dma_start3A_655 = tpu.memref_slice %arg5[%dma_start3A_654, %multiple_of3A_644] : memref<64x1000000xf32, #tpu.memory_space<hbm>> -> memref<64x128xf32, #tpu.memory_space<hbm>>
      tpu.enqueue_dma source(%dma_start3A_655 : memref<64x128xf32, #tpu.memory_space<hbm>>) target(%arg10 : memref<64x128xf32, #tpu.memory_space<vmem>>) target_semaphore(%arg20 : memref<!tpu.dma_semaphore, #tpu.memory_space<semaphore_mem>>)
      %dma_start3A_656 = arith.constant 0 : i32
      %dma_start3A_657 = tpu.memref_slice %arg6[%dma_start3A_656, %multiple_of3A_651] : memref<64x1000000xf32, #tpu.memory_space<hbm>> -> memref<64x128xf32, #tpu.memory_space<hbm>>
      %dma_start3A_658 = arith.constant 0 : i32
      %dma_start3A_659 = tpu.memref_slice %arg6[%dma_start3A_658, %multiple_of3A_651] : memref<64x1000000xf32, #tpu.memory_space<hbm>> -> memref<64x128xf32, #tpu.memory_space<hbm>>
      tpu.enqueue_dma source(%dma_start3A_659 : memref<64x128xf32, #tpu.memory_space<hbm>>) target(%arg14 : memref<64x128xf32, #tpu.memory_space<vmem>>) target_semaphore(%arg20 : memref<!tpu.dma_semaphore, #tpu.memory_space<semaphore_mem>>)
      %slice3A_660 = vector.extract_strided_slice %get3A_164 {offsets = [5], sizes = [1], strides = [1]} : vector<16xi32> to vector<1xi32>
      %squeeze3A_661 = vector.extract %slice3A_660[0] : i32 from vector<1xi32>
      %shift_right_arithmetic3A_662 = arith.constant 7 : i32
      %shift_right_arithmetic3A_663 = arith.shrsi %squeeze3A_661, %shift_right_arithmetic3A_662 : i32
      %mul3A_664 = arith.constant 128 : i32
      %mul3A_665 = arith.muli %shift_right_arithmetic3A_663, %mul3A_664 : i32
      %multiple_of3A_666 = tpu.assume_multiple %mul3A_665, 128 : i32
      %slice3A_667 = vector.extract_strided_slice %get3A_166 {offsets = [5], sizes = [1], strides = [1]} : vector<16xi32> to vector<1xi32>
      %squeeze3A_668 = vector.extract %slice3A_667[0] : i32 from vector<1xi32>
      %shift_right_arithmetic3A_669 = arith.constant 7 : i32
      %shift_right_arithmetic3A_670 = arith.shrsi %squeeze3A_668, %shift_right_arithmetic3A_669 : i32
      %mul3A_671 = arith.constant 128 : i32
      %mul3A_672 = arith.muli %shift_right_arithmetic3A_670, %mul3A_671 : i32
      %multiple_of3A_673 = tpu.assume_multiple %mul3A_672, 128 : i32
      %dma_wait3A_674 = arith.constant 0 : i32
      %dma_wait3A_675 = tpu.memref_slice %arg5[%dma_wait3A_674, %multiple_of3A_666] : memref<64x1000000xf32, #tpu.memory_space<hbm>> -> memref<64x128xf32, #tpu.memory_space<hbm>>
      %dma_wait3A_676 = arith.constant 0 : i32
      %dma_wait3A_677 = tpu.memref_slice %arg5[%dma_wait3A_676, %multiple_of3A_666] : memref<64x1000000xf32, #tpu.memory_space<hbm>> -> memref<64x128xf32, #tpu.memory_space<hbm>>
      tpu.wait_dma2 semaphore(%arg21 : memref<!tpu.dma_semaphore, #tpu.memory_space<semaphore_mem>>) src(%dma_wait3A_677 : memref<64x128xf32, #tpu.memory_space<hbm>>) dst(%arg11 : memref<64x128xf32, #tpu.memory_space<vmem>>)
      %dma_wait3A_678 = arith.constant 0 : i32
      %dma_wait3A_679 = tpu.memref_slice %arg6[%dma_wait3A_678, %multiple_of3A_673] : memref<64x1000000xf32, #tpu.memory_space<hbm>> -> memref<64x128xf32, #tpu.memory_space<hbm>>
      %dma_wait3A_680 = arith.constant 0 : i32
      %dma_wait3A_681 = tpu.memref_slice %arg6[%dma_wait3A_680, %multiple_of3A_673] : memref<64x1000000xf32, #tpu.memory_space<hbm>> -> memref<64x128xf32, #tpu.memory_space<hbm>>
      tpu.wait_dma2 semaphore(%arg21 : memref<!tpu.dma_semaphore, #tpu.memory_space<semaphore_mem>>) src(%dma_wait3A_681 : memref<64x128xf32, #tpu.memory_space<hbm>>) dst(%arg15 : memref<64x128xf32, #tpu.memory_space<vmem>>)
      %slice3A_682 = vector.extract_strided_slice %get3A_164 {offsets = [5], sizes = [1], strides = [1]} : vector<16xi32> to vector<1xi32>
      %squeeze3A_683 = vector.extract %slice3A_682[0] : i32 from vector<1xi32>
      %and3A_684 = arith.constant 127 : i32
      %and3A_685 = arith.andi %squeeze3A_683, %and3A_684 : i32
      %broadcast_in_dim3A_686 = vector.broadcast %and3A_685 : i32 to vector<16xi32>
      %slice3A_687 = vector.extract_strided_slice %get3A_166 {offsets = [5], sizes = [1], strides = [1]} : vector<16xi32> to vector<1xi32>
      %squeeze3A_688 = vector.extract %slice3A_687[0] : i32 from vector<1xi32>
      %and3A_689 = arith.constant 127 : i32
      %and3A_690 = arith.andi %squeeze3A_688, %and3A_689 : i32
      %broadcast_in_dim3A_691 = vector.broadcast %and3A_690 : i32 to vector<16xi32>
      %broadcast_in_dim3A_692 = arith.constant 0.000000e+00 : f32
      %broadcast_in_dim3A_693 = vector.broadcast %broadcast_in_dim3A_692 : f32 to vector<16xf32>
      %add3A_694 = arith.constant 0 : i32
      %add3A_695 = vector.broadcast %add3A_694 : i32 to vector<16xi32>
      %add3A_696 = arith.addi %add3A_695, %iota3A : vector<16xi32>
      %gather3A_697 = tpu.vector_load_idx %arg11[%add3A_696, %broadcast_in_dim3A_686] : memref<64x128xf32, #tpu.memory_space<vmem>>[vector<16xi32>, vector<16xi32>], vector<16xf32>,
      %gather3A_698 = tpu.vector_load_idx %arg15[%add3A_696, %broadcast_in_dim3A_691] : memref<64x128xf32, #tpu.memory_space<vmem>>[vector<16xi32>, vector<16xi32>], vector<16xf32>,
      %mul3A_699 = arith.mulf %gather3A_697, %gather3A_698 : vector<16xf32>
      %add3A_700 = arith.addf %broadcast_in_dim3A_693, %mul3A_699 : vector<16xf32>
      %add3A_701 = arith.constant 16 : i32
      %add3A_702 = vector.broadcast %add3A_701 : i32 to vector<16xi32>
      %add3A_703 = arith.addi %add3A_702, %iota3A : vector<16xi32>
      %gather3A_704 = tpu.vector_load_idx %arg11[%add3A_703, %broadcast_in_dim3A_686] : memref<64x128xf32, #tpu.memory_space<vmem>>[vector<16xi32>, vector<16xi32>], vector<16xf32>,
      %gather3A_705 = tpu.vector_load_idx %arg15[%add3A_703, %broadcast_in_dim3A_691] : memref<64x128xf32, #tpu.memory_space<vmem>>[vector<16xi32>, vector<16xi32>], vector<16xf32>,
      %mul3A_706 = arith.mulf %gather3A_704, %gather3A_705 : vector<16xf32>
      %add3A_707 = arith.addf %add3A_700, %mul3A_706 : vector<16xf32>
      %add3A_708 = arith.constant 32 : i32
      %add3A_709 = vector.broadcast %add3A_708 : i32 to vector<16xi32>
      %add3A_710 = arith.addi %add3A_709, %iota3A : vector<16xi32>
      %gather3A_711 = tpu.vector_load_idx %arg11[%add3A_710, %broadcast_in_dim3A_686] : memref<64x128xf32, #tpu.memory_space<vmem>>[vector<16xi32>, vector<16xi32>], vector<16xf32>,
      %gather3A_712 = tpu.vector_load_idx %arg15[%add3A_710, %broadcast_in_dim3A_691] : memref<64x128xf32, #tpu.memory_space<vmem>>[vector<16xi32>, vector<16xi32>], vector<16xf32>,
      %mul3A_713 = arith.mulf %gather3A_711, %gather3A_712 : vector<16xf32>
      %add3A_714 = arith.addf %add3A_707, %mul3A_713 : vector<16xf32>
      %add3A_715 = arith.constant 48 : i32
      %add3A_716 = vector.broadcast %add3A_715 : i32 to vector<16xi32>
      %add3A_717 = arith.addi %add3A_716, %iota3A : vector<16xi32>
      %gather3A_718 = tpu.vector_load_idx %arg11[%add3A_717, %broadcast_in_dim3A_686] : memref<64x128xf32, #tpu.memory_space<vmem>>[vector<16xi32>, vector<16xi32>], vector<16xf32>,
      %gather3A_719 = tpu.vector_load_idx %arg15[%add3A_717, %broadcast_in_dim3A_691] : memref<64x128xf32, #tpu.memory_space<vmem>>[vector<16xi32>, vector<16xi32>], vector<16xf32>,
      %mul3A_720 = arith.mulf %gather3A_718, %gather3A_719 : vector<16xf32>
      %add3A_721 = arith.addf %add3A_714, %mul3A_720 : vector<16xf32>
      %reduce_sum3A_722 = arith.constant true
      %reduce_sum3A_723 = vector.broadcast %reduce_sum3A_722 : i1 to vector<16xi1>
      %reduce_sum3A_724 = tpu.scan <sum>, %add3A_721 masked %reduce_sum3A_723 : vector<16xf32>, vector<16xi1> -> vector<16xf32>
      %reduce_sum3A_725 = vector.extract %reduce_sum3A_724[15] : f32 from vector<16xf32>
      %eq3A_726 = arith.constant 5 : i32
      %eq3A_727 = vector.broadcast %eq3A_726 : i32 to vector<16xi32>
      %eq3A_728 = arith.cmpi eq, %iota3A, %eq3A_727 : vector<16xi32>
      %broadcast_in_dim3A_729 = vector.broadcast %reduce_sum3A_725 : f32 to vector<16xf32>
      %select_n3A_730 = arith.select %eq3A_728, %broadcast_in_dim3A_729, %select_n3A_637 : vector<16xi1>, vector<16xf32>
      %slice3A_731 = vector.extract_strided_slice %get3A_164 {offsets = [9], sizes = [1], strides = [1]} : vector<16xi32> to vector<1xi32>
      %squeeze3A_732 = vector.extract %slice3A_731[0] : i32 from vector<1xi32>
      %shift_right_arithmetic3A_733 = arith.constant 7 : i32
      %shift_right_arithmetic3A_734 = arith.shrsi %squeeze3A_732, %shift_right_arithmetic3A_733 : i32
      %mul3A_735 = arith.constant 128 : i32
      %mul3A_736 = arith.muli %shift_right_arithmetic3A_734, %mul3A_735 : i32
      %multiple_of3A_737 = tpu.assume_multiple %mul3A_736, 128 : i32
      %slice3A_738 = vector.extract_strided_slice %get3A_166 {offsets = [9], sizes = [1], strides = [1]} : vector<16xi32> to vector<1xi32>
      %squeeze3A_739 = vector.extract %slice3A_738[0] : i32 from vector<1xi32>
      %shift_right_arithmetic3A_740 = arith.constant 7 : i32
      %shift_right_arithmetic3A_741 = arith.shrsi %squeeze3A_739, %shift_right_arithmetic3A_740 : i32
      %mul3A_742 = arith.constant 128 : i32
      %mul3A_743 = arith.muli %shift_right_arithmetic3A_741, %mul3A_742 : i32
      %multiple_of3A_744 = tpu.assume_multiple %mul3A_743, 128 : i32
      %dma_start3A_745 = arith.constant 0 : i32
      %dma_start3A_746 = tpu.memref_slice %arg5[%dma_start3A_745, %multiple_of3A_737] : memref<64x1000000xf32, #tpu.memory_space<hbm>> -> memref<64x128xf32, #tpu.memory_space<hbm>>
      %dma_start3A_747 = arith.constant 0 : i32
      %dma_start3A_748 = tpu.memref_slice %arg5[%dma_start3A_747, %multiple_of3A_737] : memref<64x1000000xf32, #tpu.memory_space<hbm>> -> memref<64x128xf32, #tpu.memory_space<hbm>>
      tpu.enqueue_dma source(%dma_start3A_748 : memref<64x128xf32, #tpu.memory_space<hbm>>) target(%arg11 : memref<64x128xf32, #tpu.memory_space<vmem>>) target_semaphore(%arg21 : memref<!tpu.dma_semaphore, #tpu.memory_space<semaphore_mem>>)
      %dma_start3A_749 = arith.constant 0 : i32
      %dma_start3A_750 = tpu.memref_slice %arg6[%dma_start3A_749, %multiple_of3A_744] : memref<64x1000000xf32, #tpu.memory_space<hbm>> -> memref<64x128xf32, #tpu.memory_space<hbm>>
      %dma_start3A_751 = arith.constant 0 : i32
      %dma_start3A_752 = tpu.memref_slice %arg6[%dma_start3A_751, %multiple_of3A_744] : memref<64x1000000xf32, #tpu.memory_space<hbm>> -> memref<64x128xf32, #tpu.memory_space<hbm>>
      tpu.enqueue_dma source(%dma_start3A_752 : memref<64x128xf32, #tpu.memory_space<hbm>>) target(%arg15 : memref<64x128xf32, #tpu.memory_space<vmem>>) target_semaphore(%arg21 : memref<!tpu.dma_semaphore, #tpu.memory_space<semaphore_mem>>)
      %slice3A_753 = vector.extract_strided_slice %get3A_164 {offsets = [6], sizes = [1], strides = [1]} : vector<16xi32> to vector<1xi32>
      %squeeze3A_754 = vector.extract %slice3A_753[0] : i32 from vector<1xi32>
      %shift_right_arithmetic3A_755 = arith.constant 7 : i32
      %shift_right_arithmetic3A_756 = arith.shrsi %squeeze3A_754, %shift_right_arithmetic3A_755 : i32
      %mul3A_757 = arith.constant 128 : i32
      %mul3A_758 = arith.muli %shift_right_arithmetic3A_756, %mul3A_757 : i32
      %multiple_of3A_759 = tpu.assume_multiple %mul3A_758, 128 : i32
      %slice3A_760 = vector.extract_strided_slice %get3A_166 {offsets = [6], sizes = [1], strides = [1]} : vector<16xi32> to vector<1xi32>
      %squeeze3A_761 = vector.extract %slice3A_760[0] : i32 from vector<1xi32>
      %shift_right_arithmetic3A_762 = arith.constant 7 : i32
      %shift_right_arithmetic3A_763 = arith.shrsi %squeeze3A_761, %shift_right_arithmetic3A_762 : i32
      %mul3A_764 = arith.constant 128 : i32
      %mul3A_765 = arith.muli %shift_right_arithmetic3A_763, %mul3A_764 : i32
      %multiple_of3A_766 = tpu.assume_multiple %mul3A_765, 128 : i32
      %dma_wait3A_767 = arith.constant 0 : i32
      %dma_wait3A_768 = tpu.memref_slice %arg5[%dma_wait3A_767, %multiple_of3A_759] : memref<64x1000000xf32, #tpu.memory_space<hbm>> -> memref<64x128xf32, #tpu.memory_space<hbm>>
      %dma_wait3A_769 = arith.constant 0 : i32
      %dma_wait3A_770 = tpu.memref_slice %arg5[%dma_wait3A_769, %multiple_of3A_759] : memref<64x1000000xf32, #tpu.memory_space<hbm>> -> memref<64x128xf32, #tpu.memory_space<hbm>>
      tpu.wait_dma2 semaphore(%arg22 : memref<!tpu.dma_semaphore, #tpu.memory_space<semaphore_mem>>) src(%dma_wait3A_770 : memref<64x128xf32, #tpu.memory_space<hbm>>) dst(%arg12 : memref<64x128xf32, #tpu.memory_space<vmem>>)
      %dma_wait3A_771 = arith.constant 0 : i32
      %dma_wait3A_772 = tpu.memref_slice %arg6[%dma_wait3A_771, %multiple_of3A_766] : memref<64x1000000xf32, #tpu.memory_space<hbm>> -> memref<64x128xf32, #tpu.memory_space<hbm>>
      %dma_wait3A_773 = arith.constant 0 : i32
      %dma_wait3A_774 = tpu.memref_slice %arg6[%dma_wait3A_773, %multiple_of3A_766] : memref<64x1000000xf32, #tpu.memory_space<hbm>> -> memref<64x128xf32, #tpu.memory_space<hbm>>
      tpu.wait_dma2 semaphore(%arg22 : memref<!tpu.dma_semaphore, #tpu.memory_space<semaphore_mem>>) src(%dma_wait3A_774 : memref<64x128xf32, #tpu.memory_space<hbm>>) dst(%arg16 : memref<64x128xf32, #tpu.memory_space<vmem>>)
      %slice3A_775 = vector.extract_strided_slice %get3A_164 {offsets = [6], sizes = [1], strides = [1]} : vector<16xi32> to vector<1xi32>
      %squeeze3A_776 = vector.extract %slice3A_775[0] : i32 from vector<1xi32>
      %and3A_777 = arith.constant 127 : i32
      %and3A_778 = arith.andi %squeeze3A_776, %and3A_777 : i32
      %broadcast_in_dim3A_779 = vector.broadcast %and3A_778 : i32 to vector<16xi32>
      %slice3A_780 = vector.extract_strided_slice %get3A_166 {offsets = [6], sizes = [1], strides = [1]} : vector<16xi32> to vector<1xi32>
      %squeeze3A_781 = vector.extract %slice3A_780[0] : i32 from vector<1xi32>
      %and3A_782 = arith.constant 127 : i32
      %and3A_783 = arith.andi %squeeze3A_781, %and3A_782 : i32
      %broadcast_in_dim3A_784 = vector.broadcast %and3A_783 : i32 to vector<16xi32>
      %broadcast_in_dim3A_785 = arith.constant 0.000000e+00 : f32
      %broadcast_in_dim3A_786 = vector.broadcast %broadcast_in_dim3A_785 : f32 to vector<16xf32>
      %add3A_787 = arith.constant 0 : i32
      %add3A_788 = vector.broadcast %add3A_787 : i32 to vector<16xi32>
      %add3A_789 = arith.addi %add3A_788, %iota3A : vector<16xi32>
      %gather3A_790 = tpu.vector_load_idx %arg12[%add3A_789, %broadcast_in_dim3A_779] : memref<64x128xf32, #tpu.memory_space<vmem>>[vector<16xi32>, vector<16xi32>], vector<16xf32>,
      %gather3A_791 = tpu.vector_load_idx %arg16[%add3A_789, %broadcast_in_dim3A_784] : memref<64x128xf32, #tpu.memory_space<vmem>>[vector<16xi32>, vector<16xi32>], vector<16xf32>,
      %mul3A_792 = arith.mulf %gather3A_790, %gather3A_791 : vector<16xf32>
      %add3A_793 = arith.addf %broadcast_in_dim3A_786, %mul3A_792 : vector<16xf32>
      %add3A_794 = arith.constant 16 : i32
      %add3A_795 = vector.broadcast %add3A_794 : i32 to vector<16xi32>
      %add3A_796 = arith.addi %add3A_795, %iota3A : vector<16xi32>
      %gather3A_797 = tpu.vector_load_idx %arg12[%add3A_796, %broadcast_in_dim3A_779] : memref<64x128xf32, #tpu.memory_space<vmem>>[vector<16xi32>, vector<16xi32>], vector<16xf32>,
      %gather3A_798 = tpu.vector_load_idx %arg16[%add3A_796, %broadcast_in_dim3A_784] : memref<64x128xf32, #tpu.memory_space<vmem>>[vector<16xi32>, vector<16xi32>], vector<16xf32>,
      %mul3A_799 = arith.mulf %gather3A_797, %gather3A_798 : vector<16xf32>
      %add3A_800 = arith.addf %add3A_793, %mul3A_799 : vector<16xf32>
      %add3A_801 = arith.constant 32 : i32
      %add3A_802 = vector.broadcast %add3A_801 : i32 to vector<16xi32>
      %add3A_803 = arith.addi %add3A_802, %iota3A : vector<16xi32>
      %gather3A_804 = tpu.vector_load_idx %arg12[%add3A_803, %broadcast_in_dim3A_779] : memref<64x128xf32, #tpu.memory_space<vmem>>[vector<16xi32>, vector<16xi32>], vector<16xf32>,
      %gather3A_805 = tpu.vector_load_idx %arg16[%add3A_803, %broadcast_in_dim3A_784] : memref<64x128xf32, #tpu.memory_space<vmem>>[vector<16xi32>, vector<16xi32>], vector<16xf32>,
      %mul3A_806 = arith.mulf %gather3A_804, %gather3A_805 : vector<16xf32>
      %add3A_807 = arith.addf %add3A_800, %mul3A_806 : vector<16xf32>
      %add3A_808 = arith.constant 48 : i32
      %add3A_809 = vector.broadcast %add3A_808 : i32 to vector<16xi32>
      %add3A_810 = arith.addi %add3A_809, %iota3A : vector<16xi32>
      %gather3A_811 = tpu.vector_load_idx %arg12[%add3A_810, %broadcast_in_dim3A_779] : memref<64x128xf32, #tpu.memory_space<vmem>>[vector<16xi32>, vector<16xi32>], vector<16xf32>,
      %gather3A_812 = tpu.vector_load_idx %arg16[%add3A_810, %broadcast_in_dim3A_784] : memref<64x128xf32, #tpu.memory_space<vmem>>[vector<16xi32>, vector<16xi32>], vector<16xf32>,
      %mul3A_813 = arith.mulf %gather3A_811, %gather3A_812 : vector<16xf32>
      %add3A_814 = arith.addf %add3A_807, %mul3A_813 : vector<16xf32>
      %reduce_sum3A_815 = arith.constant true
      %reduce_sum3A_816 = vector.broadcast %reduce_sum3A_815 : i1 to vector<16xi1>
      %reduce_sum3A_817 = tpu.scan <sum>, %add3A_814 masked %reduce_sum3A_816 : vector<16xf32>, vector<16xi1> -> vector<16xf32>
      %reduce_sum3A_818 = vector.extract %reduce_sum3A_817[15] : f32 from vector<16xf32>
      %eq3A_819 = arith.constant 6 : i32
      %eq3A_820 = vector.broadcast %eq3A_819 : i32 to vector<16xi32>
      %eq3A_821 = arith.cmpi eq, %iota3A, %eq3A_820 : vector<16xi32>
      %broadcast_in_dim3A_822 = vector.broadcast %reduce_sum3A_818 : f32 to vector<16xf32>
      %select_n3A_823 = arith.select %eq3A_821, %broadcast_in_dim3A_822, %select_n3A_730 : vector<16xi1>, vector<16xf32>
      %slice3A_824 = vector.extract_strided_slice %get3A_164 {offsets = [10], sizes = [1], strides = [1]} : vector<16xi32> to vector<1xi32>
      %squeeze3A_825 = vector.extract %slice3A_824[0] : i32 from vector<1xi32>
      %shift_right_arithmetic3A_826 = arith.constant 7 : i32
      %shift_right_arithmetic3A_827 = arith.shrsi %squeeze3A_825, %shift_right_arithmetic3A_826 : i32
      %mul3A_828 = arith.constant 128 : i32
      %mul3A_829 = arith.muli %shift_right_arithmetic3A_827, %mul3A_828 : i32
      %multiple_of3A_830 = tpu.assume_multiple %mul3A_829, 128 : i32
      %slice3A_831 = vector.extract_strided_slice %get3A_166 {offsets = [10], sizes = [1], strides = [1]} : vector<16xi32> to vector<1xi32>
      %squeeze3A_832 = vector.extract %slice3A_831[0] : i32 from vector<1xi32>
      %shift_right_arithmetic3A_833 = arith.constant 7 : i32
      %shift_right_arithmetic3A_834 = arith.shrsi %squeeze3A_832, %shift_right_arithmetic3A_833 : i32
      %mul3A_835 = arith.constant 128 : i32
      %mul3A_836 = arith.muli %shift_right_arithmetic3A_834, %mul3A_835 : i32
      %multiple_of3A_837 = tpu.assume_multiple %mul3A_836, 128 : i32
      %dma_start3A_838 = arith.constant 0 : i32
      %dma_start3A_839 = tpu.memref_slice %arg5[%dma_start3A_838, %multiple_of3A_830] : memref<64x1000000xf32, #tpu.memory_space<hbm>> -> memref<64x128xf32, #tpu.memory_space<hbm>>
      %dma_start3A_840 = arith.constant 0 : i32
      %dma_start3A_841 = tpu.memref_slice %arg5[%dma_start3A_840, %multiple_of3A_830] : memref<64x1000000xf32, #tpu.memory_space<hbm>> -> memref<64x128xf32, #tpu.memory_space<hbm>>
      tpu.enqueue_dma source(%dma_start3A_841 : memref<64x128xf32, #tpu.memory_space<hbm>>) target(%arg12 : memref<64x128xf32, #tpu.memory_space<vmem>>) target_semaphore(%arg22 : memref<!tpu.dma_semaphore, #tpu.memory_space<semaphore_mem>>)
      %dma_start3A_842 = arith.constant 0 : i32
      %dma_start3A_843 = tpu.memref_slice %arg6[%dma_start3A_842, %multiple_of3A_837] : memref<64x1000000xf32, #tpu.memory_space<hbm>> -> memref<64x128xf32, #tpu.memory_space<hbm>>
      %dma_start3A_844 = arith.constant 0 : i32
      %dma_start3A_845 = tpu.memref_slice %arg6[%dma_start3A_844, %multiple_of3A_837] : memref<64x1000000xf32, #tpu.memory_space<hbm>> -> memref<64x128xf32, #tpu.memory_space<hbm>>
      tpu.enqueue_dma source(%dma_start3A_845 : memref<64x128xf32, #tpu.memory_space<hbm>>) target(%arg16 : memref<64x128xf32, #tpu.memory_space<vmem>>) target_semaphore(%arg22 : memref<!tpu.dma_semaphore, #tpu.memory_space<semaphore_mem>>)
      %slice3A_846 = vector.extract_strided_slice %get3A_164 {offsets = [7], sizes = [1], strides = [1]} : vector<16xi32> to vector<1xi32>
      %squeeze3A_847 = vector.extract %slice3A_846[0] : i32 from vector<1xi32>
      %shift_right_arithmetic3A_848 = arith.constant 7 : i32
      %shift_right_arithmetic3A_849 = arith.shrsi %squeeze3A_847, %shift_right_arithmetic3A_848 : i32
      %mul3A_850 = arith.constant 128 : i32
      %mul3A_851 = arith.muli %shift_right_arithmetic3A_849, %mul3A_850 : i32
      %multiple_of3A_852 = tpu.assume_multiple %mul3A_851, 128 : i32
      %slice3A_853 = vector.extract_strided_slice %get3A_166 {offsets = [7], sizes = [1], strides = [1]} : vector<16xi32> to vector<1xi32>
      %squeeze3A_854 = vector.extract %slice3A_853[0] : i32 from vector<1xi32>
      %shift_right_arithmetic3A_855 = arith.constant 7 : i32
      %shift_right_arithmetic3A_856 = arith.shrsi %squeeze3A_854, %shift_right_arithmetic3A_855 : i32
      %mul3A_857 = arith.constant 128 : i32
      %mul3A_858 = arith.muli %shift_right_arithmetic3A_856, %mul3A_857 : i32
      %multiple_of3A_859 = tpu.assume_multiple %mul3A_858, 128 : i32
      %dma_wait3A_860 = arith.constant 0 : i32
      %dma_wait3A_861 = tpu.memref_slice %arg5[%dma_wait3A_860, %multiple_of3A_852] : memref<64x1000000xf32, #tpu.memory_space<hbm>> -> memref<64x128xf32, #tpu.memory_space<hbm>>
      %dma_wait3A_862 = arith.constant 0 : i32
      %dma_wait3A_863 = tpu.memref_slice %arg5[%dma_wait3A_862, %multiple_of3A_852] : memref<64x1000000xf32, #tpu.memory_space<hbm>> -> memref<64x128xf32, #tpu.memory_space<hbm>>
      tpu.wait_dma2 semaphore(%arg23 : memref<!tpu.dma_semaphore, #tpu.memory_space<semaphore_mem>>) src(%dma_wait3A_863 : memref<64x128xf32, #tpu.memory_space<hbm>>) dst(%arg13 : memref<64x128xf32, #tpu.memory_space<vmem>>)
      %dma_wait3A_864 = arith.constant 0 : i32
      %dma_wait3A_865 = tpu.memref_slice %arg6[%dma_wait3A_864, %multiple_of3A_859] : memref<64x1000000xf32, #tpu.memory_space<hbm>> -> memref<64x128xf32, #tpu.memory_space<hbm>>
      %dma_wait3A_866 = arith.constant 0 : i32
      %dma_wait3A_867 = tpu.memref_slice %arg6[%dma_wait3A_866, %multiple_of3A_859] : memref<64x1000000xf32, #tpu.memory_space<hbm>> -> memref<64x128xf32, #tpu.memory_space<hbm>>
      tpu.wait_dma2 semaphore(%arg23 : memref<!tpu.dma_semaphore, #tpu.memory_space<semaphore_mem>>) src(%dma_wait3A_867 : memref<64x128xf32, #tpu.memory_space<hbm>>) dst(%arg17 : memref<64x128xf32, #tpu.memory_space<vmem>>)
      %slice3A_868 = vector.extract_strided_slice %get3A_164 {offsets = [7], sizes = [1], strides = [1]} : vector<16xi32> to vector<1xi32>
      %squeeze3A_869 = vector.extract %slice3A_868[0] : i32 from vector<1xi32>
      %and3A_870 = arith.constant 127 : i32
      %and3A_871 = arith.andi %squeeze3A_869, %and3A_870 : i32
      %broadcast_in_dim3A_872 = vector.broadcast %and3A_871 : i32 to vector<16xi32>
      %slice3A_873 = vector.extract_strided_slice %get3A_166 {offsets = [7], sizes = [1], strides = [1]} : vector<16xi32> to vector<1xi32>
      %squeeze3A_874 = vector.extract %slice3A_873[0] : i32 from vector<1xi32>
      %and3A_875 = arith.constant 127 : i32
      %and3A_876 = arith.andi %squeeze3A_874, %and3A_875 : i32
      %broadcast_in_dim3A_877 = vector.broadcast %and3A_876 : i32 to vector<16xi32>
      %broadcast_in_dim3A_878 = arith.constant 0.000000e+00 : f32
      %broadcast_in_dim3A_879 = vector.broadcast %broadcast_in_dim3A_878 : f32 to vector<16xf32>
      %add3A_880 = arith.constant 0 : i32
      %add3A_881 = vector.broadcast %add3A_880 : i32 to vector<16xi32>
      %add3A_882 = arith.addi %add3A_881, %iota3A : vector<16xi32>
      %gather3A_883 = tpu.vector_load_idx %arg13[%add3A_882, %broadcast_in_dim3A_872] : memref<64x128xf32, #tpu.memory_space<vmem>>[vector<16xi32>, vector<16xi32>], vector<16xf32>,
      %gather3A_884 = tpu.vector_load_idx %arg17[%add3A_882, %broadcast_in_dim3A_877] : memref<64x128xf32, #tpu.memory_space<vmem>>[vector<16xi32>, vector<16xi32>], vector<16xf32>,
      %mul3A_885 = arith.mulf %gather3A_883, %gather3A_884 : vector<16xf32>
      %add3A_886 = arith.addf %broadcast_in_dim3A_879, %mul3A_885 : vector<16xf32>
      %add3A_887 = arith.constant 16 : i32
      %add3A_888 = vector.broadcast %add3A_887 : i32 to vector<16xi32>
      %add3A_889 = arith.addi %add3A_888, %iota3A : vector<16xi32>
      %gather3A_890 = tpu.vector_load_idx %arg13[%add3A_889, %broadcast_in_dim3A_872] : memref<64x128xf32, #tpu.memory_space<vmem>>[vector<16xi32>, vector<16xi32>], vector<16xf32>,
      %gather3A_891 = tpu.vector_load_idx %arg17[%add3A_889, %broadcast_in_dim3A_877] : memref<64x128xf32, #tpu.memory_space<vmem>>[vector<16xi32>, vector<16xi32>], vector<16xf32>,
      %mul3A_892 = arith.mulf %gather3A_890, %gather3A_891 : vector<16xf32>
      %add3A_893 = arith.addf %add3A_886, %mul3A_892 : vector<16xf32>
      %add3A_894 = arith.constant 32 : i32
      %add3A_895 = vector.broadcast %add3A_894 : i32 to vector<16xi32>
      %add3A_896 = arith.addi %add3A_895, %iota3A : vector<16xi32>
      %gather3A_897 = tpu.vector_load_idx %arg13[%add3A_896, %broadcast_in_dim3A_872] : memref<64x128xf32, #tpu.memory_space<vmem>>[vector<16xi32>, vector<16xi32>], vector<16xf32>,
      %gather3A_898 = tpu.vector_load_idx %arg17[%add3A_896, %broadcast_in_dim3A_877] : memref<64x128xf32, #tpu.memory_space<vmem>>[vector<16xi32>, vector<16xi32>], vector<16xf32>,
      %mul3A_899 = arith.mulf %gather3A_897, %gather3A_898 : vector<16xf32>
      %add3A_900 = arith.addf %add3A_893, %mul3A_899 : vector<16xf32>
      %add3A_901 = arith.constant 48 : i32
      %add3A_902 = vector.broadcast %add3A_901 : i32 to vector<16xi32>
      %add3A_903 = arith.addi %add3A_902, %iota3A : vector<16xi32>
      %gather3A_904 = tpu.vector_load_idx %arg13[%add3A_903, %broadcast_in_dim3A_872] : memref<64x128xf32, #tpu.memory_space<vmem>>[vector<16xi32>, vector<16xi32>], vector<16xf32>,
      %gather3A_905 = tpu.vector_load_idx %arg17[%add3A_903, %broadcast_in_dim3A_877] : memref<64x128xf32, #tpu.memory_space<vmem>>[vector<16xi32>, vector<16xi32>], vector<16xf32>,
      %mul3A_906 = arith.mulf %gather3A_904, %gather3A_905 : vector<16xf32>
      %add3A_907 = arith.addf %add3A_900, %mul3A_906 : vector<16xf32>
      %reduce_sum3A_908 = arith.constant true
      %reduce_sum3A_909 = vector.broadcast %reduce_sum3A_908 : i1 to vector<16xi1>
      %reduce_sum3A_910 = tpu.scan <sum>, %add3A_907 masked %reduce_sum3A_909 : vector<16xf32>, vector<16xi1> -> vector<16xf32>
      %reduce_sum3A_911 = vector.extract %reduce_sum3A_910[15] : f32 from vector<16xf32>
      %eq3A_912 = arith.constant 7 : i32
      %eq3A_913 = vector.broadcast %eq3A_912 : i32 to vector<16xi32>
      %eq3A_914 = arith.cmpi eq, %iota3A, %eq3A_913 : vector<16xi32>
      %broadcast_in_dim3A_915 = vector.broadcast %reduce_sum3A_911 : f32 to vector<16xf32>
      %select_n3A_916 = arith.select %eq3A_914, %broadcast_in_dim3A_915, %select_n3A_823 : vector<16xi1>, vector<16xf32>
      %slice3A_917 = vector.extract_strided_slice %get3A_164 {offsets = [11], sizes = [1], strides = [1]} : vector<16xi32> to vector<1xi32>
      %squeeze3A_918 = vector.extract %slice3A_917[0] : i32 from vector<1xi32>
      %shift_right_arithmetic3A_919 = arith.constant 7 : i32
      %shift_right_arithmetic3A_920 = arith.shrsi %squeeze3A_918, %shift_right_arithmetic3A_919 : i32
      %mul3A_921 = arith.constant 128 : i32
      %mul3A_922 = arith.muli %shift_right_arithmetic3A_920, %mul3A_921 : i32
      %multiple_of3A_923 = tpu.assume_multiple %mul3A_922, 128 : i32
      %slice3A_924 = vector.extract_strided_slice %get3A_166 {offsets = [11], sizes = [1], strides = [1]} : vector<16xi32> to vector<1xi32>
      %squeeze3A_925 = vector.extract %slice3A_924[0] : i32 from vector<1xi32>
      %shift_right_arithmetic3A_926 = arith.constant 7 : i32
      %shift_right_arithmetic3A_927 = arith.shrsi %squeeze3A_925, %shift_right_arithmetic3A_926 : i32
      %mul3A_928 = arith.constant 128 : i32
      %mul3A_929 = arith.muli %shift_right_arithmetic3A_927, %mul3A_928 : i32
      %multiple_of3A_930 = tpu.assume_multiple %mul3A_929, 128 : i32
      %dma_start3A_931 = arith.constant 0 : i32
      %dma_start3A_932 = tpu.memref_slice %arg5[%dma_start3A_931, %multiple_of3A_923] : memref<64x1000000xf32, #tpu.memory_space<hbm>> -> memref<64x128xf32, #tpu.memory_space<hbm>>
      %dma_start3A_933 = arith.constant 0 : i32
      %dma_start3A_934 = tpu.memref_slice %arg5[%dma_start3A_933, %multiple_of3A_923] : memref<64x1000000xf32, #tpu.memory_space<hbm>> -> memref<64x128xf32, #tpu.memory_space<hbm>>
      tpu.enqueue_dma source(%dma_start3A_934 : memref<64x128xf32, #tpu.memory_space<hbm>>) target(%arg13 : memref<64x128xf32, #tpu.memory_space<vmem>>) target_semaphore(%arg23 : memref<!tpu.dma_semaphore, #tpu.memory_space<semaphore_mem>>)
      %dma_start3A_935 = arith.constant 0 : i32
      %dma_start3A_936 = tpu.memref_slice %arg6[%dma_start3A_935, %multiple_of3A_930] : memref<64x1000000xf32, #tpu.memory_space<hbm>> -> memref<64x128xf32, #tpu.memory_space<hbm>>
      %dma_start3A_937 = arith.constant 0 : i32
      %dma_start3A_938 = tpu.memref_slice %arg6[%dma_start3A_937, %multiple_of3A_930] : memref<64x1000000xf32, #tpu.memory_space<hbm>> -> memref<64x128xf32, #tpu.memory_space<hbm>>
      tpu.enqueue_dma source(%dma_start3A_938 : memref<64x128xf32, #tpu.memory_space<hbm>>) target(%arg17 : memref<64x128xf32, #tpu.memory_space<vmem>>) target_semaphore(%arg23 : memref<!tpu.dma_semaphore, #tpu.memory_space<semaphore_mem>>)
      %slice3A_939 = vector.extract_strided_slice %get3A_164 {offsets = [8], sizes = [1], strides = [1]} : vector<16xi32> to vector<1xi32>
      %squeeze3A_940 = vector.extract %slice3A_939[0] : i32 from vector<1xi32>
      %shift_right_arithmetic3A_941 = arith.constant 7 : i32
      %shift_right_arithmetic3A_942 = arith.shrsi %squeeze3A_940, %shift_right_arithmetic3A_941 : i32
      %mul3A_943 = arith.constant 128 : i32
      %mul3A_944 = arith.muli %shift_right_arithmetic3A_942, %mul3A_943 : i32
      %multiple_of3A_945 = tpu.assume_multiple %mul3A_944, 128 : i32
      %slice3A_946 = vector.extract_strided_slice %get3A_166 {offsets = [8], sizes = [1], strides = [1]} : vector<16xi32> to vector<1xi32>
      %squeeze3A_947 = vector.extract %slice3A_946[0] : i32 from vector<1xi32>
      %shift_right_arithmetic3A_948 = arith.constant 7 : i32
      %shift_right_arithmetic3A_949 = arith.shrsi %squeeze3A_947, %shift_right_arithmetic3A_948 : i32
      %mul3A_950 = arith.constant 128 : i32
      %mul3A_951 = arith.muli %shift_right_arithmetic3A_949, %mul3A_950 : i32
      %multiple_of3A_952 = tpu.assume_multiple %mul3A_951, 128 : i32
      %dma_wait3A_953 = arith.constant 0 : i32
      %dma_wait3A_954 = tpu.memref_slice %arg5[%dma_wait3A_953, %multiple_of3A_945] : memref<64x1000000xf32, #tpu.memory_space<hbm>> -> memref<64x128xf32, #tpu.memory_space<hbm>>
      %dma_wait3A_955 = arith.constant 0 : i32
      %dma_wait3A_956 = tpu.memref_slice %arg5[%dma_wait3A_955, %multiple_of3A_945] : memref<64x1000000xf32, #tpu.memory_space<hbm>> -> memref<64x128xf32, #tpu.memory_space<hbm>>
      tpu.wait_dma2 semaphore(%arg20 : memref<!tpu.dma_semaphore, #tpu.memory_space<semaphore_mem>>) src(%dma_wait3A_956 : memref<64x128xf32, #tpu.memory_space<hbm>>) dst(%arg10 : memref<64x128xf32, #tpu.memory_space<vmem>>)
      %dma_wait3A_957 = arith.constant 0 : i32
      %dma_wait3A_958 = tpu.memref_slice %arg6[%dma_wait3A_957, %multiple_of3A_952] : memref<64x1000000xf32, #tpu.memory_space<hbm>> -> memref<64x128xf32, #tpu.memory_space<hbm>>
      %dma_wait3A_959 = arith.constant 0 : i32
      %dma_wait3A_960 = tpu.memref_slice %arg6[%dma_wait3A_959, %multiple_of3A_952] : memref<64x1000000xf32, #tpu.memory_space<hbm>> -> memref<64x128xf32, #tpu.memory_space<hbm>>
      tpu.wait_dma2 semaphore(%arg20 : memref<!tpu.dma_semaphore, #tpu.memory_space<semaphore_mem>>) src(%dma_wait3A_960 : memref<64x128xf32, #tpu.memory_space<hbm>>) dst(%arg14 : memref<64x128xf32, #tpu.memory_space<vmem>>)
      %slice3A_961 = vector.extract_strided_slice %get3A_164 {offsets = [8], sizes = [1], strides = [1]} : vector<16xi32> to vector<1xi32>
      %squeeze3A_962 = vector.extract %slice3A_961[0] : i32 from vector<1xi32>
      %and3A_963 = arith.constant 127 : i32
      %and3A_964 = arith.andi %squeeze3A_962, %and3A_963 : i32
      %broadcast_in_dim3A_965 = vector.broadcast %and3A_964 : i32 to vector<16xi32>
      %slice3A_966 = vector.extract_strided_slice %get3A_166 {offsets = [8], sizes = [1], strides = [1]} : vector<16xi32> to vector<1xi32>
      %squeeze3A_967 = vector.extract %slice3A_966[0] : i32 from vector<1xi32>
      %and3A_968 = arith.constant 127 : i32
      %and3A_969 = arith.andi %squeeze3A_967, %and3A_968 : i32
      %broadcast_in_dim3A_970 = vector.broadcast %and3A_969 : i32 to vector<16xi32>
      %broadcast_in_dim3A_971 = arith.constant 0.000000e+00 : f32
      %broadcast_in_dim3A_972 = vector.broadcast %broadcast_in_dim3A_971 : f32 to vector<16xf32>
      %add3A_973 = arith.constant 0 : i32
      %add3A_974 = vector.broadcast %add3A_973 : i32 to vector<16xi32>
      %add3A_975 = arith.addi %add3A_974, %iota3A : vector<16xi32>
      %gather3A_976 = tpu.vector_load_idx %arg10[%add3A_975, %broadcast_in_dim3A_965] : memref<64x128xf32, #tpu.memory_space<vmem>>[vector<16xi32>, vector<16xi32>], vector<16xf32>,
      %gather3A_977 = tpu.vector_load_idx %arg14[%add3A_975, %broadcast_in_dim3A_970] : memref<64x128xf32, #tpu.memory_space<vmem>>[vector<16xi32>, vector<16xi32>], vector<16xf32>,
      %mul3A_978 = arith.mulf %gather3A_976, %gather3A_977 : vector<16xf32>
      %add3A_979 = arith.addf %broadcast_in_dim3A_972, %mul3A_978 : vector<16xf32>
      %add3A_980 = arith.constant 16 : i32
      %add3A_981 = vector.broadcast %add3A_980 : i32 to vector<16xi32>
      %add3A_982 = arith.addi %add3A_981, %iota3A : vector<16xi32>
      %gather3A_983 = tpu.vector_load_idx %arg10[%add3A_982, %broadcast_in_dim3A_965] : memref<64x128xf32, #tpu.memory_space<vmem>>[vector<16xi32>, vector<16xi32>], vector<16xf32>,
      %gather3A_984 = tpu.vector_load_idx %arg14[%add3A_982, %broadcast_in_dim3A_970] : memref<64x128xf32, #tpu.memory_space<vmem>>[vector<16xi32>, vector<16xi32>], vector<16xf32>,
      %mul3A_985 = arith.mulf %gather3A_983, %gather3A_984 : vector<16xf32>
      %add3A_986 = arith.addf %add3A_979, %mul3A_985 : vector<16xf32>
      %add3A_987 = arith.constant 32 : i32
      %add3A_988 = vector.broadcast %add3A_987 : i32 to vector<16xi32>
      %add3A_989 = arith.addi %add3A_988, %iota3A : vector<16xi32>
      %gather3A_990 = tpu.vector_load_idx %arg10[%add3A_989, %broadcast_in_dim3A_965] : memref<64x128xf32, #tpu.memory_space<vmem>>[vector<16xi32>, vector<16xi32>], vector<16xf32>,
      %gather3A_991 = tpu.vector_load_idx %arg14[%add3A_989, %broadcast_in_dim3A_970] : memref<64x128xf32, #tpu.memory_space<vmem>>[vector<16xi32>, vector<16xi32>], vector<16xf32>,
      %mul3A_992 = arith.mulf %gather3A_990, %gather3A_991 : vector<16xf32>
      %add3A_993 = arith.addf %add3A_986, %mul3A_992 : vector<16xf32>
      %add3A_994 = arith.constant 48 : i32
      %add3A_995 = vector.broadcast %add3A_994 : i32 to vector<16xi32>
      %add3A_996 = arith.addi %add3A_995, %iota3A : vector<16xi32>
      %gather3A_997 = tpu.vector_load_idx %arg10[%add3A_996, %broadcast_in_dim3A_965] : memref<64x128xf32, #tpu.memory_space<vmem>>[vector<16xi32>, vector<16xi32>], vector<16xf32>,
      %gather3A_998 = tpu.vector_load_idx %arg14[%add3A_996, %broadcast_in_dim3A_970] : memref<64x128xf32, #tpu.memory_space<vmem>>[vector<16xi32>, vector<16xi32>], vector<16xf32>,
      %mul3A_999 = arith.mulf %gather3A_997, %gather3A_998 : vector<16xf32>
      %add3A_1000 = arith.addf %add3A_993, %mul3A_999 : vector<16xf32>
      %reduce_sum3A_1001 = arith.constant true
      %reduce_sum3A_1002 = vector.broadcast %reduce_sum3A_1001 : i1 to vector<16xi1>
      %reduce_sum3A_1003 = tpu.scan <sum>, %add3A_1000 masked %reduce_sum3A_1002 : vector<16xf32>, vector<16xi1> -> vector<16xf32>
      %reduce_sum3A_1004 = vector.extract %reduce_sum3A_1003[15] : f32 from vector<16xf32>
      %eq3A_1005 = arith.constant 8 : i32
      %eq3A_1006 = vector.broadcast %eq3A_1005 : i32 to vector<16xi32>
      %eq3A_1007 = arith.cmpi eq, %iota3A, %eq3A_1006 : vector<16xi32>
      %broadcast_in_dim3A_1008 = vector.broadcast %reduce_sum3A_1004 : f32 to vector<16xf32>
      %select_n3A_1009 = arith.select %eq3A_1007, %broadcast_in_dim3A_1008, %select_n3A_916 : vector<16xi1>, vector<16xf32>
      %slice3A_1010 = vector.extract_strided_slice %get3A_164 {offsets = [12], sizes = [1], strides = [1]} : vector<16xi32> to vector<1xi32>
      %squeeze3A_1011 = vector.extract %slice3A_1010[0] : i32 from vector<1xi32>
      %shift_right_arithmetic3A_1012 = arith.constant 7 : i32
      %shift_right_arithmetic3A_1013 = arith.shrsi %squeeze3A_1011, %shift_right_arithmetic3A_1012 : i32
      %mul3A_1014 = arith.constant 128 : i32
      %mul3A_1015 = arith.muli %shift_right_arithmetic3A_1013, %mul3A_1014 : i32
      %multiple_of3A_1016 = tpu.assume_multiple %mul3A_1015, 128 : i32
      %slice3A_1017 = vector.extract_strided_slice %get3A_166 {offsets = [12], sizes = [1], strides = [1]} : vector<16xi32> to vector<1xi32>
      %squeeze3A_1018 = vector.extract %slice3A_1017[0] : i32 from vector<1xi32>
      %shift_right_arithmetic3A_1019 = arith.constant 7 : i32
      %shift_right_arithmetic3A_1020 = arith.shrsi %squeeze3A_1018, %shift_right_arithmetic3A_1019 : i32
      %mul3A_1021 = arith.constant 128 : i32
      %mul3A_1022 = arith.muli %shift_right_arithmetic3A_1020, %mul3A_1021 : i32
      %multiple_of3A_1023 = tpu.assume_multiple %mul3A_1022, 128 : i32
      %dma_start3A_1024 = arith.constant 0 : i32
      %dma_start3A_1025 = tpu.memref_slice %arg5[%dma_start3A_1024, %multiple_of3A_1016] : memref<64x1000000xf32, #tpu.memory_space<hbm>> -> memref<64x128xf32, #tpu.memory_space<hbm>>
      %dma_start3A_1026 = arith.constant 0 : i32
      %dma_start3A_1027 = tpu.memref_slice %arg5[%dma_start3A_1026, %multiple_of3A_1016] : memref<64x1000000xf32, #tpu.memory_space<hbm>> -> memref<64x128xf32, #tpu.memory_space<hbm>>
      tpu.enqueue_dma source(%dma_start3A_1027 : memref<64x128xf32, #tpu.memory_space<hbm>>) target(%arg10 : memref<64x128xf32, #tpu.memory_space<vmem>>) target_semaphore(%arg20 : memref<!tpu.dma_semaphore, #tpu.memory_space<semaphore_mem>>)
      %dma_start3A_1028 = arith.constant 0 : i32
      %dma_start3A_1029 = tpu.memref_slice %arg6[%dma_start3A_1028, %multiple_of3A_1023] : memref<64x1000000xf32, #tpu.memory_space<hbm>> -> memref<64x128xf32, #tpu.memory_space<hbm>>
      %dma_start3A_1030 = arith.constant 0 : i32
      %dma_start3A_1031 = tpu.memref_slice %arg6[%dma_start3A_1030, %multiple_of3A_1023] : memref<64x1000000xf32, #tpu.memory_space<hbm>> -> memref<64x128xf32, #tpu.memory_space<hbm>>
      tpu.enqueue_dma source(%dma_start3A_1031 : memref<64x128xf32, #tpu.memory_space<hbm>>) target(%arg14 : memref<64x128xf32, #tpu.memory_space<vmem>>) target_semaphore(%arg20 : memref<!tpu.dma_semaphore, #tpu.memory_space<semaphore_mem>>)
      %slice3A_1032 = vector.extract_strided_slice %get3A_164 {offsets = [9], sizes = [1], strides = [1]} : vector<16xi32> to vector<1xi32>
      %squeeze3A_1033 = vector.extract %slice3A_1032[0] : i32 from vector<1xi32>
      %shift_right_arithmetic3A_1034 = arith.constant 7 : i32
      %shift_right_arithmetic3A_1035 = arith.shrsi %squeeze3A_1033, %shift_right_arithmetic3A_1034 : i32
      %mul3A_1036 = arith.constant 128 : i32
      %mul3A_1037 = arith.muli %shift_right_arithmetic3A_1035, %mul3A_1036 : i32
      %multiple_of3A_1038 = tpu.assume_multiple %mul3A_1037, 128 : i32
      %slice3A_1039 = vector.extract_strided_slice %get3A_166 {offsets = [9], sizes = [1], strides = [1]} : vector<16xi32> to vector<1xi32>
      %squeeze3A_1040 = vector.extract %slice3A_1039[0] : i32 from vector<1xi32>
      %shift_right_arithmetic3A_1041 = arith.constant 7 : i32
      %shift_right_arithmetic3A_1042 = arith.shrsi %squeeze3A_1040, %shift_right_arithmetic3A_1041 : i32
      %mul3A_1043 = arith.constant 128 : i32
      %mul3A_1044 = arith.muli %shift_right_arithmetic3A_1042, %mul3A_1043 : i32
      %multiple_of3A_1045 = tpu.assume_multiple %mul3A_1044, 128 : i32
      %dma_wait3A_1046 = arith.constant 0 : i32
      %dma_wait3A_1047 = tpu.memref_slice %arg5[%dma_wait3A_1046, %multiple_of3A_1038] : memref<64x1000000xf32, #tpu.memory_space<hbm>> -> memref<64x128xf32, #tpu.memory_space<hbm>>
      %dma_wait3A_1048 = arith.constant 0 : i32
      %dma_wait3A_1049 = tpu.memref_slice %arg5[%dma_wait3A_1048, %multiple_of3A_1038] : memref<64x1000000xf32, #tpu.memory_space<hbm>> -> memref<64x128xf32, #tpu.memory_space<hbm>>
      tpu.wait_dma2 semaphore(%arg21 : memref<!tpu.dma_semaphore, #tpu.memory_space<semaphore_mem>>) src(%dma_wait3A_1049 : memref<64x128xf32, #tpu.memory_space<hbm>>) dst(%arg11 : memref<64x128xf32, #tpu.memory_space<vmem>>)
      %dma_wait3A_1050 = arith.constant 0 : i32
      %dma_wait3A_1051 = tpu.memref_slice %arg6[%dma_wait3A_1050, %multiple_of3A_1045] : memref<64x1000000xf32, #tpu.memory_space<hbm>> -> memref<64x128xf32, #tpu.memory_space<hbm>>
      %dma_wait3A_1052 = arith.constant 0 : i32
      %dma_wait3A_1053 = tpu.memref_slice %arg6[%dma_wait3A_1052, %multiple_of3A_1045] : memref<64x1000000xf32, #tpu.memory_space<hbm>> -> memref<64x128xf32, #tpu.memory_space<hbm>>
      tpu.wait_dma2 semaphore(%arg21 : memref<!tpu.dma_semaphore, #tpu.memory_space<semaphore_mem>>) src(%dma_wait3A_1053 : memref<64x128xf32, #tpu.memory_space<hbm>>) dst(%arg15 : memref<64x128xf32, #tpu.memory_space<vmem>>)
      %slice3A_1054 = vector.extract_strided_slice %get3A_164 {offsets = [9], sizes = [1], strides = [1]} : vector<16xi32> to vector<1xi32>
      %squeeze3A_1055 = vector.extract %slice3A_1054[0] : i32 from vector<1xi32>
      %and3A_1056 = arith.constant 127 : i32
      %and3A_1057 = arith.andi %squeeze3A_1055, %and3A_1056 : i32
      %broadcast_in_dim3A_1058 = vector.broadcast %and3A_1057 : i32 to vector<16xi32>
      %slice3A_1059 = vector.extract_strided_slice %get3A_166 {offsets = [9], sizes = [1], strides = [1]} : vector<16xi32> to vector<1xi32>
      %squeeze3A_1060 = vector.extract %slice3A_1059[0] : i32 from vector<1xi32>
      %and3A_1061 = arith.constant 127 : i32
      %and3A_1062 = arith.andi %squeeze3A_1060, %and3A_1061 : i32
      %broadcast_in_dim3A_1063 = vector.broadcast %and3A_1062 : i32 to vector<16xi32>
      %broadcast_in_dim3A_1064 = arith.constant 0.000000e+00 : f32
      %broadcast_in_dim3A_1065 = vector.broadcast %broadcast_in_dim3A_1064 : f32 to vector<16xf32>
      %add3A_1066 = arith.constant 0 : i32
      %add3A_1067 = vector.broadcast %add3A_1066 : i32 to vector<16xi32>
      %add3A_1068 = arith.addi %add3A_1067, %iota3A : vector<16xi32>
      %gather3A_1069 = tpu.vector_load_idx %arg11[%add3A_1068, %broadcast_in_dim3A_1058] : memref<64x128xf32, #tpu.memory_space<vmem>>[vector<16xi32>, vector<16xi32>], vector<16xf32>,
      %gather3A_1070 = tpu.vector_load_idx %arg15[%add3A_1068, %broadcast_in_dim3A_1063] : memref<64x128xf32, #tpu.memory_space<vmem>>[vector<16xi32>, vector<16xi32>], vector<16xf32>,
      %mul3A_1071 = arith.mulf %gather3A_1069, %gather3A_1070 : vector<16xf32>
      %add3A_1072 = arith.addf %broadcast_in_dim3A_1065, %mul3A_1071 : vector<16xf32>
      %add3A_1073 = arith.constant 16 : i32
      %add3A_1074 = vector.broadcast %add3A_1073 : i32 to vector<16xi32>
      %add3A_1075 = arith.addi %add3A_1074, %iota3A : vector<16xi32>
      %gather3A_1076 = tpu.vector_load_idx %arg11[%add3A_1075, %broadcast_in_dim3A_1058] : memref<64x128xf32, #tpu.memory_space<vmem>>[vector<16xi32>, vector<16xi32>], vector<16xf32>,
      %gather3A_1077 = tpu.vector_load_idx %arg15[%add3A_1075, %broadcast_in_dim3A_1063] : memref<64x128xf32, #tpu.memory_space<vmem>>[vector<16xi32>, vector<16xi32>], vector<16xf32>,
      %mul3A_1078 = arith.mulf %gather3A_1076, %gather3A_1077 : vector<16xf32>
      %add3A_1079 = arith.addf %add3A_1072, %mul3A_1078 : vector<16xf32>
      %add3A_1080 = arith.constant 32 : i32
      %add3A_1081 = vector.broadcast %add3A_1080 : i32 to vector<16xi32>
      %add3A_1082 = arith.addi %add3A_1081, %iota3A : vector<16xi32>
      %gather3A_1083 = tpu.vector_load_idx %arg11[%add3A_1082, %broadcast_in_dim3A_1058] : memref<64x128xf32, #tpu.memory_space<vmem>>[vector<16xi32>, vector<16xi32>], vector<16xf32>,
      %gather3A_1084 = tpu.vector_load_idx %arg15[%add3A_1082, %broadcast_in_dim3A_1063] : memref<64x128xf32, #tpu.memory_space<vmem>>[vector<16xi32>, vector<16xi32>], vector<16xf32>,
      %mul3A_1085 = arith.mulf %gather3A_1083, %gather3A_1084 : vector<16xf32>
      %add3A_1086 = arith.addf %add3A_1079, %mul3A_1085 : vector<16xf32>
      %add3A_1087 = arith.constant 48 : i32
      %add3A_1088 = vector.broadcast %add3A_1087 : i32 to vector<16xi32>
      %add3A_1089 = arith.addi %add3A_1088, %iota3A : vector<16xi32>
      %gather3A_1090 = tpu.vector_load_idx %arg11[%add3A_1089, %broadcast_in_dim3A_1058] : memref<64x128xf32, #tpu.memory_space<vmem>>[vector<16xi32>, vector<16xi32>], vector<16xf32>,
      %gather3A_1091 = tpu.vector_load_idx %arg15[%add3A_1089, %broadcast_in_dim3A_1063] : memref<64x128xf32, #tpu.memory_space<vmem>>[vector<16xi32>, vector<16xi32>], vector<16xf32>,
      %mul3A_1092 = arith.mulf %gather3A_1090, %gather3A_1091 : vector<16xf32>
      %add3A_1093 = arith.addf %add3A_1086, %mul3A_1092 : vector<16xf32>
      %reduce_sum3A_1094 = arith.constant true
      %reduce_sum3A_1095 = vector.broadcast %reduce_sum3A_1094 : i1 to vector<16xi1>
      %reduce_sum3A_1096 = tpu.scan <sum>, %add3A_1093 masked %reduce_sum3A_1095 : vector<16xf32>, vector<16xi1> -> vector<16xf32>
      %reduce_sum3A_1097 = vector.extract %reduce_sum3A_1096[15] : f32 from vector<16xf32>
      %eq3A_1098 = arith.constant 9 : i32
      %eq3A_1099 = vector.broadcast %eq3A_1098 : i32 to vector<16xi32>
      %eq3A_1100 = arith.cmpi eq, %iota3A, %eq3A_1099 : vector<16xi32>
      %broadcast_in_dim3A_1101 = vector.broadcast %reduce_sum3A_1097 : f32 to vector<16xf32>
      %select_n3A_1102 = arith.select %eq3A_1100, %broadcast_in_dim3A_1101, %select_n3A_1009 : vector<16xi1>, vector<16xf32>
      %slice3A_1103 = vector.extract_strided_slice %get3A_164 {offsets = [13], sizes = [1], strides = [1]} : vector<16xi32> to vector<1xi32>
      %squeeze3A_1104 = vector.extract %slice3A_1103[0] : i32 from vector<1xi32>
      %shift_right_arithmetic3A_1105 = arith.constant 7 : i32
      %shift_right_arithmetic3A_1106 = arith.shrsi %squeeze3A_1104, %shift_right_arithmetic3A_1105 : i32
      %mul3A_1107 = arith.constant 128 : i32
      %mul3A_1108 = arith.muli %shift_right_arithmetic3A_1106, %mul3A_1107 : i32
      %multiple_of3A_1109 = tpu.assume_multiple %mul3A_1108, 128 : i32
      %slice3A_1110 = vector.extract_strided_slice %get3A_166 {offsets = [13], sizes = [1], strides = [1]} : vector<16xi32> to vector<1xi32>
      %squeeze3A_1111 = vector.extract %slice3A_1110[0] : i32 from vector<1xi32>
      %shift_right_arithmetic3A_1112 = arith.constant 7 : i32
      %shift_right_arithmetic3A_1113 = arith.shrsi %squeeze3A_1111, %shift_right_arithmetic3A_1112 : i32
      %mul3A_1114 = arith.constant 128 : i32
      %mul3A_1115 = arith.muli %shift_right_arithmetic3A_1113, %mul3A_1114 : i32
      %multiple_of3A_1116 = tpu.assume_multiple %mul3A_1115, 128 : i32
      %dma_start3A_1117 = arith.constant 0 : i32
      %dma_start3A_1118 = tpu.memref_slice %arg5[%dma_start3A_1117, %multiple_of3A_1109] : memref<64x1000000xf32, #tpu.memory_space<hbm>> -> memref<64x128xf32, #tpu.memory_space<hbm>>
      %dma_start3A_1119 = arith.constant 0 : i32
      %dma_start3A_1120 = tpu.memref_slice %arg5[%dma_start3A_1119, %multiple_of3A_1109] : memref<64x1000000xf32, #tpu.memory_space<hbm>> -> memref<64x128xf32, #tpu.memory_space<hbm>>
      tpu.enqueue_dma source(%dma_start3A_1120 : memref<64x128xf32, #tpu.memory_space<hbm>>) target(%arg11 : memref<64x128xf32, #tpu.memory_space<vmem>>) target_semaphore(%arg21 : memref<!tpu.dma_semaphore, #tpu.memory_space<semaphore_mem>>)
      %dma_start3A_1121 = arith.constant 0 : i32
      %dma_start3A_1122 = tpu.memref_slice %arg6[%dma_start3A_1121, %multiple_of3A_1116] : memref<64x1000000xf32, #tpu.memory_space<hbm>> -> memref<64x128xf32, #tpu.memory_space<hbm>>
      %dma_start3A_1123 = arith.constant 0 : i32
      %dma_start3A_1124 = tpu.memref_slice %arg6[%dma_start3A_1123, %multiple_of3A_1116] : memref<64x1000000xf32, #tpu.memory_space<hbm>> -> memref<64x128xf32, #tpu.memory_space<hbm>>
      tpu.enqueue_dma source(%dma_start3A_1124 : memref<64x128xf32, #tpu.memory_space<hbm>>) target(%arg15 : memref<64x128xf32, #tpu.memory_space<vmem>>) target_semaphore(%arg21 : memref<!tpu.dma_semaphore, #tpu.memory_space<semaphore_mem>>)
      %slice3A_1125 = vector.extract_strided_slice %get3A_164 {offsets = [10], sizes = [1], strides = [1]} : vector<16xi32> to vector<1xi32>
      %squeeze3A_1126 = vector.extract %slice3A_1125[0] : i32 from vector<1xi32>
      %shift_right_arithmetic3A_1127 = arith.constant 7 : i32
      %shift_right_arithmetic3A_1128 = arith.shrsi %squeeze3A_1126, %shift_right_arithmetic3A_1127 : i32
      %mul3A_1129 = arith.constant 128 : i32
      %mul3A_1130 = arith.muli %shift_right_arithmetic3A_1128, %mul3A_1129 : i32
      %multiple_of3A_1131 = tpu.assume_multiple %mul3A_1130, 128 : i32
      %slice3A_1132 = vector.extract_strided_slice %get3A_166 {offsets = [10], sizes = [1], strides = [1]} : vector<16xi32> to vector<1xi32>
      %squeeze3A_1133 = vector.extract %slice3A_1132[0] : i32 from vector<1xi32>
      %shift_right_arithmetic3A_1134 = arith.constant 7 : i32
      %shift_right_arithmetic3A_1135 = arith.shrsi %squeeze3A_1133, %shift_right_arithmetic3A_1134 : i32
      %mul3A_1136 = arith.constant 128 : i32
      %mul3A_1137 = arith.muli %shift_right_arithmetic3A_1135, %mul3A_1136 : i32
      %multiple_of3A_1138 = tpu.assume_multiple %mul3A_1137, 128 : i32
      %dma_wait3A_1139 = arith.constant 0 : i32
      %dma_wait3A_1140 = tpu.memref_slice %arg5[%dma_wait3A_1139, %multiple_of3A_1131] : memref<64x1000000xf32, #tpu.memory_space<hbm>> -> memref<64x128xf32, #tpu.memory_space<hbm>>
      %dma_wait3A_1141 = arith.constant 0 : i32
      %dma_wait3A_1142 = tpu.memref_slice %arg5[%dma_wait3A_1141, %multiple_of3A_1131] : memref<64x1000000xf32, #tpu.memory_space<hbm>> -> memref<64x128xf32, #tpu.memory_space<hbm>>
      tpu.wait_dma2 semaphore(%arg22 : memref<!tpu.dma_semaphore, #tpu.memory_space<semaphore_mem>>) src(%dma_wait3A_1142 : memref<64x128xf32, #tpu.memory_space<hbm>>) dst(%arg12 : memref<64x128xf32, #tpu.memory_space<vmem>>)
      %dma_wait3A_1143 = arith.constant 0 : i32
      %dma_wait3A_1144 = tpu.memref_slice %arg6[%dma_wait3A_1143, %multiple_of3A_1138] : memref<64x1000000xf32, #tpu.memory_space<hbm>> -> memref<64x128xf32, #tpu.memory_space<hbm>>
      %dma_wait3A_1145 = arith.constant 0 : i32
      %dma_wait3A_1146 = tpu.memref_slice %arg6[%dma_wait3A_1145, %multiple_of3A_1138] : memref<64x1000000xf32, #tpu.memory_space<hbm>> -> memref<64x128xf32, #tpu.memory_space<hbm>>
      tpu.wait_dma2 semaphore(%arg22 : memref<!tpu.dma_semaphore, #tpu.memory_space<semaphore_mem>>) src(%dma_wait3A_1146 : memref<64x128xf32, #tpu.memory_space<hbm>>) dst(%arg16 : memref<64x128xf32, #tpu.memory_space<vmem>>)
      %slice3A_1147 = vector.extract_strided_slice %get3A_164 {offsets = [10], sizes = [1], strides = [1]} : vector<16xi32> to vector<1xi32>
      %squeeze3A_1148 = vector.extract %slice3A_1147[0] : i32 from vector<1xi32>
      %and3A_1149 = arith.constant 127 : i32
      %and3A_1150 = arith.andi %squeeze3A_1148, %and3A_1149 : i32
      %broadcast_in_dim3A_1151 = vector.broadcast %and3A_1150 : i32 to vector<16xi32>
      %slice3A_1152 = vector.extract_strided_slice %get3A_166 {offsets = [10], sizes = [1], strides = [1]} : vector<16xi32> to vector<1xi32>
      %squeeze3A_1153 = vector.extract %slice3A_1152[0] : i32 from vector<1xi32>
      %and3A_1154 = arith.constant 127 : i32
      %and3A_1155 = arith.andi %squeeze3A_1153, %and3A_1154 : i32
      %broadcast_in_dim3A_1156 = vector.broadcast %and3A_1155 : i32 to vector<16xi32>
      %broadcast_in_dim3A_1157 = arith.constant 0.000000e+00 : f32
      %broadcast_in_dim3A_1158 = vector.broadcast %broadcast_in_dim3A_1157 : f32 to vector<16xf32>
      %add3A_1159 = arith.constant 0 : i32
      %add3A_1160 = vector.broadcast %add3A_1159 : i32 to vector<16xi32>
      %add3A_1161 = arith.addi %add3A_1160, %iota3A : vector<16xi32>
      %gather3A_1162 = tpu.vector_load_idx %arg12[%add3A_1161, %broadcast_in_dim3A_1151] : memref<64x128xf32, #tpu.memory_space<vmem>>[vector<16xi32>, vector<16xi32>], vector<16xf32>,
      %gather3A_1163 = tpu.vector_load_idx %arg16[%add3A_1161, %broadcast_in_dim3A_1156] : memref<64x128xf32, #tpu.memory_space<vmem>>[vector<16xi32>, vector<16xi32>], vector<16xf32>,
      %mul3A_1164 = arith.mulf %gather3A_1162, %gather3A_1163 : vector<16xf32>
      %add3A_1165 = arith.addf %broadcast_in_dim3A_1158, %mul3A_1164 : vector<16xf32>
      %add3A_1166 = arith.constant 16 : i32
      %add3A_1167 = vector.broadcast %add3A_1166 : i32 to vector<16xi32>
      %add3A_1168 = arith.addi %add3A_1167, %iota3A : vector<16xi32>
      %gather3A_1169 = tpu.vector_load_idx %arg12[%add3A_1168, %broadcast_in_dim3A_1151] : memref<64x128xf32, #tpu.memory_space<vmem>>[vector<16xi32>, vector<16xi32>], vector<16xf32>,
      %gather3A_1170 = tpu.vector_load_idx %arg16[%add3A_1168, %broadcast_in_dim3A_1156] : memref<64x128xf32, #tpu.memory_space<vmem>>[vector<16xi32>, vector<16xi32>], vector<16xf32>,
      %mul3A_1171 = arith.mulf %gather3A_1169, %gather3A_1170 : vector<16xf32>
      %add3A_1172 = arith.addf %add3A_1165, %mul3A_1171 : vector<16xf32>
      %add3A_1173 = arith.constant 32 : i32
      %add3A_1174 = vector.broadcast %add3A_1173 : i32 to vector<16xi32>
      %add3A_1175 = arith.addi %add3A_1174, %iota3A : vector<16xi32>
      %gather3A_1176 = tpu.vector_load_idx %arg12[%add3A_1175, %broadcast_in_dim3A_1151] : memref<64x128xf32, #tpu.memory_space<vmem>>[vector<16xi32>, vector<16xi32>], vector<16xf32>,
      %gather3A_1177 = tpu.vector_load_idx %arg16[%add3A_1175, %broadcast_in_dim3A_1156] : memref<64x128xf32, #tpu.memory_space<vmem>>[vector<16xi32>, vector<16xi32>], vector<16xf32>,
      %mul3A_1178 = arith.mulf %gather3A_1176, %gather3A_1177 : vector<16xf32>
      %add3A_1179 = arith.addf %add3A_1172, %mul3A_1178 : vector<16xf32>
      %add3A_1180 = arith.constant 48 : i32
      %add3A_1181 = vector.broadcast %add3A_1180 : i32 to vector<16xi32>
      %add3A_1182 = arith.addi %add3A_1181, %iota3A : vector<16xi32>
      %gather3A_1183 = tpu.vector_load_idx %arg12[%add3A_1182, %broadcast_in_dim3A_1151] : memref<64x128xf32, #tpu.memory_space<vmem>>[vector<16xi32>, vector<16xi32>], vector<16xf32>,
      %gather3A_1184 = tpu.vector_load_idx %arg16[%add3A_1182, %broadcast_in_dim3A_1156] : memref<64x128xf32, #tpu.memory_space<vmem>>[vector<16xi32>, vector<16xi32>], vector<16xf32>,
      %mul3A_1185 = arith.mulf %gather3A_1183, %gather3A_1184 : vector<16xf32>
      %add3A_1186 = arith.addf %add3A_1179, %mul3A_1185 : vector<16xf32>
      %reduce_sum3A_1187 = arith.constant true
      %reduce_sum3A_1188 = vector.broadcast %reduce_sum3A_1187 : i1 to vector<16xi1>
      %reduce_sum3A_1189 = tpu.scan <sum>, %add3A_1186 masked %reduce_sum3A_1188 : vector<16xf32>, vector<16xi1> -> vector<16xf32>
      %reduce_sum3A_1190 = vector.extract %reduce_sum3A_1189[15] : f32 from vector<16xf32>
      %eq3A_1191 = arith.constant 10 : i32
      %eq3A_1192 = vector.broadcast %eq3A_1191 : i32 to vector<16xi32>
      %eq3A_1193 = arith.cmpi eq, %iota3A, %eq3A_1192 : vector<16xi32>
      %broadcast_in_dim3A_1194 = vector.broadcast %reduce_sum3A_1190 : f32 to vector<16xf32>
      %select_n3A_1195 = arith.select %eq3A_1193, %broadcast_in_dim3A_1194, %select_n3A_1102 : vector<16xi1>, vector<16xf32>
      %slice3A_1196 = vector.extract_strided_slice %get3A_164 {offsets = [14], sizes = [1], strides = [1]} : vector<16xi32> to vector<1xi32>
      %squeeze3A_1197 = vector.extract %slice3A_1196[0] : i32 from vector<1xi32>
      %shift_right_arithmetic3A_1198 = arith.constant 7 : i32
      %shift_right_arithmetic3A_1199 = arith.shrsi %squeeze3A_1197, %shift_right_arithmetic3A_1198 : i32
      %mul3A_1200 = arith.constant 128 : i32
      %mul3A_1201 = arith.muli %shift_right_arithmetic3A_1199, %mul3A_1200 : i32
      %multiple_of3A_1202 = tpu.assume_multiple %mul3A_1201, 128 : i32
      %slice3A_1203 = vector.extract_strided_slice %get3A_166 {offsets = [14], sizes = [1], strides = [1]} : vector<16xi32> to vector<1xi32>
      %squeeze3A_1204 = vector.extract %slice3A_1203[0] : i32 from vector<1xi32>
      %shift_right_arithmetic3A_1205 = arith.constant 7 : i32
      %shift_right_arithmetic3A_1206 = arith.shrsi %squeeze3A_1204, %shift_right_arithmetic3A_1205 : i32
      %mul3A_1207 = arith.constant 128 : i32
      %mul3A_1208 = arith.muli %shift_right_arithmetic3A_1206, %mul3A_1207 : i32
      %multiple_of3A_1209 = tpu.assume_multiple %mul3A_1208, 128 : i32
      %dma_start3A_1210 = arith.constant 0 : i32
      %dma_start3A_1211 = tpu.memref_slice %arg5[%dma_start3A_1210, %multiple_of3A_1202] : memref<64x1000000xf32, #tpu.memory_space<hbm>> -> memref<64x128xf32, #tpu.memory_space<hbm>>
      %dma_start3A_1212 = arith.constant 0 : i32
      %dma_start3A_1213 = tpu.memref_slice %arg5[%dma_start3A_1212, %multiple_of3A_1202] : memref<64x1000000xf32, #tpu.memory_space<hbm>> -> memref<64x128xf32, #tpu.memory_space<hbm>>
      tpu.enqueue_dma source(%dma_start3A_1213 : memref<64x128xf32, #tpu.memory_space<hbm>>) target(%arg12 : memref<64x128xf32, #tpu.memory_space<vmem>>) target_semaphore(%arg22 : memref<!tpu.dma_semaphore, #tpu.memory_space<semaphore_mem>>)
      %dma_start3A_1214 = arith.constant 0 : i32
      %dma_start3A_1215 = tpu.memref_slice %arg6[%dma_start3A_1214, %multiple_of3A_1209] : memref<64x1000000xf32, #tpu.memory_space<hbm>> -> memref<64x128xf32, #tpu.memory_space<hbm>>
      %dma_start3A_1216 = arith.constant 0 : i32
      %dma_start3A_1217 = tpu.memref_slice %arg6[%dma_start3A_1216, %multiple_of3A_1209] : memref<64x1000000xf32, #tpu.memory_space<hbm>> -> memref<64x128xf32, #tpu.memory_space<hbm>>
      tpu.enqueue_dma source(%dma_start3A_1217 : memref<64x128xf32, #tpu.memory_space<hbm>>) target(%arg16 : memref<64x128xf32, #tpu.memory_space<vmem>>) target_semaphore(%arg22 : memref<!tpu.dma_semaphore, #tpu.memory_space<semaphore_mem>>)
      %slice3A_1218 = vector.extract_strided_slice %get3A_164 {offsets = [11], sizes = [1], strides = [1]} : vector<16xi32> to vector<1xi32>
      %squeeze3A_1219 = vector.extract %slice3A_1218[0] : i32 from vector<1xi32>
      %shift_right_arithmetic3A_1220 = arith.constant 7 : i32
      %shift_right_arithmetic3A_1221 = arith.shrsi %squeeze3A_1219, %shift_right_arithmetic3A_1220 : i32
      %mul3A_1222 = arith.constant 128 : i32
      %mul3A_1223 = arith.muli %shift_right_arithmetic3A_1221, %mul3A_1222 : i32
      %multiple_of3A_1224 = tpu.assume_multiple %mul3A_1223, 128 : i32
      %slice3A_1225 = vector.extract_strided_slice %get3A_166 {offsets = [11], sizes = [1], strides = [1]} : vector<16xi32> to vector<1xi32>
      %squeeze3A_1226 = vector.extract %slice3A_1225[0] : i32 from vector<1xi32>
      %shift_right_arithmetic3A_1227 = arith.constant 7 : i32
      %shift_right_arithmetic3A_1228 = arith.shrsi %squeeze3A_1226, %shift_right_arithmetic3A_1227 : i32
      %mul3A_1229 = arith.constant 128 : i32
      %mul3A_1230 = arith.muli %shift_right_arithmetic3A_1228, %mul3A_1229 : i32
      %multiple_of3A_1231 = tpu.assume_multiple %mul3A_1230, 128 : i32
      %dma_wait3A_1232 = arith.constant 0 : i32
      %dma_wait3A_1233 = tpu.memref_slice %arg5[%dma_wait3A_1232, %multiple_of3A_1224] : memref<64x1000000xf32, #tpu.memory_space<hbm>> -> memref<64x128xf32, #tpu.memory_space<hbm>>
      %dma_wait3A_1234 = arith.constant 0 : i32
      %dma_wait3A_1235 = tpu.memref_slice %arg5[%dma_wait3A_1234, %multiple_of3A_1224] : memref<64x1000000xf32, #tpu.memory_space<hbm>> -> memref<64x128xf32, #tpu.memory_space<hbm>>
      tpu.wait_dma2 semaphore(%arg23 : memref<!tpu.dma_semaphore, #tpu.memory_space<semaphore_mem>>) src(%dma_wait3A_1235 : memref<64x128xf32, #tpu.memory_space<hbm>>) dst(%arg13 : memref<64x128xf32, #tpu.memory_space<vmem>>)
      %dma_wait3A_1236 = arith.constant 0 : i32
      %dma_wait3A_1237 = tpu.memref_slice %arg6[%dma_wait3A_1236, %multiple_of3A_1231] : memref<64x1000000xf32, #tpu.memory_space<hbm>> -> memref<64x128xf32, #tpu.memory_space<hbm>>
      %dma_wait3A_1238 = arith.constant 0 : i32
      %dma_wait3A_1239 = tpu.memref_slice %arg6[%dma_wait3A_1238, %multiple_of3A_1231] : memref<64x1000000xf32, #tpu.memory_space<hbm>> -> memref<64x128xf32, #tpu.memory_space<hbm>>
      tpu.wait_dma2 semaphore(%arg23 : memref<!tpu.dma_semaphore, #tpu.memory_space<semaphore_mem>>) src(%dma_wait3A_1239 : memref<64x128xf32, #tpu.memory_space<hbm>>) dst(%arg17 : memref<64x128xf32, #tpu.memory_space<vmem>>)
      %slice3A_1240 = vector.extract_strided_slice %get3A_164 {offsets = [11], sizes = [1], strides = [1]} : vector<16xi32> to vector<1xi32>
      %squeeze3A_1241 = vector.extract %slice3A_1240[0] : i32 from vector<1xi32>
      %and3A_1242 = arith.constant 127 : i32
      %and3A_1243 = arith.andi %squeeze3A_1241, %and3A_1242 : i32
      %broadcast_in_dim3A_1244 = vector.broadcast %and3A_1243 : i32 to vector<16xi32>
      %slice3A_1245 = vector.extract_strided_slice %get3A_166 {offsets = [11], sizes = [1], strides = [1]} : vector<16xi32> to vector<1xi32>
      %squeeze3A_1246 = vector.extract %slice3A_1245[0] : i32 from vector<1xi32>
      %and3A_1247 = arith.constant 127 : i32
      %and3A_1248 = arith.andi %squeeze3A_1246, %and3A_1247 : i32
      %broadcast_in_dim3A_1249 = vector.broadcast %and3A_1248 : i32 to vector<16xi32>
      %broadcast_in_dim3A_1250 = arith.constant 0.000000e+00 : f32
      %broadcast_in_dim3A_1251 = vector.broadcast %broadcast_in_dim3A_1250 : f32 to vector<16xf32>
      %add3A_1252 = arith.constant 0 : i32
      %add3A_1253 = vector.broadcast %add3A_1252 : i32 to vector<16xi32>
      %add3A_1254 = arith.addi %add3A_1253, %iota3A : vector<16xi32>
      %gather3A_1255 = tpu.vector_load_idx %arg13[%add3A_1254, %broadcast_in_dim3A_1244] : memref<64x128xf32, #tpu.memory_space<vmem>>[vector<16xi32>, vector<16xi32>], vector<16xf32>,
      %gather3A_1256 = tpu.vector_load_idx %arg17[%add3A_1254, %broadcast_in_dim3A_1249] : memref<64x128xf32, #tpu.memory_space<vmem>>[vector<16xi32>, vector<16xi32>], vector<16xf32>,
      %mul3A_1257 = arith.mulf %gather3A_1255, %gather3A_1256 : vector<16xf32>
      %add3A_1258 = arith.addf %broadcast_in_dim3A_1251, %mul3A_1257 : vector<16xf32>
      %add3A_1259 = arith.constant 16 : i32
      %add3A_1260 = vector.broadcast %add3A_1259 : i32 to vector<16xi32>
      %add3A_1261 = arith.addi %add3A_1260, %iota3A : vector<16xi32>
      %gather3A_1262 = tpu.vector_load_idx %arg13[%add3A_1261, %broadcast_in_dim3A_1244] : memref<64x128xf32, #tpu.memory_space<vmem>>[vector<16xi32>, vector<16xi32>], vector<16xf32>,
      %gather3A_1263 = tpu.vector_load_idx %arg17[%add3A_1261, %broadcast_in_dim3A_1249] : memref<64x128xf32, #tpu.memory_space<vmem>>[vector<16xi32>, vector<16xi32>], vector<16xf32>,
      %mul3A_1264 = arith.mulf %gather3A_1262, %gather3A_1263 : vector<16xf32>
      %add3A_1265 = arith.addf %add3A_1258, %mul3A_1264 : vector<16xf32>
      %add3A_1266 = arith.constant 32 : i32
      %add3A_1267 = vector.broadcast %add3A_1266 : i32 to vector<16xi32>
      %add3A_1268 = arith.addi %add3A_1267, %iota3A : vector<16xi32>
      %gather3A_1269 = tpu.vector_load_idx %arg13[%add3A_1268, %broadcast_in_dim3A_1244] : memref<64x128xf32, #tpu.memory_space<vmem>>[vector<16xi32>, vector<16xi32>], vector<16xf32>,
      %gather3A_1270 = tpu.vector_load_idx %arg17[%add3A_1268, %broadcast_in_dim3A_1249] : memref<64x128xf32, #tpu.memory_space<vmem>>[vector<16xi32>, vector<16xi32>], vector<16xf32>,
      %mul3A_1271 = arith.mulf %gather3A_1269, %gather3A_1270 : vector<16xf32>
      %add3A_1272 = arith.addf %add3A_1265, %mul3A_1271 : vector<16xf32>
      %add3A_1273 = arith.constant 48 : i32
      %add3A_1274 = vector.broadcast %add3A_1273 : i32 to vector<16xi32>
      %add3A_1275 = arith.addi %add3A_1274, %iota3A : vector<16xi32>
      %gather3A_1276 = tpu.vector_load_idx %arg13[%add3A_1275, %broadcast_in_dim3A_1244] : memref<64x128xf32, #tpu.memory_space<vmem>>[vector<16xi32>, vector<16xi32>], vector<16xf32>,
      %gather3A_1277 = tpu.vector_load_idx %arg17[%add3A_1275, %broadcast_in_dim3A_1249] : memref<64x128xf32, #tpu.memory_space<vmem>>[vector<16xi32>, vector<16xi32>], vector<16xf32>,
      %mul3A_1278 = arith.mulf %gather3A_1276, %gather3A_1277 : vector<16xf32>
      %add3A_1279 = arith.addf %add3A_1272, %mul3A_1278 : vector<16xf32>
      %reduce_sum3A_1280 = arith.constant true
      %reduce_sum3A_1281 = vector.broadcast %reduce_sum3A_1280 : i1 to vector<16xi1>
      %reduce_sum3A_1282 = tpu.scan <sum>, %add3A_1279 masked %reduce_sum3A_1281 : vector<16xf32>, vector<16xi1> -> vector<16xf32>
      %reduce_sum3A_1283 = vector.extract %reduce_sum3A_1282[15] : f32 from vector<16xf32>
      %eq3A_1284 = arith.constant 11 : i32
      %eq3A_1285 = vector.broadcast %eq3A_1284 : i32 to vector<16xi32>
      %eq3A_1286 = arith.cmpi eq, %iota3A, %eq3A_1285 : vector<16xi32>
      %broadcast_in_dim3A_1287 = vector.broadcast %reduce_sum3A_1283 : f32 to vector<16xf32>
      %select_n3A_1288 = arith.select %eq3A_1286, %broadcast_in_dim3A_1287, %select_n3A_1195 : vector<16xi1>, vector<16xf32>
      %slice3A_1289 = vector.extract_strided_slice %get3A_164 {offsets = [15], sizes = [1], strides = [1]} : vector<16xi32> to vector<1xi32>
      %squeeze3A_1290 = vector.extract %slice3A_1289[0] : i32 from vector<1xi32>
      %shift_right_arithmetic3A_1291 = arith.constant 7 : i32
      %shift_right_arithmetic3A_1292 = arith.shrsi %squeeze3A_1290, %shift_right_arithmetic3A_1291 : i32
      %mul3A_1293 = arith.constant 128 : i32
      %mul3A_1294 = arith.muli %shift_right_arithmetic3A_1292, %mul3A_1293 : i32
      %multiple_of3A_1295 = tpu.assume_multiple %mul3A_1294, 128 : i32
      %slice3A_1296 = vector.extract_strided_slice %get3A_166 {offsets = [15], sizes = [1], strides = [1]} : vector<16xi32> to vector<1xi32>
      %squeeze3A_1297 = vector.extract %slice3A_1296[0] : i32 from vector<1xi32>
      %shift_right_arithmetic3A_1298 = arith.constant 7 : i32
      %shift_right_arithmetic3A_1299 = arith.shrsi %squeeze3A_1297, %shift_right_arithmetic3A_1298 : i32
      %mul3A_1300 = arith.constant 128 : i32
      %mul3A_1301 = arith.muli %shift_right_arithmetic3A_1299, %mul3A_1300 : i32
      %multiple_of3A_1302 = tpu.assume_multiple %mul3A_1301, 128 : i32
      %dma_start3A_1303 = arith.constant 0 : i32
      %dma_start3A_1304 = tpu.memref_slice %arg5[%dma_start3A_1303, %multiple_of3A_1295] : memref<64x1000000xf32, #tpu.memory_space<hbm>> -> memref<64x128xf32, #tpu.memory_space<hbm>>
      %dma_start3A_1305 = arith.constant 0 : i32
      %dma_start3A_1306 = tpu.memref_slice %arg5[%dma_start3A_1305, %multiple_of3A_1295] : memref<64x1000000xf32, #tpu.memory_space<hbm>> -> memref<64x128xf32, #tpu.memory_space<hbm>>
      tpu.enqueue_dma source(%dma_start3A_1306 : memref<64x128xf32, #tpu.memory_space<hbm>>) target(%arg13 : memref<64x128xf32, #tpu.memory_space<vmem>>) target_semaphore(%arg23 : memref<!tpu.dma_semaphore, #tpu.memory_space<semaphore_mem>>)
      %dma_start3A_1307 = arith.constant 0 : i32
      %dma_start3A_1308 = tpu.memref_slice %arg6[%dma_start3A_1307, %multiple_of3A_1302] : memref<64x1000000xf32, #tpu.memory_space<hbm>> -> memref<64x128xf32, #tpu.memory_space<hbm>>
      %dma_start3A_1309 = arith.constant 0 : i32
      %dma_start3A_1310 = tpu.memref_slice %arg6[%dma_start3A_1309, %multiple_of3A_1302] : memref<64x1000000xf32, #tpu.memory_space<hbm>> -> memref<64x128xf32, #tpu.memory_space<hbm>>
      tpu.enqueue_dma source(%dma_start3A_1310 : memref<64x128xf32, #tpu.memory_space<hbm>>) target(%arg17 : memref<64x128xf32, #tpu.memory_space<vmem>>) target_semaphore(%arg23 : memref<!tpu.dma_semaphore, #tpu.memory_space<semaphore_mem>>)
      %slice3A_1311 = vector.extract_strided_slice %get3A_164 {offsets = [12], sizes = [1], strides = [1]} : vector<16xi32> to vector<1xi32>
      %squeeze3A_1312 = vector.extract %slice3A_1311[0] : i32 from vector<1xi32>
      %shift_right_arithmetic3A_1313 = arith.constant 7 : i32
      %shift_right_arithmetic3A_1314 = arith.shrsi %squeeze3A_1312, %shift_right_arithmetic3A_1313 : i32
      %mul3A_1315 = arith.constant 128 : i32
      %mul3A_1316 = arith.muli %shift_right_arithmetic3A_1314, %mul3A_1315 : i32
      %multiple_of3A_1317 = tpu.assume_multiple %mul3A_1316, 128 : i32
      %slice3A_1318 = vector.extract_strided_slice %get3A_166 {offsets = [12], sizes = [1], strides = [1]} : vector<16xi32> to vector<1xi32>
      %squeeze3A_1319 = vector.extract %slice3A_1318[0] : i32 from vector<1xi32>
      %shift_right_arithmetic3A_1320 = arith.constant 7 : i32
      %shift_right_arithmetic3A_1321 = arith.shrsi %squeeze3A_1319, %shift_right_arithmetic3A_1320 : i32
      %mul3A_1322 = arith.constant 128 : i32
      %mul3A_1323 = arith.muli %shift_right_arithmetic3A_1321, %mul3A_1322 : i32
      %multiple_of3A_1324 = tpu.assume_multiple %mul3A_1323, 128 : i32
      %dma_wait3A_1325 = arith.constant 0 : i32
      %dma_wait3A_1326 = tpu.memref_slice %arg5[%dma_wait3A_1325, %multiple_of3A_1317] : memref<64x1000000xf32, #tpu.memory_space<hbm>> -> memref<64x128xf32, #tpu.memory_space<hbm>>
      %dma_wait3A_1327 = arith.constant 0 : i32
      %dma_wait3A_1328 = tpu.memref_slice %arg5[%dma_wait3A_1327, %multiple_of3A_1317] : memref<64x1000000xf32, #tpu.memory_space<hbm>> -> memref<64x128xf32, #tpu.memory_space<hbm>>
      tpu.wait_dma2 semaphore(%arg20 : memref<!tpu.dma_semaphore, #tpu.memory_space<semaphore_mem>>) src(%dma_wait3A_1328 : memref<64x128xf32, #tpu.memory_space<hbm>>) dst(%arg10 : memref<64x128xf32, #tpu.memory_space<vmem>>)
      %dma_wait3A_1329 = arith.constant 0 : i32
      %dma_wait3A_1330 = tpu.memref_slice %arg6[%dma_wait3A_1329, %multiple_of3A_1324] : memref<64x1000000xf32, #tpu.memory_space<hbm>> -> memref<64x128xf32, #tpu.memory_space<hbm>>
      %dma_wait3A_1331 = arith.constant 0 : i32
      %dma_wait3A_1332 = tpu.memref_slice %arg6[%dma_wait3A_1331, %multiple_of3A_1324] : memref<64x1000000xf32, #tpu.memory_space<hbm>> -> memref<64x128xf32, #tpu.memory_space<hbm>>
      tpu.wait_dma2 semaphore(%arg20 : memref<!tpu.dma_semaphore, #tpu.memory_space<semaphore_mem>>) src(%dma_wait3A_1332 : memref<64x128xf32, #tpu.memory_space<hbm>>) dst(%arg14 : memref<64x128xf32, #tpu.memory_space<vmem>>)
      %slice3A_1333 = vector.extract_strided_slice %get3A_164 {offsets = [12], sizes = [1], strides = [1]} : vector<16xi32> to vector<1xi32>
      %squeeze3A_1334 = vector.extract %slice3A_1333[0] : i32 from vector<1xi32>
      %and3A_1335 = arith.constant 127 : i32
      %and3A_1336 = arith.andi %squeeze3A_1334, %and3A_1335 : i32
      %broadcast_in_dim3A_1337 = vector.broadcast %and3A_1336 : i32 to vector<16xi32>
      %slice3A_1338 = vector.extract_strided_slice %get3A_166 {offsets = [12], sizes = [1], strides = [1]} : vector<16xi32> to vector<1xi32>
      %squeeze3A_1339 = vector.extract %slice3A_1338[0] : i32 from vector<1xi32>
      %and3A_1340 = arith.constant 127 : i32
      %and3A_1341 = arith.andi %squeeze3A_1339, %and3A_1340 : i32
      %broadcast_in_dim3A_1342 = vector.broadcast %and3A_1341 : i32 to vector<16xi32>
      %broadcast_in_dim3A_1343 = arith.constant 0.000000e+00 : f32
      %broadcast_in_dim3A_1344 = vector.broadcast %broadcast_in_dim3A_1343 : f32 to vector<16xf32>
      %add3A_1345 = arith.constant 0 : i32
      %add3A_1346 = vector.broadcast %add3A_1345 : i32 to vector<16xi32>
      %add3A_1347 = arith.addi %add3A_1346, %iota3A : vector<16xi32>
      %gather3A_1348 = tpu.vector_load_idx %arg10[%add3A_1347, %broadcast_in_dim3A_1337] : memref<64x128xf32, #tpu.memory_space<vmem>>[vector<16xi32>, vector<16xi32>], vector<16xf32>,
      %gather3A_1349 = tpu.vector_load_idx %arg14[%add3A_1347, %broadcast_in_dim3A_1342] : memref<64x128xf32, #tpu.memory_space<vmem>>[vector<16xi32>, vector<16xi32>], vector<16xf32>,
      %mul3A_1350 = arith.mulf %gather3A_1348, %gather3A_1349 : vector<16xf32>
      %add3A_1351 = arith.addf %broadcast_in_dim3A_1344, %mul3A_1350 : vector<16xf32>
      %add3A_1352 = arith.constant 16 : i32
      %add3A_1353 = vector.broadcast %add3A_1352 : i32 to vector<16xi32>
      %add3A_1354 = arith.addi %add3A_1353, %iota3A : vector<16xi32>
      %gather3A_1355 = tpu.vector_load_idx %arg10[%add3A_1354, %broadcast_in_dim3A_1337] : memref<64x128xf32, #tpu.memory_space<vmem>>[vector<16xi32>, vector<16xi32>], vector<16xf32>,
      %gather3A_1356 = tpu.vector_load_idx %arg14[%add3A_1354, %broadcast_in_dim3A_1342] : memref<64x128xf32, #tpu.memory_space<vmem>>[vector<16xi32>, vector<16xi32>], vector<16xf32>,
      %mul3A_1357 = arith.mulf %gather3A_1355, %gather3A_1356 : vector<16xf32>
      %add3A_1358 = arith.addf %add3A_1351, %mul3A_1357 : vector<16xf32>
      %add3A_1359 = arith.constant 32 : i32
      %add3A_1360 = vector.broadcast %add3A_1359 : i32 to vector<16xi32>
      %add3A_1361 = arith.addi %add3A_1360, %iota3A : vector<16xi32>
      %gather3A_1362 = tpu.vector_load_idx %arg10[%add3A_1361, %broadcast_in_dim3A_1337] : memref<64x128xf32, #tpu.memory_space<vmem>>[vector<16xi32>, vector<16xi32>], vector<16xf32>,
      %gather3A_1363 = tpu.vector_load_idx %arg14[%add3A_1361, %broadcast_in_dim3A_1342] : memref<64x128xf32, #tpu.memory_space<vmem>>[vector<16xi32>, vector<16xi32>], vector<16xf32>,
      %mul3A_1364 = arith.mulf %gather3A_1362, %gather3A_1363 : vector<16xf32>
      %add3A_1365 = arith.addf %add3A_1358, %mul3A_1364 : vector<16xf32>
      %add3A_1366 = arith.constant 48 : i32
      %add3A_1367 = vector.broadcast %add3A_1366 : i32 to vector<16xi32>
      %add3A_1368 = arith.addi %add3A_1367, %iota3A : vector<16xi32>
      %gather3A_1369 = tpu.vector_load_idx %arg10[%add3A_1368, %broadcast_in_dim3A_1337] : memref<64x128xf32, #tpu.memory_space<vmem>>[vector<16xi32>, vector<16xi32>], vector<16xf32>,
      %gather3A_1370 = tpu.vector_load_idx %arg14[%add3A_1368, %broadcast_in_dim3A_1342] : memref<64x128xf32, #tpu.memory_space<vmem>>[vector<16xi32>, vector<16xi32>], vector<16xf32>,
      %mul3A_1371 = arith.mulf %gather3A_1369, %gather3A_1370 : vector<16xf32>
      %add3A_1372 = arith.addf %add3A_1365, %mul3A_1371 : vector<16xf32>
      %reduce_sum3A_1373 = arith.constant true
      %reduce_sum3A_1374 = vector.broadcast %reduce_sum3A_1373 : i1 to vector<16xi1>
      %reduce_sum3A_1375 = tpu.scan <sum>, %add3A_1372 masked %reduce_sum3A_1374 : vector<16xf32>, vector<16xi1> -> vector<16xf32>
      %reduce_sum3A_1376 = vector.extract %reduce_sum3A_1375[15] : f32 from vector<16xf32>
      %eq3A_1377 = arith.constant 12 : i32
      %eq3A_1378 = vector.broadcast %eq3A_1377 : i32 to vector<16xi32>
      %eq3A_1379 = arith.cmpi eq, %iota3A, %eq3A_1378 : vector<16xi32>
      %broadcast_in_dim3A_1380 = vector.broadcast %reduce_sum3A_1376 : f32 to vector<16xf32>
      %select_n3A_1381 = arith.select %eq3A_1379, %broadcast_in_dim3A_1380, %select_n3A_1288 : vector<16xi1>, vector<16xf32>
      %slice3A_1382 = vector.extract_strided_slice %get3A_173 {offsets = [0], sizes = [1], strides = [1]} : vector<16xi32> to vector<1xi32>
      %squeeze3A_1383 = vector.extract %slice3A_1382[0] : i32 from vector<1xi32>
      %shift_right_arithmetic3A_1384 = arith.constant 7 : i32
      %shift_right_arithmetic3A_1385 = arith.shrsi %squeeze3A_1383, %shift_right_arithmetic3A_1384 : i32
      %mul3A_1386 = arith.constant 128 : i32
      %mul3A_1387 = arith.muli %shift_right_arithmetic3A_1385, %mul3A_1386 : i32
      %multiple_of3A_1388 = tpu.assume_multiple %mul3A_1387, 128 : i32
      %slice3A_1389 = vector.extract_strided_slice %get3A_175 {offsets = [0], sizes = [1], strides = [1]} : vector<16xi32> to vector<1xi32>
      %squeeze3A_1390 = vector.extract %slice3A_1389[0] : i32 from vector<1xi32>
      %shift_right_arithmetic3A_1391 = arith.constant 7 : i32
      %shift_right_arithmetic3A_1392 = arith.shrsi %squeeze3A_1390, %shift_right_arithmetic3A_1391 : i32
      %mul3A_1393 = arith.constant 128 : i32
      %mul3A_1394 = arith.muli %shift_right_arithmetic3A_1392, %mul3A_1393 : i32
      %multiple_of3A_1395 = tpu.assume_multiple %mul3A_1394, 128 : i32
      %dma_start3A_1396 = arith.constant 0 : i32
      %dma_start3A_1397 = tpu.memref_slice %arg5[%dma_start3A_1396, %multiple_of3A_1388] : memref<64x1000000xf32, #tpu.memory_space<hbm>> -> memref<64x128xf32, #tpu.memory_space<hbm>>
      %dma_start3A_1398 = arith.constant 0 : i32
      %dma_start3A_1399 = tpu.memref_slice %arg5[%dma_start3A_1398, %multiple_of3A_1388] : memref<64x1000000xf32, #tpu.memory_space<hbm>> -> memref<64x128xf32, #tpu.memory_space<hbm>>
      tpu.enqueue_dma source(%dma_start3A_1399 : memref<64x128xf32, #tpu.memory_space<hbm>>) target(%arg10 : memref<64x128xf32, #tpu.memory_space<vmem>>) target_semaphore(%arg20 : memref<!tpu.dma_semaphore, #tpu.memory_space<semaphore_mem>>)
      %dma_start3A_1400 = arith.constant 0 : i32
      %dma_start3A_1401 = tpu.memref_slice %arg6[%dma_start3A_1400, %multiple_of3A_1395] : memref<64x1000000xf32, #tpu.memory_space<hbm>> -> memref<64x128xf32, #tpu.memory_space<hbm>>
      %dma_start3A_1402 = arith.constant 0 : i32
      %dma_start3A_1403 = tpu.memref_slice %arg6[%dma_start3A_1402, %multiple_of3A_1395] : memref<64x1000000xf32, #tpu.memory_space<hbm>> -> memref<64x128xf32, #tpu.memory_space<hbm>>
      tpu.enqueue_dma source(%dma_start3A_1403 : memref<64x128xf32, #tpu.memory_space<hbm>>) target(%arg14 : memref<64x128xf32, #tpu.memory_space<vmem>>) target_semaphore(%arg20 : memref<!tpu.dma_semaphore, #tpu.memory_space<semaphore_mem>>)
      %slice3A_1404 = vector.extract_strided_slice %get3A_164 {offsets = [13], sizes = [1], strides = [1]} : vector<16xi32> to vector<1xi32>
      %squeeze3A_1405 = vector.extract %slice3A_1404[0] : i32 from vector<1xi32>
      %shift_right_arithmetic3A_1406 = arith.constant 7 : i32
      %shift_right_arithmetic3A_1407 = arith.shrsi %squeeze3A_1405, %shift_right_arithmetic3A_1406 : i32
      %mul3A_1408 = arith.constant 128 : i32
      %mul3A_1409 = arith.muli %shift_right_arithmetic3A_1407, %mul3A_1408 : i32
      %multiple_of3A_1410 = tpu.assume_multiple %mul3A_1409, 128 : i32
      %slice3A_1411 = vector.extract_strided_slice %get3A_166 {offsets = [13], sizes = [1], strides = [1]} : vector<16xi32> to vector<1xi32>
      %squeeze3A_1412 = vector.extract %slice3A_1411[0] : i32 from vector<1xi32>
      %shift_right_arithmetic3A_1413 = arith.constant 7 : i32
      %shift_right_arithmetic3A_1414 = arith.shrsi %squeeze3A_1412, %shift_right_arithmetic3A_1413 : i32
      %mul3A_1415 = arith.constant 128 : i32
      %mul3A_1416 = arith.muli %shift_right_arithmetic3A_1414, %mul3A_1415 : i32
      %multiple_of3A_1417 = tpu.assume_multiple %mul3A_1416, 128 : i32
      %dma_wait3A_1418 = arith.constant 0 : i32
      %dma_wait3A_1419 = tpu.memref_slice %arg5[%dma_wait3A_1418, %multiple_of3A_1410] : memref<64x1000000xf32, #tpu.memory_space<hbm>> -> memref<64x128xf32, #tpu.memory_space<hbm>>
      %dma_wait3A_1420 = arith.constant 0 : i32
      %dma_wait3A_1421 = tpu.memref_slice %arg5[%dma_wait3A_1420, %multiple_of3A_1410] : memref<64x1000000xf32, #tpu.memory_space<hbm>> -> memref<64x128xf32, #tpu.memory_space<hbm>>
      tpu.wait_dma2 semaphore(%arg21 : memref<!tpu.dma_semaphore, #tpu.memory_space<semaphore_mem>>) src(%dma_wait3A_1421 : memref<64x128xf32, #tpu.memory_space<hbm>>) dst(%arg11 : memref<64x128xf32, #tpu.memory_space<vmem>>)
      %dma_wait3A_1422 = arith.constant 0 : i32
      %dma_wait3A_1423 = tpu.memref_slice %arg6[%dma_wait3A_1422, %multiple_of3A_1417] : memref<64x1000000xf32, #tpu.memory_space<hbm>> -> memref<64x128xf32, #tpu.memory_space<hbm>>
      %dma_wait3A_1424 = arith.constant 0 : i32
      %dma_wait3A_1425 = tpu.memref_slice %arg6[%dma_wait3A_1424, %multiple_of3A_1417] : memref<64x1000000xf32, #tpu.memory_space<hbm>> -> memref<64x128xf32, #tpu.memory_space<hbm>>
      tpu.wait_dma2 semaphore(%arg21 : memref<!tpu.dma_semaphore, #tpu.memory_space<semaphore_mem>>) src(%dma_wait3A_1425 : memref<64x128xf32, #tpu.memory_space<hbm>>) dst(%arg15 : memref<64x128xf32, #tpu.memory_space<vmem>>)
      %slice3A_1426 = vector.extract_strided_slice %get3A_164 {offsets = [13], sizes = [1], strides = [1]} : vector<16xi32> to vector<1xi32>
      %squeeze3A_1427 = vector.extract %slice3A_1426[0] : i32 from vector<1xi32>
      %and3A_1428 = arith.constant 127 : i32
      %and3A_1429 = arith.andi %squeeze3A_1427, %and3A_1428 : i32
      %broadcast_in_dim3A_1430 = vector.broadcast %and3A_1429 : i32 to vector<16xi32>
      %slice3A_1431 = vector.extract_strided_slice %get3A_166 {offsets = [13], sizes = [1], strides = [1]} : vector<16xi32> to vector<1xi32>
      %squeeze3A_1432 = vector.extract %slice3A_1431[0] : i32 from vector<1xi32>
      %and3A_1433 = arith.constant 127 : i32
      %and3A_1434 = arith.andi %squeeze3A_1432, %and3A_1433 : i32
      %broadcast_in_dim3A_1435 = vector.broadcast %and3A_1434 : i32 to vector<16xi32>
      %broadcast_in_dim3A_1436 = arith.constant 0.000000e+00 : f32
      %broadcast_in_dim3A_1437 = vector.broadcast %broadcast_in_dim3A_1436 : f32 to vector<16xf32>
      %add3A_1438 = arith.constant 0 : i32
      %add3A_1439 = vector.broadcast %add3A_1438 : i32 to vector<16xi32>
      %add3A_1440 = arith.addi %add3A_1439, %iota3A : vector<16xi32>
      %gather3A_1441 = tpu.vector_load_idx %arg11[%add3A_1440, %broadcast_in_dim3A_1430] : memref<64x128xf32, #tpu.memory_space<vmem>>[vector<16xi32>, vector<16xi32>], vector<16xf32>,
      %gather3A_1442 = tpu.vector_load_idx %arg15[%add3A_1440, %broadcast_in_dim3A_1435] : memref<64x128xf32, #tpu.memory_space<vmem>>[vector<16xi32>, vector<16xi32>], vector<16xf32>,
      %mul3A_1443 = arith.mulf %gather3A_1441, %gather3A_1442 : vector<16xf32>
      %add3A_1444 = arith.addf %broadcast_in_dim3A_1437, %mul3A_1443 : vector<16xf32>
      %add3A_1445 = arith.constant 16 : i32
      %add3A_1446 = vector.broadcast %add3A_1445 : i32 to vector<16xi32>
      %add3A_1447 = arith.addi %add3A_1446, %iota3A : vector<16xi32>
      %gather3A_1448 = tpu.vector_load_idx %arg11[%add3A_1447, %broadcast_in_dim3A_1430] : memref<64x128xf32, #tpu.memory_space<vmem>>[vector<16xi32>, vector<16xi32>], vector<16xf32>,
      %gather3A_1449 = tpu.vector_load_idx %arg15[%add3A_1447, %broadcast_in_dim3A_1435] : memref<64x128xf32, #tpu.memory_space<vmem>>[vector<16xi32>, vector<16xi32>], vector<16xf32>,
      %mul3A_1450 = arith.mulf %gather3A_1448, %gather3A_1449 : vector<16xf32>
      %add3A_1451 = arith.addf %add3A_1444, %mul3A_1450 : vector<16xf32>
      %add3A_1452 = arith.constant 32 : i32
      %add3A_1453 = vector.broadcast %add3A_1452 : i32 to vector<16xi32>
      %add3A_1454 = arith.addi %add3A_1453, %iota3A : vector<16xi32>
      %gather3A_1455 = tpu.vector_load_idx %arg11[%add3A_1454, %broadcast_in_dim3A_1430] : memref<64x128xf32, #tpu.memory_space<vmem>>[vector<16xi32>, vector<16xi32>], vector<16xf32>,
      %gather3A_1456 = tpu.vector_load_idx %arg15[%add3A_1454, %broadcast_in_dim3A_1435] : memref<64x128xf32, #tpu.memory_space<vmem>>[vector<16xi32>, vector<16xi32>], vector<16xf32>,
      %mul3A_1457 = arith.mulf %gather3A_1455, %gather3A_1456 : vector<16xf32>
      %add3A_1458 = arith.addf %add3A_1451, %mul3A_1457 : vector<16xf32>
      %add3A_1459 = arith.constant 48 : i32
      %add3A_1460 = vector.broadcast %add3A_1459 : i32 to vector<16xi32>
      %add3A_1461 = arith.addi %add3A_1460, %iota3A : vector<16xi32>
      %gather3A_1462 = tpu.vector_load_idx %arg11[%add3A_1461, %broadcast_in_dim3A_1430] : memref<64x128xf32, #tpu.memory_space<vmem>>[vector<16xi32>, vector<16xi32>], vector<16xf32>,
      %gather3A_1463 = tpu.vector_load_idx %arg15[%add3A_1461, %broadcast_in_dim3A_1435] : memref<64x128xf32, #tpu.memory_space<vmem>>[vector<16xi32>, vector<16xi32>], vector<16xf32>,
      %mul3A_1464 = arith.mulf %gather3A_1462, %gather3A_1463 : vector<16xf32>
      %add3A_1465 = arith.addf %add3A_1458, %mul3A_1464 : vector<16xf32>
      %reduce_sum3A_1466 = arith.constant true
      %reduce_sum3A_1467 = vector.broadcast %reduce_sum3A_1466 : i1 to vector<16xi1>
      %reduce_sum3A_1468 = tpu.scan <sum>, %add3A_1465 masked %reduce_sum3A_1467 : vector<16xf32>, vector<16xi1> -> vector<16xf32>
      %reduce_sum3A_1469 = vector.extract %reduce_sum3A_1468[15] : f32 from vector<16xf32>
      %eq3A_1470 = arith.constant 13 : i32
      %eq3A_1471 = vector.broadcast %eq3A_1470 : i32 to vector<16xi32>
      %eq3A_1472 = arith.cmpi eq, %iota3A, %eq3A_1471 : vector<16xi32>
      %broadcast_in_dim3A_1473 = vector.broadcast %reduce_sum3A_1469 : f32 to vector<16xf32>
      %select_n3A_1474 = arith.select %eq3A_1472, %broadcast_in_dim3A_1473, %select_n3A_1381 : vector<16xi1>, vector<16xf32>
      %slice3A_1475 = vector.extract_strided_slice %get3A_173 {offsets = [1], sizes = [1], strides = [1]} : vector<16xi32> to vector<1xi32>
      %squeeze3A_1476 = vector.extract %slice3A_1475[0] : i32 from vector<1xi32>
      %shift_right_arithmetic3A_1477 = arith.constant 7 : i32
      %shift_right_arithmetic3A_1478 = arith.shrsi %squeeze3A_1476, %shift_right_arithmetic3A_1477 : i32
      %mul3A_1479 = arith.constant 128 : i32
      %mul3A_1480 = arith.muli %shift_right_arithmetic3A_1478, %mul3A_1479 : i32
      %multiple_of3A_1481 = tpu.assume_multiple %mul3A_1480, 128 : i32
      %slice3A_1482 = vector.extract_strided_slice %get3A_175 {offsets = [1], sizes = [1], strides = [1]} : vector<16xi32> to vector<1xi32>
      %squeeze3A_1483 = vector.extract %slice3A_1482[0] : i32 from vector<1xi32>
      %shift_right_arithmetic3A_1484 = arith.constant 7 : i32
      %shift_right_arithmetic3A_1485 = arith.shrsi %squeeze3A_1483, %shift_right_arithmetic3A_1484 : i32
      %mul3A_1486 = arith.constant 128 : i32
      %mul3A_1487 = arith.muli %shift_right_arithmetic3A_1485, %mul3A_1486 : i32
      %multiple_of3A_1488 = tpu.assume_multiple %mul3A_1487, 128 : i32
      %dma_start3A_1489 = arith.constant 0 : i32
      %dma_start3A_1490 = tpu.memref_slice %arg5[%dma_start3A_1489, %multiple_of3A_1481] : memref<64x1000000xf32, #tpu.memory_space<hbm>> -> memref<64x128xf32, #tpu.memory_space<hbm>>
      %dma_start3A_1491 = arith.constant 0 : i32
      %dma_start3A_1492 = tpu.memref_slice %arg5[%dma_start3A_1491, %multiple_of3A_1481] : memref<64x1000000xf32, #tpu.memory_space<hbm>> -> memref<64x128xf32, #tpu.memory_space<hbm>>
      tpu.enqueue_dma source(%dma_start3A_1492 : memref<64x128xf32, #tpu.memory_space<hbm>>) target(%arg11 : memref<64x128xf32, #tpu.memory_space<vmem>>) target_semaphore(%arg21 : memref<!tpu.dma_semaphore, #tpu.memory_space<semaphore_mem>>)
      %dma_start3A_1493 = arith.constant 0 : i32
      %dma_start3A_1494 = tpu.memref_slice %arg6[%dma_start3A_1493, %multiple_of3A_1488] : memref<64x1000000xf32, #tpu.memory_space<hbm>> -> memref<64x128xf32, #tpu.memory_space<hbm>>
      %dma_start3A_1495 = arith.constant 0 : i32
      %dma_start3A_1496 = tpu.memref_slice %arg6[%dma_start3A_1495, %multiple_of3A_1488] : memref<64x1000000xf32, #tpu.memory_space<hbm>> -> memref<64x128xf32, #tpu.memory_space<hbm>>
      tpu.enqueue_dma source(%dma_start3A_1496 : memref<64x128xf32, #tpu.memory_space<hbm>>) target(%arg15 : memref<64x128xf32, #tpu.memory_space<vmem>>) target_semaphore(%arg21 : memref<!tpu.dma_semaphore, #tpu.memory_space<semaphore_mem>>)
      %slice3A_1497 = vector.extract_strided_slice %get3A_164 {offsets = [14], sizes = [1], strides = [1]} : vector<16xi32> to vector<1xi32>
      %squeeze3A_1498 = vector.extract %slice3A_1497[0] : i32 from vector<1xi32>
      %shift_right_arithmetic3A_1499 = arith.constant 7 : i32
      %shift_right_arithmetic3A_1500 = arith.shrsi %squeeze3A_1498, %shift_right_arithmetic3A_1499 : i32
      %mul3A_1501 = arith.constant 128 : i32
      %mul3A_1502 = arith.muli %shift_right_arithmetic3A_1500, %mul3A_1501 : i32
      %multiple_of3A_1503 = tpu.assume_multiple %mul3A_1502, 128 : i32
      %slice3A_1504 = vector.extract_strided_slice %get3A_166 {offsets = [14], sizes = [1], strides = [1]} : vector<16xi32> to vector<1xi32>
      %squeeze3A_1505 = vector.extract %slice3A_1504[0] : i32 from vector<1xi32>
      %shift_right_arithmetic3A_1506 = arith.constant 7 : i32
      %shift_right_arithmetic3A_1507 = arith.shrsi %squeeze3A_1505, %shift_right_arithmetic3A_1506 : i32
      %mul3A_1508 = arith.constant 128 : i32
      %mul3A_1509 = arith.muli %shift_right_arithmetic3A_1507, %mul3A_1508 : i32
      %multiple_of3A_1510 = tpu.assume_multiple %mul3A_1509, 128 : i32
      %dma_wait3A_1511 = arith.constant 0 : i32
      %dma_wait3A_1512 = tpu.memref_slice %arg5[%dma_wait3A_1511, %multiple_of3A_1503] : memref<64x1000000xf32, #tpu.memory_space<hbm>> -> memref<64x128xf32, #tpu.memory_space<hbm>>
      %dma_wait3A_1513 = arith.constant 0 : i32
      %dma_wait3A_1514 = tpu.memref_slice %arg5[%dma_wait3A_1513, %multiple_of3A_1503] : memref<64x1000000xf32, #tpu.memory_space<hbm>> -> memref<64x128xf32, #tpu.memory_space<hbm>>
      tpu.wait_dma2 semaphore(%arg22 : memref<!tpu.dma_semaphore, #tpu.memory_space<semaphore_mem>>) src(%dma_wait3A_1514 : memref<64x128xf32, #tpu.memory_space<hbm>>) dst(%arg12 : memref<64x128xf32, #tpu.memory_space<vmem>>)
      %dma_wait3A_1515 = arith.constant 0 : i32
      %dma_wait3A_1516 = tpu.memref_slice %arg6[%dma_wait3A_1515, %multiple_of3A_1510] : memref<64x1000000xf32, #tpu.memory_space<hbm>> -> memref<64x128xf32, #tpu.memory_space<hbm>>
      %dma_wait3A_1517 = arith.constant 0 : i32
      %dma_wait3A_1518 = tpu.memref_slice %arg6[%dma_wait3A_1517, %multiple_of3A_1510] : memref<64x1000000xf32, #tpu.memory_space<hbm>> -> memref<64x128xf32, #tpu.memory_space<hbm>>
      tpu.wait_dma2 semaphore(%arg22 : memref<!tpu.dma_semaphore, #tpu.memory_space<semaphore_mem>>) src(%dma_wait3A_1518 : memref<64x128xf32, #tpu.memory_space<hbm>>) dst(%arg16 : memref<64x128xf32, #tpu.memory_space<vmem>>)
      %slice3A_1519 = vector.extract_strided_slice %get3A_164 {offsets = [14], sizes = [1], strides = [1]} : vector<16xi32> to vector<1xi32>
      %squeeze3A_1520 = vector.extract %slice3A_1519[0] : i32 from vector<1xi32>
      %and3A_1521 = arith.constant 127 : i32
      %and3A_1522 = arith.andi %squeeze3A_1520, %and3A_1521 : i32
      %broadcast_in_dim3A_1523 = vector.broadcast %and3A_1522 : i32 to vector<16xi32>
      %slice3A_1524 = vector.extract_strided_slice %get3A_166 {offsets = [14], sizes = [1], strides = [1]} : vector<16xi32> to vector<1xi32>
      %squeeze3A_1525 = vector.extract %slice3A_1524[0] : i32 from vector<1xi32>
      %and3A_1526 = arith.constant 127 : i32
      %and3A_1527 = arith.andi %squeeze3A_1525, %and3A_1526 : i32
      %broadcast_in_dim3A_1528 = vector.broadcast %and3A_1527 : i32 to vector<16xi32>
      %broadcast_in_dim3A_1529 = arith.constant 0.000000e+00 : f32
      %broadcast_in_dim3A_1530 = vector.broadcast %broadcast_in_dim3A_1529 : f32 to vector<16xf32>
      %add3A_1531 = arith.constant 0 : i32
      %add3A_1532 = vector.broadcast %add3A_1531 : i32 to vector<16xi32>
      %add3A_1533 = arith.addi %add3A_1532, %iota3A : vector<16xi32>
      %gather3A_1534 = tpu.vector_load_idx %arg12[%add3A_1533, %broadcast_in_dim3A_1523] : memref<64x128xf32, #tpu.memory_space<vmem>>[vector<16xi32>, vector<16xi32>], vector<16xf32>,
      %gather3A_1535 = tpu.vector_load_idx %arg16[%add3A_1533, %broadcast_in_dim3A_1528] : memref<64x128xf32, #tpu.memory_space<vmem>>[vector<16xi32>, vector<16xi32>], vector<16xf32>,
      %mul3A_1536 = arith.mulf %gather3A_1534, %gather3A_1535 : vector<16xf32>
      %add3A_1537 = arith.addf %broadcast_in_dim3A_1530, %mul3A_1536 : vector<16xf32>
      %add3A_1538 = arith.constant 16 : i32
      %add3A_1539 = vector.broadcast %add3A_1538 : i32 to vector<16xi32>
      %add3A_1540 = arith.addi %add3A_1539, %iota3A : vector<16xi32>
      %gather3A_1541 = tpu.vector_load_idx %arg12[%add3A_1540, %broadcast_in_dim3A_1523] : memref<64x128xf32, #tpu.memory_space<vmem>>[vector<16xi32>, vector<16xi32>], vector<16xf32>,
      %gather3A_1542 = tpu.vector_load_idx %arg16[%add3A_1540, %broadcast_in_dim3A_1528] : memref<64x128xf32, #tpu.memory_space<vmem>>[vector<16xi32>, vector<16xi32>], vector<16xf32>,
      %mul3A_1543 = arith.mulf %gather3A_1541, %gather3A_1542 : vector<16xf32>
      %add3A_1544 = arith.addf %add3A_1537, %mul3A_1543 : vector<16xf32>
      %add3A_1545 = arith.constant 32 : i32
      %add3A_1546 = vector.broadcast %add3A_1545 : i32 to vector<16xi32>
      %add3A_1547 = arith.addi %add3A_1546, %iota3A : vector<16xi32>
      %gather3A_1548 = tpu.vector_load_idx %arg12[%add3A_1547, %broadcast_in_dim3A_1523] : memref<64x128xf32, #tpu.memory_space<vmem>>[vector<16xi32>, vector<16xi32>], vector<16xf32>,
      %gather3A_1549 = tpu.vector_load_idx %arg16[%add3A_1547, %broadcast_in_dim3A_1528] : memref<64x128xf32, #tpu.memory_space<vmem>>[vector<16xi32>, vector<16xi32>], vector<16xf32>,
      %mul3A_1550 = arith.mulf %gather3A_1548, %gather3A_1549 : vector<16xf32>
      %add3A_1551 = arith.addf %add3A_1544, %mul3A_1550 : vector<16xf32>
      %add3A_1552 = arith.constant 48 : i32
      %add3A_1553 = vector.broadcast %add3A_1552 : i32 to vector<16xi32>
      %add3A_1554 = arith.addi %add3A_1553, %iota3A : vector<16xi32>
      %gather3A_1555 = tpu.vector_load_idx %arg12[%add3A_1554, %broadcast_in_dim3A_1523] : memref<64x128xf32, #tpu.memory_space<vmem>>[vector<16xi32>, vector<16xi32>], vector<16xf32>,
      %gather3A_1556 = tpu.vector_load_idx %arg16[%add3A_1554, %broadcast_in_dim3A_1528] : memref<64x128xf32, #tpu.memory_space<vmem>>[vector<16xi32>, vector<16xi32>], vector<16xf32>,
      %mul3A_1557 = arith.mulf %gather3A_1555, %gather3A_1556 : vector<16xf32>
      %add3A_1558 = arith.addf %add3A_1551, %mul3A_1557 : vector<16xf32>
      %reduce_sum3A_1559 = arith.constant true
      %reduce_sum3A_1560 = vector.broadcast %reduce_sum3A_1559 : i1 to vector<16xi1>
      %reduce_sum3A_1561 = tpu.scan <sum>, %add3A_1558 masked %reduce_sum3A_1560 : vector<16xf32>, vector<16xi1> -> vector<16xf32>
      %reduce_sum3A_1562 = vector.extract %reduce_sum3A_1561[15] : f32 from vector<16xf32>
      %eq3A_1563 = arith.constant 14 : i32
      %eq3A_1564 = vector.broadcast %eq3A_1563 : i32 to vector<16xi32>
      %eq3A_1565 = arith.cmpi eq, %iota3A, %eq3A_1564 : vector<16xi32>
      %broadcast_in_dim3A_1566 = vector.broadcast %reduce_sum3A_1562 : f32 to vector<16xf32>
      %select_n3A_1567 = arith.select %eq3A_1565, %broadcast_in_dim3A_1566, %select_n3A_1474 : vector<16xi1>, vector<16xf32>
      %slice3A_1568 = vector.extract_strided_slice %get3A_173 {offsets = [2], sizes = [1], strides = [1]} : vector<16xi32> to vector<1xi32>
      %squeeze3A_1569 = vector.extract %slice3A_1568[0] : i32 from vector<1xi32>
      %shift_right_arithmetic3A_1570 = arith.constant 7 : i32
      %shift_right_arithmetic3A_1571 = arith.shrsi %squeeze3A_1569, %shift_right_arithmetic3A_1570 : i32
      %mul3A_1572 = arith.constant 128 : i32
      %mul3A_1573 = arith.muli %shift_right_arithmetic3A_1571, %mul3A_1572 : i32
      %multiple_of3A_1574 = tpu.assume_multiple %mul3A_1573, 128 : i32
      %slice3A_1575 = vector.extract_strided_slice %get3A_175 {offsets = [2], sizes = [1], strides = [1]} : vector<16xi32> to vector<1xi32>
      %squeeze3A_1576 = vector.extract %slice3A_1575[0] : i32 from vector<1xi32>
      %shift_right_arithmetic3A_1577 = arith.constant 7 : i32
      %shift_right_arithmetic3A_1578 = arith.shrsi %squeeze3A_1576, %shift_right_arithmetic3A_1577 : i32
      %mul3A_1579 = arith.constant 128 : i32
      %mul3A_1580 = arith.muli %shift_right_arithmetic3A_1578, %mul3A_1579 : i32
      %multiple_of3A_1581 = tpu.assume_multiple %mul3A_1580, 128 : i32
      %dma_start3A_1582 = arith.constant 0 : i32
      %dma_start3A_1583 = tpu.memref_slice %arg5[%dma_start3A_1582, %multiple_of3A_1574] : memref<64x1000000xf32, #tpu.memory_space<hbm>> -> memref<64x128xf32, #tpu.memory_space<hbm>>
      %dma_start3A_1584 = arith.constant 0 : i32
      %dma_start3A_1585 = tpu.memref_slice %arg5[%dma_start3A_1584, %multiple_of3A_1574] : memref<64x1000000xf32, #tpu.memory_space<hbm>> -> memref<64x128xf32, #tpu.memory_space<hbm>>
      tpu.enqueue_dma source(%dma_start3A_1585 : memref<64x128xf32, #tpu.memory_space<hbm>>) target(%arg12 : memref<64x128xf32, #tpu.memory_space<vmem>>) target_semaphore(%arg22 : memref<!tpu.dma_semaphore, #tpu.memory_space<semaphore_mem>>)
      %dma_start3A_1586 = arith.constant 0 : i32
      %dma_start3A_1587 = tpu.memref_slice %arg6[%dma_start3A_1586, %multiple_of3A_1581] : memref<64x1000000xf32, #tpu.memory_space<hbm>> -> memref<64x128xf32, #tpu.memory_space<hbm>>
      %dma_start3A_1588 = arith.constant 0 : i32
      %dma_start3A_1589 = tpu.memref_slice %arg6[%dma_start3A_1588, %multiple_of3A_1581] : memref<64x1000000xf32, #tpu.memory_space<hbm>> -> memref<64x128xf32, #tpu.memory_space<hbm>>
      tpu.enqueue_dma source(%dma_start3A_1589 : memref<64x128xf32, #tpu.memory_space<hbm>>) target(%arg16 : memref<64x128xf32, #tpu.memory_space<vmem>>) target_semaphore(%arg22 : memref<!tpu.dma_semaphore, #tpu.memory_space<semaphore_mem>>)
      %slice3A_1590 = vector.extract_strided_slice %get3A_164 {offsets = [15], sizes = [1], strides = [1]} : vector<16xi32> to vector<1xi32>
      %squeeze3A_1591 = vector.extract %slice3A_1590[0] : i32 from vector<1xi32>
      %shift_right_arithmetic3A_1592 = arith.constant 7 : i32
      %shift_right_arithmetic3A_1593 = arith.shrsi %squeeze3A_1591, %shift_right_arithmetic3A_1592 : i32
      %mul3A_1594 = arith.constant 128 : i32
      %mul3A_1595 = arith.muli %shift_right_arithmetic3A_1593, %mul3A_1594 : i32
      %multiple_of3A_1596 = tpu.assume_multiple %mul3A_1595, 128 : i32
      %slice3A_1597 = vector.extract_strided_slice %get3A_166 {offsets = [15], sizes = [1], strides = [1]} : vector<16xi32> to vector<1xi32>
      %squeeze3A_1598 = vector.extract %slice3A_1597[0] : i32 from vector<1xi32>
      %shift_right_arithmetic3A_1599 = arith.constant 7 : i32
      %shift_right_arithmetic3A_1600 = arith.shrsi %squeeze3A_1598, %shift_right_arithmetic3A_1599 : i32
      %mul3A_1601 = arith.constant 128 : i32
      %mul3A_1602 = arith.muli %shift_right_arithmetic3A_1600, %mul3A_1601 : i32
      %multiple_of3A_1603 = tpu.assume_multiple %mul3A_1602, 128 : i32
      %dma_wait3A_1604 = arith.constant 0 : i32
      %dma_wait3A_1605 = tpu.memref_slice %arg5[%dma_wait3A_1604, %multiple_of3A_1596] : memref<64x1000000xf32, #tpu.memory_space<hbm>> -> memref<64x128xf32, #tpu.memory_space<hbm>>
      %dma_wait3A_1606 = arith.constant 0 : i32
      %dma_wait3A_1607 = tpu.memref_slice %arg5[%dma_wait3A_1606, %multiple_of3A_1596] : memref<64x1000000xf32, #tpu.memory_space<hbm>> -> memref<64x128xf32, #tpu.memory_space<hbm>>
      tpu.wait_dma2 semaphore(%arg23 : memref<!tpu.dma_semaphore, #tpu.memory_space<semaphore_mem>>) src(%dma_wait3A_1607 : memref<64x128xf32, #tpu.memory_space<hbm>>) dst(%arg13 : memref<64x128xf32, #tpu.memory_space<vmem>>)
      %dma_wait3A_1608 = arith.constant 0 : i32
      %dma_wait3A_1609 = tpu.memref_slice %arg6[%dma_wait3A_1608, %multiple_of3A_1603] : memref<64x1000000xf32, #tpu.memory_space<hbm>> -> memref<64x128xf32, #tpu.memory_space<hbm>>
      %dma_wait3A_1610 = arith.constant 0 : i32
      %dma_wait3A_1611 = tpu.memref_slice %arg6[%dma_wait3A_1610, %multiple_of3A_1603] : memref<64x1000000xf32, #tpu.memory_space<hbm>> -> memref<64x128xf32, #tpu.memory_space<hbm>>
      tpu.wait_dma2 semaphore(%arg23 : memref<!tpu.dma_semaphore, #tpu.memory_space<semaphore_mem>>) src(%dma_wait3A_1611 : memref<64x128xf32, #tpu.memory_space<hbm>>) dst(%arg17 : memref<64x128xf32, #tpu.memory_space<vmem>>)
      %slice3A_1612 = vector.extract_strided_slice %get3A_164 {offsets = [15], sizes = [1], strides = [1]} : vector<16xi32> to vector<1xi32>
      %squeeze3A_1613 = vector.extract %slice3A_1612[0] : i32 from vector<1xi32>
      %and3A_1614 = arith.constant 127 : i32
      %and3A_1615 = arith.andi %squeeze3A_1613, %and3A_1614 : i32
      %broadcast_in_dim3A_1616 = vector.broadcast %and3A_1615 : i32 to vector<16xi32>
      %slice3A_1617 = vector.extract_strided_slice %get3A_166 {offsets = [15], sizes = [1], strides = [1]} : vector<16xi32> to vector<1xi32>
      %squeeze3A_1618 = vector.extract %slice3A_1617[0] : i32 from vector<1xi32>
      %and3A_1619 = arith.constant 127 : i32
      %and3A_1620 = arith.andi %squeeze3A_1618, %and3A_1619 : i32
      %broadcast_in_dim3A_1621 = vector.broadcast %and3A_1620 : i32 to vector<16xi32>
      %broadcast_in_dim3A_1622 = arith.constant 0.000000e+00 : f32
      %broadcast_in_dim3A_1623 = vector.broadcast %broadcast_in_dim3A_1622 : f32 to vector<16xf32>
      %add3A_1624 = arith.constant 0 : i32
      %add3A_1625 = vector.broadcast %add3A_1624 : i32 to vector<16xi32>
      %add3A_1626 = arith.addi %add3A_1625, %iota3A : vector<16xi32>
      %gather3A_1627 = tpu.vector_load_idx %arg13[%add3A_1626, %broadcast_in_dim3A_1616] : memref<64x128xf32, #tpu.memory_space<vmem>>[vector<16xi32>, vector<16xi32>], vector<16xf32>,
      %gather3A_1628 = tpu.vector_load_idx %arg17[%add3A_1626, %broadcast_in_dim3A_1621] : memref<64x128xf32, #tpu.memory_space<vmem>>[vector<16xi32>, vector<16xi32>], vector<16xf32>,
      %mul3A_1629 = arith.mulf %gather3A_1627, %gather3A_1628 : vector<16xf32>
      %add3A_1630 = arith.addf %broadcast_in_dim3A_1623, %mul3A_1629 : vector<16xf32>
      %add3A_1631 = arith.constant 16 : i32
      %add3A_1632 = vector.broadcast %add3A_1631 : i32 to vector<16xi32>
      %add3A_1633 = arith.addi %add3A_1632, %iota3A : vector<16xi32>
      %gather3A_1634 = tpu.vector_load_idx %arg13[%add3A_1633, %broadcast_in_dim3A_1616] : memref<64x128xf32, #tpu.memory_space<vmem>>[vector<16xi32>, vector<16xi32>], vector<16xf32>,
      %gather3A_1635 = tpu.vector_load_idx %arg17[%add3A_1633, %broadcast_in_dim3A_1621] : memref<64x128xf32, #tpu.memory_space<vmem>>[vector<16xi32>, vector<16xi32>], vector<16xf32>,
      %mul3A_1636 = arith.mulf %gather3A_1634, %gather3A_1635 : vector<16xf32>
      %add3A_1637 = arith.addf %add3A_1630, %mul3A_1636 : vector<16xf32>
      %add3A_1638 = arith.constant 32 : i32
      %add3A_1639 = vector.broadcast %add3A_1638 : i32 to vector<16xi32>
      %add3A_1640 = arith.addi %add3A_1639, %iota3A : vector<16xi32>
      %gather3A_1641 = tpu.vector_load_idx %arg13[%add3A_1640, %broadcast_in_dim3A_1616] : memref<64x128xf32, #tpu.memory_space<vmem>>[vector<16xi32>, vector<16xi32>], vector<16xf32>,
      %gather3A_1642 = tpu.vector_load_idx %arg17[%add3A_1640, %broadcast_in_dim3A_1621] : memref<64x128xf32, #tpu.memory_space<vmem>>[vector<16xi32>, vector<16xi32>], vector<16xf32>,
      %mul3A_1643 = arith.mulf %gather3A_1641, %gather3A_1642 : vector<16xf32>
      %add3A_1644 = arith.addf %add3A_1637, %mul3A_1643 : vector<16xf32>
      %add3A_1645 = arith.constant 48 : i32
      %add3A_1646 = vector.broadcast %add3A_1645 : i32 to vector<16xi32>
      %add3A_1647 = arith.addi %add3A_1646, %iota3A : vector<16xi32>
      %gather3A_1648 = tpu.vector_load_idx %arg13[%add3A_1647, %broadcast_in_dim3A_1616] : memref<64x128xf32, #tpu.memory_space<vmem>>[vector<16xi32>, vector<16xi32>], vector<16xf32>,
      %gather3A_1649 = tpu.vector_load_idx %arg17[%add3A_1647, %broadcast_in_dim3A_1621] : memref<64x128xf32, #tpu.memory_space<vmem>>[vector<16xi32>, vector<16xi32>], vector<16xf32>,
      %mul3A_1650 = arith.mulf %gather3A_1648, %gather3A_1649 : vector<16xf32>
      %add3A_1651 = arith.addf %add3A_1644, %mul3A_1650 : vector<16xf32>
      %reduce_sum3A_1652 = arith.constant true
      %reduce_sum3A_1653 = vector.broadcast %reduce_sum3A_1652 : i1 to vector<16xi1>
      %reduce_sum3A_1654 = tpu.scan <sum>, %add3A_1651 masked %reduce_sum3A_1653 : vector<16xf32>, vector<16xi1> -> vector<16xf32>
      %reduce_sum3A_1655 = vector.extract %reduce_sum3A_1654[15] : f32 from vector<16xf32>
      %eq3A_1656 = arith.constant 15 : i32
      %eq3A_1657 = vector.broadcast %eq3A_1656 : i32 to vector<16xi32>
      %eq3A_1658 = arith.cmpi eq, %iota3A, %eq3A_1657 : vector<16xi32>
      %broadcast_in_dim3A_1659 = vector.broadcast %reduce_sum3A_1655 : f32 to vector<16xf32>
      %select_n3A_1660 = arith.select %eq3A_1658, %broadcast_in_dim3A_1659, %select_n3A_1567 : vector<16xi1>, vector<16xf32>
      %get3A_1661 = arith.index_cast %mul3A_162 : i32 to index
      %get3A_1662 = tpu.vector_load %arg18[%get3A_1661] {strides = array<i32>} : memref<512xf32, #tpu.memory_space<vmem>>, vector<16xf32>,
      %mul3A_1663 = arith.mulf %select_n3A_1660, %get3A_1662 : vector<16xf32>
      %abs3A = math.absf %mul3A_1663 : vector<16xf32>
      %neg3A = arith.constant 0.000000e+00 : f32
      %neg3A_1664 = vector.broadcast %neg3A : f32 to vector<16xf32>
      %neg3A_1665 = arith.subf %neg3A_1664, %abs3A : vector<16xf32>
      %exp3A = math.exp %neg3A_1665 : vector<16xf32>
      %add3A_1666 = arith.constant 2.000000e+00 : f32
      %add3A_1667 = vector.broadcast %add3A_1666 : f32 to vector<16xf32>
      %add3A_1668 = arith.addf %exp3A, %add3A_1667 : vector<16xf32>
      %div3A = arith.divf %exp3A, %add3A_1668 : vector<16xf32>
      %mul3A_1669 = arith.mulf %div3A, %div3A : vector<16xf32>
      %mul3A_1670 = arith.constant 2.000000e+00 : f32
      %mul3A_1671 = vector.broadcast %mul3A_1670 : f32 to vector<16xf32>
      %mul3A_1672 = arith.mulf %mul3A_1671, %div3A : vector<16xf32>
      %mul3A_1673 = arith.constant 0.111111112 : f32
      %mul3A_1674 = vector.broadcast %mul3A_1673 : f32 to vector<16xf32>
      %mul3A_1675 = arith.mulf %mul3A_1669, %mul3A_1674 : vector<16xf32>
      %add3A_1676 = arith.constant 0.142857149 : f32
      %add3A_1677 = vector.broadcast %add3A_1676 : f32 to vector<16xf32>
      %add3A_1678 = arith.addf %add3A_1677, %mul3A_1675 : vector<16xf32>
      %mul3A_1679 = arith.mulf %mul3A_1669, %add3A_1678 : vector<16xf32>
      %add3A_1680 = arith.constant 2.000000e-01 : f32
      %add3A_1681 = vector.broadcast %add3A_1680 : f32 to vector<16xf32>
      %add3A_1682 = arith.addf %add3A_1681, %mul3A_1679 : vector<16xf32>
      %mul3A_1683 = arith.mulf %mul3A_1669, %add3A_1682 : vector<16xf32>
      %add3A_1684 = arith.constant 0.333333343 : f32
      %add3A_1685 = vector.broadcast %add3A_1684 : f32 to vector<16xf32>
      %add3A_1686 = arith.addf %add3A_1685, %mul3A_1683 : vector<16xf32>
      %mul3A_1687 = arith.mulf %mul3A_1669, %add3A_1686 : vector<16xf32>
      %add3A_1688 = arith.constant 1.000000e+00 : f32
      %add3A_1689 = vector.broadcast %add3A_1688 : f32 to vector<16xf32>
      %add3A_1690 = arith.addf %add3A_1689, %mul3A_1687 : vector<16xf32>
      %mul3A_1691 = arith.mulf %mul3A_1672, %add3A_1690 : vector<16xf32>
      %min3A_1692 = arith.constant 0.000000e+00 : f32
      %min3A_1693 = vector.broadcast %min3A_1692 : f32 to vector<16xf32>
      %min3A_1694 = arith.minimumf %mul3A_1663, %min3A_1693 : vector<16xf32>
      %sub3A = arith.subf %min3A_1694, %mul3A_1691 : vector<16xf32>
      %add3A_1695 = arith.addf %scan3A_160, %sub3A : vector<16xf32>
      scf.yield %add3A_1695 : vector<16xf32>
    }
    %scan3A_72 = arith.constant 32 : i32
    %get3A_73 = arith.constant 496 : index
    %get3A_74 = tpu.vector_load %arg8[%get3A_73] {strides = array<i32>} : memref<512xi32, #tpu.memory_space<vmem>>, vector<16xi32>,
    %get3A_75 = arith.constant 496 : index
    %get3A_76 = tpu.vector_load %arg9[%get3A_75] {strides = array<i32>} : memref<512xi32, #tpu.memory_space<vmem>>, vector<16xi32>,
    %slice3A_77 = vector.extract_strided_slice %get3A_74 {offsets = [0], sizes = [1], strides = [1]} : vector<16xi32> to vector<1xi32>
    %squeeze3A_78 = vector.extract %slice3A_77[0] : i32 from vector<1xi32>
    %shift_right_arithmetic3A_79 = arith.constant 7 : i32
    %shift_right_arithmetic3A_80 = arith.shrsi %squeeze3A_78, %shift_right_arithmetic3A_79 : i32
    %mul3A_81 = arith.constant 128 : i32
    %mul3A_82 = arith.muli %shift_right_arithmetic3A_80, %mul3A_81 : i32
    %multiple_of3A_83 = tpu.assume_multiple %mul3A_82, 128 : i32
    %slice3A_84 = vector.extract_strided_slice %get3A_76 {offsets = [0], sizes = [1], strides = [1]} : vector<16xi32> to vector<1xi32>
    %squeeze3A_85 = vector.extract %slice3A_84[0] : i32 from vector<1xi32>
    %shift_right_arithmetic3A_86 = arith.constant 7 : i32
    %shift_right_arithmetic3A_87 = arith.shrsi %squeeze3A_85, %shift_right_arithmetic3A_86 : i32
    %mul3A_88 = arith.constant 128 : i32
    %mul3A_89 = arith.muli %shift_right_arithmetic3A_87, %mul3A_88 : i32
    %multiple_of3A_90 = tpu.assume_multiple %mul3A_89, 128 : i32
    %dma_wait3A = arith.constant 0 : i32
    %dma_wait3A_91 = tpu.memref_slice %arg5[%dma_wait3A, %multiple_of3A_83] : memref<64x1000000xf32, #tpu.memory_space<hbm>> -> memref<64x128xf32, #tpu.memory_space<hbm>>
    %dma_wait3A_92 = arith.constant 0 : i32
    %dma_wait3A_93 = tpu.memref_slice %arg5[%dma_wait3A_92, %multiple_of3A_83] : memref<64x1000000xf32, #tpu.memory_space<hbm>> -> memref<64x128xf32, #tpu.memory_space<hbm>>
    tpu.wait_dma2 semaphore(%arg20 : memref<!tpu.dma_semaphore, #tpu.memory_space<semaphore_mem>>) src(%dma_wait3A_93 : memref<64x128xf32, #tpu.memory_space<hbm>>) dst(%arg10 : memref<64x128xf32, #tpu.memory_space<vmem>>)
    %dma_wait3A_94 = arith.constant 0 : i32
    %dma_wait3A_95 = tpu.memref_slice %arg6[%dma_wait3A_94, %multiple_of3A_90] : memref<64x1000000xf32, #tpu.memory_space<hbm>> -> memref<64x128xf32, #tpu.memory_space<hbm>>
    %dma_wait3A_96 = arith.constant 0 : i32
    %dma_wait3A_97 = tpu.memref_slice %arg6[%dma_wait3A_96, %multiple_of3A_90] : memref<64x1000000xf32, #tpu.memory_space<hbm>> -> memref<64x128xf32, #tpu.memory_space<hbm>>
    tpu.wait_dma2 semaphore(%arg20 : memref<!tpu.dma_semaphore, #tpu.memory_space<semaphore_mem>>) src(%dma_wait3A_97 : memref<64x128xf32, #tpu.memory_space<hbm>>) dst(%arg14 : memref<64x128xf32, #tpu.memory_space<vmem>>)
    %slice3A_98 = vector.extract_strided_slice %get3A_74 {offsets = [1], sizes = [1], strides = [1]} : vector<16xi32> to vector<1xi32>
    %squeeze3A_99 = vector.extract %slice3A_98[0] : i32 from vector<1xi32>
    %shift_right_arithmetic3A_100 = arith.constant 7 : i32
    %shift_right_arithmetic3A_101 = arith.shrsi %squeeze3A_99, %shift_right_arithmetic3A_100 : i32
    %mul3A_102 = arith.constant 128 : i32
    %mul3A_103 = arith.muli %shift_right_arithmetic3A_101, %mul3A_102 : i32
    %multiple_of3A_104 = tpu.assume_multiple %mul3A_103, 128 : i32
    %slice3A_105 = vector.extract_strided_slice %get3A_76 {offsets = [1], sizes = [1], strides = [1]} : vector<16xi32> to vector<1xi32>
    %squeeze3A_106 = vector.extract %slice3A_105[0] : i32 from vector<1xi32>
    %shift_right_arithmetic3A_107 = arith.constant 7 : i32
    %shift_right_arithmetic3A_108 = arith.shrsi %squeeze3A_106, %shift_right_arithmetic3A_107 : i32
    %mul3A_109 = arith.constant 128 : i32
    %mul3A_110 = arith.muli %shift_right_arithmetic3A_108, %mul3A_109 : i32
    %multiple_of3A_111 = tpu.assume_multiple %mul3A_110, 128 : i32
    %dma_wait3A_112 = arith.constant 0 : i32
    %dma_wait3A_113 = tpu.memref_slice %arg5[%dma_wait3A_112, %multiple_of3A_104] : memref<64x1000000xf32, #tpu.memory_space<hbm>> -> memref<64x128xf32, #tpu.memory_space<hbm>>
    %dma_wait3A_114 = arith.constant 0 : i32
    %dma_wait3A_115 = tpu.memref_slice %arg5[%dma_wait3A_114, %multiple_of3A_104] : memref<64x1000000xf32, #tpu.memory_space<hbm>> -> memref<64x128xf32, #tpu.memory_space<hbm>>
    tpu.wait_dma2 semaphore(%arg21 : memref<!tpu.dma_semaphore, #tpu.memory_space<semaphore_mem>>) src(%dma_wait3A_115 : memref<64x128xf32, #tpu.memory_space<hbm>>) dst(%arg11 : memref<64x128xf32, #tpu.memory_space<vmem>>)
    %dma_wait3A_116 = arith.constant 0 : i32
    %dma_wait3A_117 = tpu.memref_slice %arg6[%dma_wait3A_116, %multiple_of3A_111] : memref<64x1000000xf32, #tpu.memory_space<hbm>> -> memref<64x128xf32, #tpu.memory_space<hbm>>
    %dma_wait3A_118 = arith.constant 0 : i32
    %dma_wait3A_119 = tpu.memref_slice %arg6[%dma_wait3A_118, %multiple_of3A_111] : memref<64x1000000xf32, #tpu.memory_space<hbm>> -> memref<64x128xf32, #tpu.memory_space<hbm>>
    tpu.wait_dma2 semaphore(%arg21 : memref<!tpu.dma_semaphore, #tpu.memory_space<semaphore_mem>>) src(%dma_wait3A_119 : memref<64x128xf32, #tpu.memory_space<hbm>>) dst(%arg15 : memref<64x128xf32, #tpu.memory_space<vmem>>)
    %slice3A_120 = vector.extract_strided_slice %get3A_74 {offsets = [2], sizes = [1], strides = [1]} : vector<16xi32> to vector<1xi32>
    %squeeze3A_121 = vector.extract %slice3A_120[0] : i32 from vector<1xi32>
    %shift_right_arithmetic3A_122 = arith.constant 7 : i32
    %shift_right_arithmetic3A_123 = arith.shrsi %squeeze3A_121, %shift_right_arithmetic3A_122 : i32
    %mul3A_124 = arith.constant 128 : i32
    %mul3A_125 = arith.muli %shift_right_arithmetic3A_123, %mul3A_124 : i32
    %multiple_of3A_126 = tpu.assume_multiple %mul3A_125, 128 : i32
    %slice3A_127 = vector.extract_strided_slice %get3A_76 {offsets = [2], sizes = [1], strides = [1]} : vector<16xi32> to vector<1xi32>
    %squeeze3A_128 = vector.extract %slice3A_127[0] : i32 from vector<1xi32>
    %shift_right_arithmetic3A_129 = arith.constant 7 : i32
    %shift_right_arithmetic3A_130 = arith.shrsi %squeeze3A_128, %shift_right_arithmetic3A_129 : i32
    %mul3A_131 = arith.constant 128 : i32
    %mul3A_132 = arith.muli %shift_right_arithmetic3A_130, %mul3A_131 : i32
    %multiple_of3A_133 = tpu.assume_multiple %mul3A_132, 128 : i32
    %dma_wait3A_134 = arith.constant 0 : i32
    %dma_wait3A_135 = tpu.memref_slice %arg5[%dma_wait3A_134, %multiple_of3A_126] : memref<64x1000000xf32, #tpu.memory_space<hbm>> -> memref<64x128xf32, #tpu.memory_space<hbm>>
    %dma_wait3A_136 = arith.constant 0 : i32
    %dma_wait3A_137 = tpu.memref_slice %arg5[%dma_wait3A_136, %multiple_of3A_126] : memref<64x1000000xf32, #tpu.memory_space<hbm>> -> memref<64x128xf32, #tpu.memory_space<hbm>>
    tpu.wait_dma2 semaphore(%arg22 : memref<!tpu.dma_semaphore, #tpu.memory_space<semaphore_mem>>) src(%dma_wait3A_137 : memref<64x128xf32, #tpu.memory_space<hbm>>) dst(%arg12 : memref<64x128xf32, #tpu.memory_space<vmem>>)
    %dma_wait3A_138 = arith.constant 0 : i32
    %dma_wait3A_139 = tpu.memref_slice %arg6[%dma_wait3A_138, %multiple_of3A_133] : memref<64x1000000xf32, #tpu.memory_space<hbm>> -> memref<64x128xf32, #tpu.memory_space<hbm>>
    %dma_wait3A_140 = arith.constant 0 : i32
    %dma_wait3A_141 = tpu.memref_slice %arg6[%dma_wait3A_140, %multiple_of3A_133] : memref<64x1000000xf32, #tpu.memory_space<hbm>> -> memref<64x128xf32, #tpu.memory_space<hbm>>
    tpu.wait_dma2 semaphore(%arg22 : memref<!tpu.dma_semaphore, #tpu.memory_space<semaphore_mem>>) src(%dma_wait3A_141 : memref<64x128xf32, #tpu.memory_space<hbm>>) dst(%arg16 : memref<64x128xf32, #tpu.memory_space<vmem>>)
    %broadcast_in_dim3A_142 = arith.constant 0.000000e+00 : f32
    %broadcast_in_dim3A_143 = vector.broadcast %broadcast_in_dim3A_142 : f32 to vector<16xf32>
    %swap3A = arith.constant 0 : index
    %swap3A_144 = tpu.vector_load %arg19[%swap3A] {strides = array<i32>} : memref<128xf32, #tpu.memory_space<vmem>>, vector<16xf32>,
    tpu.vector_store %arg19[%swap3A], %scan3A_71 {strides = array<i32>} : memref<128xf32, #tpu.memory_space<vmem>>, vector<16xf32>,
    %swap3A_145 = arith.constant 16 : index
    %swap3A_146 = tpu.vector_load %arg19[%swap3A_145] {strides = array<i32>} : memref<128xf32, #tpu.memory_space<vmem>>, vector<16xf32>,
    tpu.vector_store %arg19[%swap3A_145], %broadcast_in_dim3A_143 {strides = array<i32>} : memref<128xf32, #tpu.memory_space<vmem>>, vector<16xf32>,
    %swap3A_147 = arith.constant 32 : index
    %swap3A_148 = tpu.vector_load %arg19[%swap3A_147] {strides = array<i32>} : memref<128xf32, #tpu.memory_space<vmem>>, vector<16xf32>,
    tpu.vector_store %arg19[%swap3A_147], %broadcast_in_dim3A_143 {strides = array<i32>} : memref<128xf32, #tpu.memory_space<vmem>>, vector<16xf32>,
    %swap3A_149 = arith.constant 48 : index
    %swap3A_150 = tpu.vector_load %arg19[%swap3A_149] {strides = array<i32>} : memref<128xf32, #tpu.memory_space<vmem>>, vector<16xf32>,
    tpu.vector_store %arg19[%swap3A_149], %broadcast_in_dim3A_143 {strides = array<i32>} : memref<128xf32, #tpu.memory_space<vmem>>, vector<16xf32>,
    %swap3A_151 = arith.constant 64 : index
    %swap3A_152 = tpu.vector_load %arg19[%swap3A_151] {strides = array<i32>} : memref<128xf32, #tpu.memory_space<vmem>>, vector<16xf32>,
    tpu.vector_store %arg19[%swap3A_151], %broadcast_in_dim3A_143 {strides = array<i32>} : memref<128xf32, #tpu.memory_space<vmem>>, vector<16xf32>,
    %swap3A_153 = arith.constant 80 : index
    %swap3A_154 = tpu.vector_load %arg19[%swap3A_153] {strides = array<i32>} : memref<128xf32, #tpu.memory_space<vmem>>, vector<16xf32>,
    tpu.vector_store %arg19[%swap3A_153], %broadcast_in_dim3A_143 {strides = array<i32>} : memref<128xf32, #tpu.memory_space<vmem>>, vector<16xf32>,
    %swap3A_155 = arith.constant 96 : index
    %swap3A_156 = tpu.vector_load %arg19[%swap3A_155] {strides = array<i32>} : memref<128xf32, #tpu.memory_space<vmem>>, vector<16xf32>,
    tpu.vector_store %arg19[%swap3A_155], %broadcast_in_dim3A_143 {strides = array<i32>} : memref<128xf32, #tpu.memory_space<vmem>>, vector<16xf32>,
    %swap3A_157 = arith.constant 112 : index
    %swap3A_158 = tpu.vector_load %arg19[%swap3A_157] {strides = array<i32>} : memref<128xf32, #tpu.memory_space<vmem>>, vector<16xf32>,
    tpu.vector_store %arg19[%swap3A_157], %broadcast_in_dim3A_143 {strides = array<i32>} : memref<128xf32, #tpu.memory_space<vmem>>, vector<16xf32>,
    "tpu.region"() ({
      %run_scoped3A = tpu.sem_alloc : memref<!tpu.dma_semaphore, #tpu.memory_space<semaphore_mem>>
      %dma_start3A_159 = arith.constant 0 : i32
      %dma_start3A_160 = tpu.memref_slice %arg7[%add3A, %dma_start3A_159] : memref<32x128xf32, #tpu.memory_space<hbm>> -> memref<1x128xf32, #tpu.memory_space<hbm>>
      %dma_start3A_161 = tpu.memref_squeeze %dma_start3A_160 : memref<1x128xf32, #tpu.memory_space<hbm>> -> memref<128xf32, #tpu.memory_space<hbm>>
      %dma_start3A_162 = arith.constant 0 : i32
      %dma_start3A_163 = tpu.memref_slice %arg7[%add3A, %dma_start3A_162] : memref<32x128xf32, #tpu.memory_space<hbm>> -> memref<1x128xf32, #tpu.memory_space<hbm>>
      %dma_start3A_164 = tpu.memref_squeeze %dma_start3A_163 : memref<1x128xf32, #tpu.memory_space<hbm>> -> memref<128xf32, #tpu.memory_space<hbm>>
      tpu.enqueue_dma source(%arg19 : memref<128xf32, #tpu.memory_space<vmem>>) target(%dma_start3A_164 : memref<128xf32, #tpu.memory_space<hbm>>) target_semaphore(%run_scoped3A : memref<!tpu.dma_semaphore, #tpu.memory_space<semaphore_mem>>)
      %dma_wait3A_165 = arith.constant 0 : i32
      %dma_wait3A_166 = tpu.memref_slice %arg7[%add3A, %dma_wait3A_165] : memref<32x128xf32, #tpu.memory_space<hbm>> -> memref<1x128xf32, #tpu.memory_space<hbm>>
      %dma_wait3A_167 = tpu.memref_squeeze %dma_wait3A_166 : memref<1x128xf32, #tpu.memory_space<hbm>> -> memref<128xf32, #tpu.memory_space<hbm>>
      %dma_wait3A_168 = arith.constant 0 : i32
      %dma_wait3A_169 = tpu.memref_slice %arg7[%add3A, %dma_wait3A_168] : memref<32x128xf32, #tpu.memory_space<hbm>> -> memref<1x128xf32, #tpu.memory_space<hbm>>
      %dma_wait3A_170 = tpu.memref_squeeze %dma_wait3A_169 : memref<1x128xf32, #tpu.memory_space<hbm>> -> memref<128xf32, #tpu.memory_space<hbm>>
      tpu.wait_dma2 semaphore(%run_scoped3A : memref<!tpu.dma_semaphore, #tpu.memory_space<semaphore_mem>>) src(%arg19 : memref<128xf32, #tpu.memory_space<vmem>>) dst(%dma_wait3A_170 : memref<128xf32, #tpu.memory_space<hbm>>)
      tpu.yield
    }) : () -> ()
    return
  }
}

</mosaic_0001>

<sc_bundles>
// kernel: kernel.3.cloned.1.call-start
scs
__scs_entry_jumppad:
0x0: {  	(pc) =	sbr.rel $0x88, $3  }
0x1: {  	(tag) =	ssettag $0x0;
	lr =	simm.s32 $0x1  }
0x2: {  	[smem:$0x3F9C] =	sst lr;
	_ =	strace $0xD0000000  }
0x3: {  	_ = 	snop  }
0x4: {  	_ = 	snop  }
0x5: {  	_ = 	snop  }
0x6: {  	_ = 	snop  }
0x7: {  	_ = 	snop  }
__scs_overlays_trampoline_lowered:
0x8: {  	[smem:$0x3FAB] =	sst s0  }
0x9: {  	[smem:$0x3FAC] =	sst s1  }
0xa: {  	[smem:$0x3FAD] =	sst s2  }
0xb: {  	[smem:$0x3FAE] =	sst s3  }
0xc: {  	[smem:$0x3FAF] =	sst s4  }
0xd: {  	[smem:$0x3FB0] =	sst s5  }
0xe: {  	[smem:$0x3FB1] =	sst s6  }
0xf: {  	[smem:$0x3FB2] =	sst s7  }
0x10: {  	[smem:$0x3FB3] =	sst s8  }
0x11: {  	[smem:$0x3FB4] =	sst s9;
	s0 =	simm.s32 @!p0 $0x0  }
0x12: {  	s1 =	sld [smem:$0x3F9A];
	s0 =	simm.s32 @p0 $0x1  }
0x13: {  	[smem:$0x3FB5] =	sst s0;
	s0 =	simm.s32 @!p1 $0x0  }
0x14: {  	s2 =	sld [smem:$0x3F99];
	s0 =	simm.s32 @p1 $0x1  }
0x15: {  	[smem:$0x3FB6] =	sst s0;
	s0 =	simm.s32 @!p2 $0x0  }
0x16: {  	s3 =	sld [smem:$0x3FDB];
	s0 =	simm.s32 @p2 $0x1  }
0x17: {  	s4 =	simm.s32 $0x1BF5;
	[smem:$0x3FB8] =	sst s0  }
0x18: {  	s0 =	sld [smem:$0x3F9B];
	_ =	swait.ge [sflag:s4], $0x0  }
0x19: {  	s7 =	sld [smem:$0x3F9C]  }
0x1a: {  	s8 =	sadd.s32 $0xFFFFE003, lr  }
0x1b: {  	s9 =	sadd.s32 $0xFFFFFEF7, lr;
	s5 =	simm.s32 $0xFFFFFFFF;
	p2 =	slt.u32 s8, $0xFFFFF086  }
0x1c: {  	p1 =	slt.u32 s9, $0xF7A;
	s5 =	simm.s32 @!p2 $0x0  }
0x1d: {  	s5 =	simm.s32 @p1 $0x1;
	p0 =	seq.s32 s7, s2  }
0x1e: {  	s7 =	smul.u32 @!p0 $0xF7A, s2;
	p2 =	seq.s32 @!p0 s5, $0x0  }
0x1f: {  	s9 =	smul.u32 $0xF7A, s1;
	s8 =	simm.s32 @!p0 $0x1BF5;
	p2 =	por !p2, p0  }
0x20: {  	[sflag:s8] =	ssyncset.s32 @!p0 $0xFFFFF086;
	s6 =	sadd.s32 @!p0 s3, s7;
	s7 =	simm.s32 @!p0 $0x108  }
0x21: {  	s3 =	sadd.s32 s3, s9;
	s6 =	sadd.s32 @!p0 $0x88, s6;
	s7 =	simm.s32 @p2 $0x1082  }
0x22: {  	[simem:s7], [sflag:s8] =	dma.local @!p0 [hbm:s6], $0xF7A  }
0x23: {  	s9 =	sor.u32 $0xD0000000, s2;
	s6 =	simm.s32 $0x108;
	_ =	swait.ge @!p0 [sflag:s8], $0x0  }
0x24: {  	s3 =	sadd.s32 $0x88, s3;
	s6 =	simm.s32 @!p1 $0x1082;
	[sflag:s4] =	ssyncset.s32 $0xFFFFF086  }
0x25: {  	[simem:s6], [sflag:s4] =	dma.local [hbm:s3], $0xF7A  }
0x26: {  	[smem:$0x3F9C] =	sst s1;
	(tag) =	ssettag s2;
	_ =	strace s9  }
0x27: {  	s1 =	sld [smem:$0x3FAC]  }
0x28: {  	s2 =	sld [smem:$0x3FAD]  }
0x29: {  	s4 =	sld [smem:$0x3FAF]  }
0x2a: {  	p0 =	seq.s32 s5, $0x0;
	s5 =	sld [smem:$0x3FB0]  }
0x2b: {  	s6 =	sld [smem:$0x3FB1]  }
0x2c: {  	s7 =	sld [smem:$0x3FB2]  }
0x2d: {  	s3 =	simm.s32 $0x108;
	s8 =	sld [smem:$0x3FB3]  }
0x2e: {  	s3 =	simm.s32 @!p0 $0x1082;
	s9 =	sld [smem:$0x3FB4]  }
0x2f: {  	lr =	sadd.s32 s0, s3;
	s0 =	sld [smem:$0x3FAB]  }
0x30: {  	s3 =	sld [smem:$0x3FAE]  }
0x31: {  	[smem:$0x3FB7] =	sst s10  }
0x32: {  	s10 =	sld [smem:$0x3FB5];
	_ =	sdelay $0x3  }
0x33: {  	p0 =	seq.s32 s10, $0x1;
	s10 =	sld [smem:$0x3FB7];
	_ =	sdelay $0x3  }
0x34: {  	[smem:$0x3FB7] =	sst s10  }
0x35: {  	s10 =	sld [smem:$0x3FB6];
	_ =	sdelay $0x3  }
0x36: {  	p1 =	seq.s32 s10, $0x1;
	s10 =	sld [smem:$0x3FB7];
	_ =	sdelay $0x3  }
0x37: {  	[smem:$0x3FB7] =	sst s10  }
0x38: {  	s10 =	sld [smem:$0x3FB8]  }
0x39: {  	_ = 	snop;
	(pc) =	sbr.ind lr, $3  }
0x3a: {  	_ = 	snop  }
0x3b: {  	_ = 	snop  }
0x3c: {  	p2 =	seq.s32 s10, $0x1;
	s10 =	sld [smem:$0x3FB7]  }
0x3d: {  	_ =	shalt  }
0x3e: {  	_ =	shalt  }
0x3f: {  	_ =	shalt  }
0x40: {  	_ =	shalt  }
0x41: {  	_ =	shalt  }
0x42: {  	_ =	shalt  }
0x43: {  	_ =	shalt  }
0x44: {  	_ =	shalt  }
0x45: {  	_ =	shalt  }
0x46: {  	_ =	shalt  }
0x47: {  	_ =	shalt  }
0x48: {  	_ =	shalt  }
0x49: {  	_ =	shalt  }
0x4a: {  	_ =	shalt  }
0x4b: {  	_ =	shalt  }
0x4c: {  	_ =	shalt  }
0x4d: {  	_ =	shalt  }
0x4e: {  	_ =	shalt  }
0x4f: {  	_ =	shalt  }
0x50: {  	_ =	shalt  }
0x51: {  	_ =	shalt  }
0x52: {  	_ =	shalt  }
0x53: {  	_ =	shalt  }
0x54: {  	_ =	shalt  }
0x55: {  	_ =	shalt  }
0x56: {  	_ =	shalt  }
0x57: {  	_ =	shalt  }
0x58: {  	_ =	shalt  }
0x59: {  	_ =	shalt  }
0x5a: {  	_ =	shalt  }
0x5b: {  	_ =	shalt  }
0x5c: {  	_ =	shalt  }
0x5d: {  	_ =	shalt  }
0x5e: {  	_ =	shalt  }
0x5f: {  	_ =	shalt  }
0x60: {  	_ =	shalt  }
0x61: {  	_ =	shalt  }
0x62: {  	_ =	shalt  }
0x63: {  	_ =	shalt  }
0x64: {  	_ =	shalt  }
0x65: {  	_ =	shalt  }
0x66: {  	_ =	shalt  }
0x67: {  	_ =	shalt  }
0x68: {  	_ =	shalt  }
0x69: {  	_ =	shalt  }
0x6a: {  	_ =	shalt  }
0x6b: {  	_ =	shalt  }
0x6c: {  	_ =	shalt  }
0x6d: {  	_ =	shalt  }
0x6e: {  	_ =	shalt  }
0x6f: {  	_ =	shalt  }
0x70: {  	_ =	shalt  }
0x71: {  	_ =	shalt  }
0x72: {  	_ =	shalt  }
0x73: {  	_ =	shalt  }
0x74: {  	_ =	shalt  }
0x75: {  	_ =	shalt  }
0x76: {  	_ =	shalt  }
0x77: {  	_ =	shalt  }
0x78: {  	_ =	shalt  }
0x79: {  	_ =	shalt  }
0x7a: {  	_ =	shalt  }
0x7b: {  	_ =	shalt  }
0x7c: {  	_ =	shalt  }
0x7d: {  	_ =	shalt  }
0x7e: {  	_ =	shalt  }
0x7f: {  	_ =	shalt  }
0x80: {  	_ =	shalt  }
0x81: {  	_ =	shalt  }
0x82: {  	_ =	shalt  }
0x83: {  	_ =	shalt  }
0x84: {  	_ =	shalt  }
0x85: {  	_ =	shalt  }
0x86: {  	_ =	shalt  }
0x87: {  	_ =	shalt  }
.Lfunc_end0:
.L_simem_size_0:
called_computation_lowered:
.L_overlay_start_0:
0x88: {  	s2 =	sld [smem:$0x3FD9]  }
0x89: {  	s3 =	sld [smem:$0x3FFE];
	_ =	sdelay $0x1  }
0x8a: {  	s1 =	srdreg.scid  }
0x8b: {  	s0 =	sand.u32 $0x1, s1  }
0x8c: {  	s17 =	sshll.u32 s0, $0xA;
	s2 =	sadd.s32 s3, s2  }
0x8d: {  	s2 =	sadd.s32 s2, s17  }
0x8e: {  	[smem:$0x3FC3] =	sst s2  }
0x8f: {  	_ = 	snop  }
0x90: {  	s2 =	sld [smem:$0x3FC9]  }
0x91: {  	s18 =	sld [smem:$0x3FC8]  }
0x92: {  	s4 =	sld [smem:$0x3FC7]  }
0x93: {  	s5 =	sld [smem:$0x3FC6]  }
0x94: {  	s6 =	sld [smem:$0x3FC5];
	(tm) =	ssettm $0x1  }
0x95: {  	s7 =	sld [smem:$0x3FFB];
	_ =	sdelay $0x3  }
0x96: {  	_ =	strace s7  }
0x97: {  	s7 =	sld [smem:$0x3FFC];
	_ =	sdelay $0x3  }
0x98: {  	_ =	strace s7  }
0x99: {  	s7 =	sld [smem:$0x3FFD];
	_ =	sdelay $0x3  }
0x9a: {  	_ =	strace s7  }
0x9b: {  	_ =	strace $0x8FFFFFFF  }
0x9c: {  	s19 =	sld [smem:$0x3FDB];
	_ =	sdelay $0x1  }
0x9d: {  	s8 =	simm.s32 $_scs_section_size  }
0x9e: {  	s9 =	simm.s32 $_size__tile_overlayer_lowered;
	s10 =	simm.s32 $_tile_overlayer_lowered  }
0x9f: {  	s22 =	simm.s32 $0x1BFF;
	s21 =	sshll.u32 s10, $0x1;
	s7 =	sadd.s32 s8, s19  }
0xa0: {  	s11 =	simm.s32 $0x0;
	s20 =	sshll.u32 s9, $0x1;
	s9 =	sadd.s32 s21, s7  }
0xa1: {  	[timem:s11], [sflag:s22] =	dma.local [hbm:s9], s20  }
0xa2: {  	_ =	swait.ge [sflag:s22], s20  }
0xa3: {  	s8 =	ssub.s32 $0x0, s20;
	[sflag:s22] =	ssyncset.done $0x0  }
0xa4: {  	[sflag:s22] =	ssyncadd.s32 s8;
	_ =	sdelay $0x1  }
0xa5: {  	s23 =	simm.s32 $0x1B8B  }
0xa6: {  	_ =	swait.ge [sflag:s23], $0x1  }
0xa7: {  	[sflag:s23] =	ssyncset.done $0x0  }
0xa8: {  	s25 =	simm.s32 $0x1B8E;
	s24 =	sld [smem:$0x3FFE];
	[sflag:s23] =	ssyncadd.s32 $0xFFFFFFFF  }
0xa9: {  	s26 =	simm.s32 $execute0_lowered;
	[smem:$0x3FD2] =	sst s25  }
0xaa: {  	s9 =	sshll.u32 s26, $0x1;
	_ =	strace $0x80000046;
	[dreg:$0x1] =	wrdreg $0xFFFFFFFF  }
0xab: {  	s28 =	simm.s32 $_size_execute0_lowered;
	s7 =	sadd.s32 s7, s9;
	[dreg:$0x0] =	wrdreg $0x0  }
0xac: {  	s9 =	sshll.u32 s28, $0x1;
	[dreg:$0x2] =	wrdreg s7  }
0xad: {  	[dreg:$0x3] =	wrdreg s9  }
0xae: {  	[dreg:$0x4] =	wrdreg $0xC0  }
0xaf: {  	_ =	task [dreg:s11], $0x5FFFF  }
0xb0: {  	[dreg:$0x1] =	wrdreg $0xFFFFFFFF  }
0xb1: {  	[dreg:$0x0] =	wrdreg $0x60  }
0xb2: {  	[dreg:$0x2] =	wrdreg s2  }
0xb3: {  	[dreg:$0x3] =	wrdreg s18  }
0xb4: {  	[dreg:$0x4] =	wrdreg s4  }
0xb5: {  	[dreg:$0x5] =	wrdreg s5  }
0xb6: {  	[dreg:$0x6] =	wrdreg s6  }
0xb7: {  	[dreg:$0x7] =	wrdreg s24  }
0xb8: {  	[dreg:$0x8] =	wrdreg $0x9  }
0xb9: {  	_ =	task.clear_ibuf [dreg:s11], $0x9FFFF;
	_ =	strace $0x90000046  }
0xba: {  	s29 =	simm.s32 $0x9;
	_ =	strace $0x80000048  }
0xbb: {  	_ =	swait.ge [sflag:s29], $0x1  }
0xbc: {  	[sflag:s29] =	ssyncadd.s32 $0xFFFFFFFF  }
0xbd: {  	_ =	strace $0x90000048  }
0xbe: {  	_ =	sfence  }
0xbf: {  	s30 =	sld [smem:$0x0];
	_ =	sdelay $0x2  }
0xc0: {  	s31 =	sshll.u32 s1, $0xD;
	s1 =	sshrl.u32 s1, $0x2  }
0xc1: {  	s3 =	sand.u32 $0x4000, s31;
	s1 =	sadd.s32 s1, s30  }
0xc2: {  	s0 =	sor.u32 s3, s0;
	s1 =	sshll.u32 s1, $0x11  }
0xc3: {  	s0 =	sor.u32 s1, s0  }
0xc4: {  	s0 =	sadd.s32 $0x8F2B, s0  }
0xc5: {  	[sflag:s0] =	ssyncadd.remote.s32 $0x1  }
0xc6: {  	_ =	sfence.sel $0xFFFF  }
0xc7: {  	[dreg:$0x0] =	wrdreg $0xFFFFFFFF;
	(pc) =	sbr.abs _section_cstart, $3  }
0xc8: {  	[dreg:$0x1] =	wrdreg $0xFFFFFFFF  }
0xc9: {  	_ =	task.clear_ibuf [dreg:s11], $0x2FFFF;
	_ =	strace $0x9FFFFFFF  }
0xca: {  	(tm) =	ssettm $0x7FFFFFFF  }
0xcb: {  	_ =	shalt  }
tec
execute0_lowered:
.L_overlay_start_1:
0x0: {  	(tag) =	ssettag $0x1  }
0x1: {  	s0 =	rddreg [dreg:$0x0]  }
0x2: {  	s1 =	rddreg [dreg:$0x1]  }
0x3: {  	s5 =	rddreg [dreg:$0x2]  }
0x4: {  	s2 =	rddreg [dreg:$0x3]  }
0x5: {  	s3 =	rddreg [dreg:$0x4]  }
0x6: {  	s6 =	rddreg [dreg:$0x5]  }
0x7: {  	s4 =	srdreg.scid;
	s8 =	stileid.u32  }
0x8: {  	s11 =	simm.s32 $0x7A1400;
	s12 =	simm.s32 $0x400;
	s13 =	simm.s32 $0x8400  }
0x9: {  	s14 =	simm.s32 $0x2400;
	s15 =	simm.s32 $0xA400;
	s16 =	simm.s32 $0x4400  }
0xa: {  	s17 =	simm.s32 $0xC400;
	s18 =	simm.s32 $0x6400;
	s19 =	simm.s32 $0xE400  }
0xb: {  	s20 =	simm.s32 $0x1;
	s7 =	sand.u32 $0x1, s4;
	s8 =	sshll.u32 s8, $0x1  }
0xc: {  	s21 =	simm.s32 $0x2;
	s9 =	ssub.s32 $0x2, s7;
	s7 =	sor.u32 s7, s8  }
0xd: {  	v0 =	vlaneseq.u32;
	vm0 =	vmmov $0x1;
	vm1 =	vmmov $0x3;
	s22 =	simm.s32 $0x3;
	s4 =	simm.s32 $0x0;
	s10 =	sshll.u32 s7, $0x6  }
0xe: {  	vm2 =	vmmov $0x7;
	vm3 =	vmmov $0xf;
	vm4 =	vmmov $0x1f;
	[smem:$0x7FF] =	sst s4;
	s26 =	sshrl.u32 s9, $0x1;
	s0 =	sadd.s32 s0, s10  }
0xf: {  	vm5 =	vmmov $0x3f;
	vm6 =	vmmov $0x7f;
	vm7 =	vmmov $0xff;
	_ =	strace $0x80000047;
	s28 =	sadd.s32 s1, s10;
	[dreg:$0x7] =	wrdreg s0  }
0x10: {  	vm8 =	vmmov $0x1ff;
	vm9 =	vmmov $0x3ff;
	vm10 =	vmmov $0x7ff;
	s30 =	sshll.u32 s7, $0x4;
	s29 =	sadd.s32 s5, s10;
	[dreg:$0x8] =	wrdreg s28  }
0x11: {  	vm11 =	vmmov $0xfff;
	vm12 =	vmmov $0x1fff;
	v0 =	vmul.u32 $0x80, v0;
	s8 =	ssub.s32 s9, s26;
	[dreg:$0x9] =	wrdreg s29;
	s0 =	sadd.s32 s6, s30  }
0x12: {  	s23 =	simm.s32 $0x4;
	vm13 =	vmmov $0x3fff;
	vm14 =	vmmov $0x7fff;
	v4 =	vimm.f32 $0.0e+00;
	s31 =	smax.u32 s8, $0x1;
	[dreg:$0xa] =	wrdreg s0  }
0x13: {  	s25 =	simm.s32 $0x0;
	v1 =	vor.u32 $0x800, v0;
	v2 =	vor.u32 $0x1000, v0;
	v3 =	vor.u32 $0x1800, v0;
	s10 =	simm.s32 $0x5;
	[dreg:$0xb] =	wrdreg s31  }
.LBB2_1:
0x14: {  	s0 =	rddreg [dreg:$0x7]  }
0x15: {  	[tilespmem:s4], [sflag:$0x5] =	stream.linear.gather [hbm4b:s0+s4], $0x200, $0x38;
	[tilespmem:$0x10680] =	vst v63  }
0x16: {  	_ =	swait.ge [sflag:s10], $0x200  }
0x17: {  	[sflag:s10] =	ssyncset.done $0x0  }
0x18: {  	s26 =	simm.s32 $0x200;
	s9 =	rddreg [dreg:$0x8];
	[sflag:s10] =	ssyncadd.s32 $0xFFFFFE00  }
0x19: {  	[tilespmem:s26], [sflag:$0x5] =	stream.linear.gather [hbm4b:s9+s4], $0x200, $0x38;
	[tilespmem:$0x10680] =	vst v63  }
0x1a: {  	_ =	swait.ge [sflag:s10], $0x200  }
0x1b: {  	[sflag:s10] =	ssyncset.done $0x0  }
0x1c: {  	s28 =	simm.s32 $0x10400;
	s24 =	rddreg [dreg:$0x9];
	[sflag:s10] =	ssyncadd.s32 $0xFFFFFE00  }
0x1d: {  	[tilespmem:s28], [sflag:$0x5] =	stream.linear.gather [hbm4b:s24+s4], $0x200, $0x38;
	[tilespmem:$0x10680] =	vst v63  }
0x1e: {  	_ =	swait.ge [sflag:s10], $0x200  }
0x1f: {  	[sflag:s10] =	ssyncset.done $0x0  }
0x20: {  	[sflag:s10] =	ssyncadd.s32 $0xFFFFFE00  }
0x21: {  	v5 =	vld [tilespmem:$0x0];
	_ =	sdelay $0x3  }
0x22: {  	v6 =	vld [tilespmem:$0x200]  }
0x23: {  	(v2sf) =	vpush v5, $0x0;
	_ =	sdelay $0x3  }
0x24: {  	(v2sf) =	vpush v6, $0x0  }
0x25: {  	(v2sf) =	vpush v5, $0x1;
	_ =	sdelay $0x1  }
0x26: {  	(v2sf) =	vpush v6, $0x1;
	_ =	sdelay $0x1  }
0x27: {  	(v2sf) =	vpush v5, $0x2;
	_ =	sdelay $0x5  }
0x28: {  	s31 =	spop (v2sf);
	(v2sf) =	vpush v6, $0x2;
	_ =	sdelay $0x3  }
0x29: {  	s0 =	sand.u32 $0xFFFFF80, s31;
	s1 =	spop (v2sf)  }
0x2a: {  	s0 =	sadd.s32 s2, s0;
	s1 =	sand.u32 $0xFFFFF80, s1;
	s5 =	spop (v2sf)  }
0x2b: {  	[tilespmem:s12], [sflag:$0x1] =	stream.strided.gather [hbm4b:s0+s12], $0x2000, s11, s12, $0x38;
	[tilespmem:$0x10680] =	vst v63  }
0x2c: {  	s0 =	sadd.s32 s3, s1;
	s6 =	sand.u32 $0xFFFFF80, s5;
	s7 =	spop (v2sf)  }
0x2d: {  	[tilespmem:s13], [sflag:$0x1] =	stream.strided.gather [hbm4b:s0+s12], $0x2000, s11, s12, $0x38;
	[tilespmem:$0x10680] =	vst v63  }
0x2e: {  	s8 =	sand.u32 $0xFFFFF80, s7;
	s9 =	spop (v2sf);
	s0 =	sadd.s32 s2, s6  }
0x2f: {  	[tilespmem:s14], [sflag:$0x2] =	stream.strided.gather [hbm4b:s0+s12], $0x2000, s11, s12, $0x38;
	[tilespmem:$0x10680] =	vst v63  }
0x30: {  	s24 =	sand.u32 $0xFFFFF80, s9;
	s0 =	sadd.s32 s3, s8  }
0x31: {  	[tilespmem:s15], [sflag:$0x2] =	stream.strided.gather [hbm4b:s0+s12], $0x2000, s11, s12, $0x38;
	[tilespmem:$0x10680] =	vst v63  }
0x32: {  	s0 =	sadd.s32 s2, s24  }
0x33: {  	[tilespmem:s16], [sflag:$0x3] =	stream.strided.gather [hbm4b:s0+s12], $0x2000, s11, s12, $0x38;
	[tilespmem:$0x10680] =	vst v63  }
0x34: {  	s31 =	spop (v2sf)  }
0x35: {  	s0 =	sand.u32 $0xFFFFF80, s31  }
0x36: {  	s29 =	simm.s32 $0x0;
	s30 =	simm.s32 $0x1;
	s0 =	sadd.s32 s3, s0  }
0x37: {  	v5 =	vimm.f32 $0.0e+00;
	[tilespmem:s17], [sflag:$0x3] =	stream.strided.gather [hbm4b:s0+s12], $0x2000, s11, s12, $0x38;
	[tilespmem:$0x10680] =	vst v63  }
.LBB2_2:
0x38: {  	v12 =	vld [tilespmem:s29+$0x0]  }
0x39: {  	v11 =	vld [tilespmem:s26+$0x0];
	_ =	sdelay $0x3  }
0x3a: {  	(v2sf) =	vpush v12, $0x3  }
0x3b: {  	(v2sf) =	vpush v11, $0x3  }
0x3c: {  	(v2sf) =	vpush v12, $0x0;
	_ =	sdelay $0x1  }
0x3d: {  	(v2sf) =	vpush v11, $0x0;
	_ =	sdelay $0x8  }
0x3e: {  	s0 =	smin.u32 s30, $0x1F  }
0x3f: {  	s0 =	sshll.u32 s0, $0x4  }
0x40: {  	v7 =	vld [tilespmem:s0+$0x0];
	s31 =	spop (v2sf)  }
0x41: {  	v6 =	vld [tilespmem:s0+$0x200];
	s1 =	sand.u32 $0xFFFFF80, s31;
	s0 =	spop (v2sf)  }
0x42: {  	s1 =	sadd.s32 s2, s1;
	s7 =	sand.u32 $0xFFFFF80, s0;
	s8 =	spop (v2sf)  }
0x43: {  	[tilespmem:s18], [sflag:$0x4] =	stream.strided.gather [hbm4b:s1+s12], $0x2000, s11, s12, $0x38;
	[tilespmem:$0x10680] =	vst v63  }
0x44: {  	s1 =	sadd.s32 s3, s7;
	s5 =	spop (v2sf)  }
0x45: {  	[tilespmem:s19], [sflag:$0x4] =	stream.strided.gather [hbm4b:s1+s12], $0x2000, s11, s12, $0x38;
	[tilespmem:$0x10680] =	vst v63  }
0x46: {  	s1 =	sand.u32 $0x7F, s8;
	_ =	swait.ge [sflag:s20], $0x2000  }
0x47: {  	s5 =	sand.u32 $0x7F, s5;
	v8 =	vor.u32 s1, v0;
	[sflag:s20] =	ssyncset.done $0x0  }
0x48: {  	v9 =	vor.u32 s5, v0;
	[sflag:s20] =	ssyncadd.s32 $0xFFFFE000  }
0x49: {  	v10 =	vor.u32 s1, v1;
	_ =	swait.ge [sflag:s20], $0x2000  }
0x4a: {  	v13 =	vor.u32 s5, v1;
	[sflag:s20] =	ssyncset.done $0x0  }
0x4b: {  	v14 =	vor.u32 s1, v2;
	[sflag:s20] =	ssyncadd.s32 $0xFFFFE000  }
0x4c: {  	v15 =	vor.u32 s5, v2;
	v8 =	vld.idx.msk [tilespmem:v8+s12+$0x0], $0xffff  }
0x4d: {  	v16 =	vor.u32 s1, v3;
	v9 =	vld.idx.msk [tilespmem:v9+s13+$0x0], $0xffff  }
0x4e: {  	v17 =	vor.u32 s5, v3;
	v10 =	vld.idx.msk [tilespmem:v10+s12+$0x0], $0xffff  }
0x4f: {  	v13 =	vld.idx.msk [tilespmem:v13+s13+$0x0], $0xffff  }
0x50: {  	v14 =	vld.idx.msk [tilespmem:v14+s12+$0x0], $0xffff  }
0x51: {  	v15 =	vld.idx.msk [tilespmem:v15+s13+$0x0], $0xffff  }
0x52: {  	(v2sf) =	vpush v12, $0x4;
	v45 =	vld.idx.msk [tilespmem:v16+s12+$0x0], $0xffff;
	v8 =	vmul.f32 v9, v8  }
0x53: {  	(v2sf) =	vpush v11, $0x4;
	v46 =	vld.idx.msk [tilespmem:v17+s13+$0x0], $0xffff  }
0x54: {  	(v2sf) =	vpush v12, $0x1;
	v10 =	vmul.f32 v13, v10;
	v8 =	vadd.f32 $0.0e+00, v8;
	_ =	sdelay $0x1  }
0x55: {  	(v2sf) =	vpush v11, $0x1;
	v47 =	vmul.f32 v15, v14;
	v8 =	vadd.f32 v10, v8;
	_ =	sdelay $0x1  }
0x56: {  	v9 =	vmul.f32 v46, v45;
	v8 =	vadd.f32 v47, v8;
	_ =	sdelay $0x1  }
0x57: {  	v8 =	vadd.f32 v9, v8;
	_ =	sdelay $0x1  }
0x58: {  	(xrf2) =	vadd.scan.msk.f32 $0xffff, v8;
	_ =	sdelay $0x4  }
0x59: {  	s1 =	spop (v2sf)  }
0x5a: {  	s9 =	sand.u32 $0xFFFFF80, s1;
	s24 =	spop (v2sf)  }
0x5b: {  	s5 =	sadd.s32 s2, s9;
	s6 =	sand.u32 $0xFFFFF80, s24;
	s7 =	spop (v2sf)  }
0x5c: {  	[tilespmem:s12], [sflag:$0x1] =	stream.strided.gather [hbm4b:s5+s12], $0x2000, s11, s12, $0x38;
	[tilespmem:$0x10680] =	vst v63  }
0x5d: {  	s5 =	sadd.s32 s3, s6;
	s6 =	spop (v2sf)  }
0x5e: {  	[tilespmem:s13], [sflag:$0x1] =	stream.strided.gather [hbm4b:s5+s12], $0x2000, s11, s12, $0x38;
	v8, _, _ =	vpop (xrf2);
	[tilespmem:$0x10680] =	vst v63  }
0x5f: {  	s5 =	sand.u32 $0x7F, s7;
	_ =	swait.ge [sflag:s21], $0x2000  }
0x60: {  	s6 =	sand.u32 $0x7F, s6;
	v48 =	vor.u32 s5, v0;
	[sflag:s21] =	ssyncset.done $0x0  }
0x61: {  	v49 =	vor.u32 s6, v0;
	[sflag:s21] =	ssyncadd.s32 $0xFFFFE000  }
0x62: {  	v50 =	vor.u32 s5, v1;
	_ =	swait.ge [sflag:s21], $0x2000  }
0x63: {  	v51 =	vor.u32 s6, v1;
	[sflag:s21] =	ssyncset.done $0x0  }
0x64: {  	v52 =	vor.u32 s5, v2;
	[sflag:s21] =	ssyncadd.s32 $0xFFFFE000  }
0x65: {  	v53 =	vor.u32 s6, v2;
	v9 =	vld.idx.msk [tilespmem:v48+s14+$0x0], $0xffff  }
0x66: {  	v54 =	vor.u32 s5, v3;
	v10 =	vld.idx.msk [tilespmem:v49+s15+$0x0], $0xffff  }
0x67: {  	v18 =	vor.u32 s6, v3;
	v13 =	vld.idx.msk [tilespmem:v50+s14+$0x0], $0xffff  }
0x68: {  	v14 =	vld.idx.msk [tilespmem:v51+s15+$0x0], $0xffff  }
0x69: {  	v15 =	vld.idx.msk [tilespmem:v52+s14+$0x0], $0xffff  }
0x6a: {  	v16 =	vld.idx.msk [tilespmem:v53+s15+$0x0], $0xffff  }
0x6b: {  	(v2sf) =	vpush v12, $0x5;
	v55 =	vld.idx.msk [tilespmem:v54+s14+$0x0], $0xffff;
	v9 =	vmul.f32 v10, v9  }
0x6c: {  	(v2sf) =	vpush v11, $0x5;
	v56 =	vld.idx.msk [tilespmem:v18+s15+$0x0], $0xffff  }
0x6d: {  	(v2sf) =	vpush v12, $0x2;
	v13 =	vmul.f32 v14, v13;
	v9 =	vadd.f32 $0.0e+00, v9;
	_ =	sdelay $0x1  }
0x6e: {  	(v2sf) =	vpush v11, $0x2;
	v57 =	vmul.f32 v16, v15;
	v9 =	vadd.f32 v13, v9;
	_ =	sdelay $0x1  }
0x6f: {  	v10 =	vmul.f32 v56, v55;
	v9 =	vadd.f32 v57, v9;
	_ =	sdelay $0x1  }
0x70: {  	v9 =	vadd.f32 v10, v9;
	_ =	sdelay $0x1  }
0x71: {  	(xrf2) =	vadd.scan.msk.f32 $0xffff, v9;
	_ =	sdelay $0x4  }
0x72: {  	s5 =	spop (v2sf)  }
0x73: {  	s7 =	sand.u32 $0xFFFFF80, s5;
	s6 =	spop (v2sf)  }
0x74: {  	s7 =	sadd.s32 s2, s7;
	s8 =	sand.u32 $0xFFFFF80, s6;
	s9 =	spop (v2sf)  }
0x75: {  	[tilespmem:s14], [sflag:$0x2] =	stream.strided.gather [hbm4b:s7+s12], $0x2000, s11, s12, $0x38;
	[tilespmem:$0x10680] =	vst v63  }
0x76: {  	s7 =	sadd.s32 s3, s8;
	s8 =	spop (v2sf)  }
0x77: {  	[tilespmem:s15], [sflag:$0x2] =	stream.strided.gather [hbm4b:s7+s12], $0x2000, s11, s12, $0x38;
	v9, _, _ =	vpop (xrf2);
	[tilespmem:$0x10680] =	vst v63  }
0x78: {  	s7 =	sand.u32 $0x7F, s9;
	_ =	swait.ge [sflag:s22], $0x2000  }
0x79: {  	s8 =	sand.u32 $0x7F, s8;
	v58 =	vor.u32 s7, v0;
	[sflag:s22] =	ssyncset.done $0x0  }
0x7a: {  	v59 =	vor.u32 s8, v0;
	[sflag:s22] =	ssyncadd.s32 $0xFFFFE000  }
0x7b: {  	v60 =	vor.u32 s7, v1;
	_ =	swait.ge [sflag:s22], $0x2000  }
0x7c: {  	v61 =	vor.u32 s8, v1;
	[sflag:s22] =	ssyncset.done $0x0  }
0x7d: {  	v62 =	vor.u32 s7, v2;
	[sflag:s22] =	ssyncadd.s32 $0xFFFFE000  }
0x7e: {  	v63 =	vor.u32 s8, v2;
	v10 =	vld.idx.msk [tilespmem:v58+s16+$0x0], $0xffff  }
0x7f: {  	v21 =	vor.u32 s7, v3;
	v13 =	vld.idx.msk [tilespmem:v59+s17+$0x0], $0xffff  }
0x80: {  	v19 =	vor.u32 s8, v3;
	v14 =	vld.idx.msk [tilespmem:v60+s16+$0x0], $0xffff  }
0x81: {  	v15 =	vld.idx.msk [tilespmem:v61+s17+$0x0], $0xffff  }
0x82: {  	v16 =	vld.idx.msk [tilespmem:v62+s16+$0x0], $0xffff  }
0x83: {  	(v2sf) =	vpush v12, $0x6;
	v17 =	vld.idx.msk [tilespmem:v63+s17+$0x0], $0xffff  }
0x84: {  	v22 =	vld.idx.msk [tilespmem:v21+s16+$0x0], $0xffff;
	v10 =	vmul.f32 v13, v10  }
0x85: {  	(v2sf) =	vpush v11, $0x6;
	v23 =	vld.idx.msk [tilespmem:v19+s17+$0x0], $0xffff  }
0x86: {  	v14 =	vmul.f32 v15, v14;
	v10 =	vadd.f32 $0.0e+00, v10;
	_ =	sdelay $0x1  }
0x87: {  	v24 =	vmul.f32 v17, v16;
	v10 =	vadd.f32 v14, v10;
	_ =	sdelay $0x1  }
0x88: {  	v13 =	vmul.f32 v23, v22;
	v10 =	vadd.f32 v24, v10;
	_ =	sdelay $0x1  }
0x89: {  	v10 =	vadd.f32 v13, v10;
	_ =	sdelay $0x1  }
0x8a: {  	(xrf2) =	vadd.scan.msk.f32 $0xffff, v10;
	_ =	sdelay $0x3  }
0x8b: {  	s7 =	spop (v2sf)  }
0x8c: {  	s9 =	sand.u32 $0xFFFFF80, s7  }
0x8d: {  	s8 =	spop (v2sf);
	s9 =	sadd.s32 s2, s9  }
0x8e: {  	[tilespmem:s16], [sflag:$0x3] =	stream.strided.gather [hbm4b:s9+s12], $0x2000, s11, s12, $0x38;
	[tilespmem:$0x10680] =	vst v63  }
0x8f: {  	s9 =	sand.u32 $0xFFFFF80, s8  }
0x90: {  	s9 =	sadd.s32 s3, s9  }
0x91: {  	[tilespmem:s17], [sflag:$0x3] =	stream.strided.gather [hbm4b:s9+s12], $0x2000, s11, s12, $0x38;
	v10, _, _ =	vpop (xrf2);
	[tilespmem:$0x10680] =	vst v63  }
0x92: {  	s31 =	sand.u32 $0x7F, s31;
	_ =	swait.ge [sflag:s23], $0x2000  }
0x93: {  	s0 =	sand.u32 $0x7F, s0;
	v25 =	vor.u32 s31, v0;
	[sflag:s23] =	ssyncset.done $0x0  }
0x94: {  	v26 =	vor.u32 s0, v0;
	[sflag:s23] =	ssyncadd.s32 $0xFFFFE000  }
0x95: {  	v27 =	vor.u32 s31, v1;
	_ =	swait.ge [sflag:s23], $0x2000  }
0x96: {  	v28 =	vor.u32 s0, v1;
	[sflag:s23] =	ssyncset.done $0x0  }
0x97: {  	v29 =	vor.u32 s31, v2;
	[sflag:s23] =	ssyncadd.s32 $0xFFFFE000  }
0x98: {  	v30 =	vor.u32 s0, v2;
	v13 =	vld.idx.msk [tilespmem:v25+s18+$0x0], $0xffff  }
0x99: {  	v31 =	vor.u32 s31, v3;
	v14 =	vld.idx.msk [tilespmem:v26+s19+$0x0], $0xffff  }
0x9a: {  	v20 =	vor.u32 s0, v3;
	v15 =	vld.idx.msk [tilespmem:v27+s18+$0x0], $0xffff  }
0x9b: {  	v16 =	vld.idx.msk [tilespmem:v28+s19+$0x0], $0xffff  }
0x9c: {  	v17 =	vld.idx.msk [tilespmem:v29+s18+$0x0], $0xffff  }
0x9d: {  	(v2sf) =	vpush v12, $0x7;
	v18 =	vld.idx.msk [tilespmem:v30+s19+$0x0], $0xffff  }
0x9e: {  	v32 =	vld.idx.msk [tilespmem:v31+s18+$0x0], $0xffff;
	v13 =	vmul.f32 v14, v13  }
0x9f: {  	(v2sf) =	vpush v11, $0x7;
	v33 =	vld.idx.msk [tilespmem:v20+s19+$0x0], $0xffff  }
0xa0: {  	v15 =	vmul.f32 v16, v15;
	v13 =	vadd.f32 $0.0e+00, v13;
	_ =	sdelay $0x1  }
0xa1: {  	v34 =	vmul.f32 v18, v17;
	v13 =	vadd.f32 v15, v13;
	_ =	sdelay $0x1  }
0xa2: {  	v14 =	vmul.f32 v33, v32;
	v13 =	vadd.f32 v34, v13;
	_ =	sdelay $0x1  }
0xa3: {  	v13 =	vadd.f32 v14, v13;
	_ =	sdelay $0x1  }
0xa4: {  	(xrf2) =	vadd.scan.msk.f32 $0xffff, v13;
	_ =	sdelay $0x3  }
0xa5: {  	s0 =	spop (v2sf)  }
0xa6: {  	s9 =	sand.u32 $0xFFFFF80, s0  }
0xa7: {  	s31 =	spop (v2sf);
	s9 =	sadd.s32 s2, s9  }
0xa8: {  	[tilespmem:s18], [sflag:$0x4] =	stream.strided.gather [hbm4b:s9+s12], $0x2000, s11, s12, $0x38;
	[tilespmem:$0x10680] =	vst v63  }
0xa9: {  	s9 =	sand.u32 $0xFFFFF80, s31  }
0xaa: {  	s9 =	sadd.s32 s3, s9  }
0xab: {  	[tilespmem:s19], [sflag:$0x4] =	stream.strided.gather [hbm4b:s9+s12], $0x2000, s11, s12, $0x38;
	v13, _, _ =	vpop (xrf2);
	[tilespmem:$0x10680] =	vst v63  }
0xac: {  	s1 =	sand.u32 $0x7F, s1;
	_ =	swait.ge [sflag:s20], $0x2000  }
0xad: {  	s24 =	sand.u32 $0x7F, s24;
	v35 =	vor.u32 s1, v0;
	[sflag:s20] =	ssyncset.done $0x0  }
0xae: {  	v36 =	vor.u32 s24, v0;
	[sflag:s20] =	ssyncadd.s32 $0xFFFFE000  }
0xaf: {  	v37 =	vor.u32 s1, v1;
	_ =	swait.ge [sflag:s20], $0x2000  }
0xb0: {  	v38 =	vor.u32 s24, v1;
	[sflag:s20] =	ssyncset.done $0x0  }
0xb1: {  	v39 =	vor.u32 s1, v2;
	[sflag:s20] =	ssyncadd.s32 $0xFFFFE000  }
0xb2: {  	v40 =	vor.u32 s24, v2;
	v14 =	vld.idx.msk [tilespmem:v35+s12+$0x0], $0xffff  }
0xb3: {  	v41 =	vor.u32 s1, v3;
	v15 =	vld.idx.msk [tilespmem:v36+s13+$0x0], $0xffff  }
0xb4: {  	v21 =	vor.u32 s24, v3;
	v16 =	vld.idx.msk [tilespmem:v37+s12+$0x0], $0xffff  }
0xb5: {  	v17 =	vld.idx.msk [tilespmem:v38+s13+$0x0], $0xffff  }
0xb6: {  	v18 =	vld.idx.msk [tilespmem:v39+s12+$0x0], $0xffff  }
0xb7: {  	(v2sf) =	vpush v12, $0x8;
	v19 =	vld.idx.msk [tilespmem:v40+s13+$0x0], $0xffff  }
0xb8: {  	v42 =	vld.idx.msk [tilespmem:v41+s12+$0x0], $0xffff;
	v14 =	vmul.f32 v15, v14  }
0xb9: {  	(v2sf) =	vpush v11, $0x8;
	v43 =	vld.idx.msk [tilespmem:v21+s13+$0x0], $0xffff  }
0xba: {  	v16 =	vmul.f32 v17, v16;
	v14 =	vadd.f32 $0.0e+00, v14;
	_ =	sdelay $0x1  }
0xbb: {  	v44 =	vmul.f32 v19, v18;
	v14 =	vadd.f32 v16, v14;
	_ =	sdelay $0x1  }
0xbc: {  	v15 =	vmul.f32 v43, v42;
	v14 =	vadd.f32 v44, v14;
	_ =	sdelay $0x1  }
0xbd: {  	v14 =	vadd.f32 v15, v14;
	_ =	sdelay $0x1  }
0xbe: {  	(xrf2) =	vadd.scan.msk.f32 $0xffff, v14;
	_ =	sdelay $0x3  }
0xbf: {  	s1 =	spop (v2sf)  }
0xc0: {  	s9 =	sand.u32 $0xFFFFF80, s1  }
0xc1: {  	s24 =	spop (v2sf);
	s9 =	sadd.s32 s2, s9  }
0xc2: {  	[tilespmem:s12], [sflag:$0x1] =	stream.strided.gather [hbm4b:s9+s12], $0x2000, s11, s12, $0x38;
	[tilespmem:$0x10680] =	vst v63  }
0xc3: {  	s9 =	sand.u32 $0xFFFFF80, s24  }
0xc4: {  	s9 =	sadd.s32 s3, s9  }
0xc5: {  	[tilespmem:s13], [sflag:$0x1] =	stream.strided.gather [hbm4b:s9+s12], $0x2000, s11, s12, $0x38;
	v14, _, _ =	vpop (xrf2);
	[tilespmem:$0x10680] =	vst v63  }
0xc6: {  	s5 =	sand.u32 $0x7F, s5;
	_ =	swait.ge [sflag:s21], $0x2000  }
0xc7: {  	s6 =	sand.u32 $0x7F, s6;
	v45 =	vor.u32 s5, v0;
	[sflag:s21] =	ssyncset.done $0x0  }
0xc8: {  	v46 =	vor.u32 s6, v0;
	[sflag:s21] =	ssyncadd.s32 $0xFFFFE000  }
0xc9: {  	v47 =	vor.u32 s5, v1;
	_ =	swait.ge [sflag:s21], $0x2000  }
0xca: {  	v48 =	vor.u32 s6, v1;
	[sflag:s21] =	ssyncset.done $0x0  }
0xcb: {  	v49 =	vor.u32 s5, v2;
	[sflag:s21] =	ssyncadd.s32 $0xFFFFE000  }
0xcc: {  	v50 =	vor.u32 s6, v2;
	v15 =	vld.idx.msk [tilespmem:v45+s14+$0x0], $0xffff  }
0xcd: {  	v51 =	vor.u32 s5, v3;
	v16 =	vld.idx.msk [tilespmem:v46+s15+$0x0], $0xffff  }
0xce: {  	v22 =	vor.u32 s6, v3;
	v17 =	vld.idx.msk [tilespmem:v47+s14+$0x0], $0xffff  }
0xcf: {  	v18 =	vld.idx.msk [tilespmem:v48+s15+$0x0], $0xffff  }
0xd0: {  	v19 =	vld.idx.msk [tilespmem:v49+s14+$0x0], $0xffff  }
0xd1: {  	(v2sf) =	vpush v12, $0x9;
	v20 =	vld.idx.msk [tilespmem:v50+s15+$0x0], $0xffff  }
0xd2: {  	v52 =	vld.idx.msk [tilespmem:v51+s14+$0x0], $0xffff;
	v15 =	vmul.f32 v16, v15  }
0xd3: {  	(v2sf) =	vpush v11, $0x9;
	v53 =	vld.idx.msk [tilespmem:v22+s15+$0x0], $0xffff  }
0xd4: {  	v17 =	vmul.f32 v18, v17;
	v15 =	vadd.f32 $0.0e+00, v15;
	_ =	sdelay $0x1  }
0xd5: {  	v54 =	vmul.f32 v20, v19;
	v15 =	vadd.f32 v17, v15;
	_ =	sdelay $0x1  }
0xd6: {  	v16 =	vmul.f32 v53, v52;
	v15 =	vadd.f32 v54, v15;
	_ =	sdelay $0x1  }
0xd7: {  	v15 =	vadd.f32 v16, v15;
	_ =	sdelay $0x1  }
0xd8: {  	(xrf2) =	vadd.scan.msk.f32 $0xffff, v15;
	_ =	sdelay $0x3  }
0xd9: {  	s5 =	spop (v2sf)  }
0xda: {  	s9 =	sand.u32 $0xFFFFF80, s5  }
0xdb: {  	s6 =	spop (v2sf);
	s9 =	sadd.s32 s2, s9  }
0xdc: {  	[tilespmem:s14], [sflag:$0x2] =	stream.strided.gather [hbm4b:s9+s12], $0x2000, s11, s12, $0x38;
	[tilespmem:$0x10680] =	vst v63  }
0xdd: {  	s9 =	sand.u32 $0xFFFFF80, s6  }
0xde: {  	s9 =	sadd.s32 s3, s9  }
0xdf: {  	[tilespmem:s15], [sflag:$0x2] =	stream.strided.gather [hbm4b:s9+s12], $0x2000, s11, s12, $0x38;
	v15, _, _ =	vpop (xrf2);
	[tilespmem:$0x10680] =	vst v63  }
0xe0: {  	s7 =	sand.u32 $0x7F, s7;
	_ =	swait.ge [sflag:s22], $0x2000  }
0xe1: {  	v55 =	vor.u32 s7, v0;
	s8 =	sand.u32 $0x7F, s8;
	[sflag:s22] =	ssyncset.done $0x0  }
0xe2: {  	v56 =	vor.u32 s8, v0;
	[sflag:s22] =	ssyncadd.s32 $0xFFFFE000  }
0xe3: {  	v57 =	vor.u32 s7, v1;
	_ =	swait.ge [sflag:s22], $0x2000  }
0xe4: {  	v58 =	vor.u32 s8, v1;
	[sflag:s22] =	ssyncset.done $0x0  }
0xe5: {  	v59 =	vor.u32 s7, v2;
	[sflag:s22] =	ssyncadd.s32 $0xFFFFE000  }
0xe6: {  	v60 =	vor.u32 s8, v2;
	v16 =	vld.idx.msk [tilespmem:v55+s16+$0x0], $0xffff  }
0xe7: {  	v61 =	vor.u32 s7, v3;
	v17 =	vld.idx.msk [tilespmem:v56+s17+$0x0], $0xffff  }
0xe8: {  	v23 =	vor.u32 s8, v3;
	v18 =	vld.idx.msk [tilespmem:v57+s16+$0x0], $0xffff  }
0xe9: {  	v19 =	vld.idx.msk [tilespmem:v58+s17+$0x0], $0xffff  }
0xea: {  	v20 =	vld.idx.msk [tilespmem:v59+s16+$0x0], $0xffff  }
0xeb: {  	(v2sf) =	vpush v12, $0xA;
	v21 =	vld.idx.msk [tilespmem:v60+s17+$0x0], $0xffff  }
0xec: {  	v62 =	vld.idx.msk [tilespmem:v61+s16+$0x0], $0xffff;
	v16 =	vmul.f32 v17, v16  }
0xed: {  	(v2sf) =	vpush v11, $0xA;
	v63 =	vld.idx.msk [tilespmem:v23+s17+$0x0], $0xffff  }
0xee: {  	v18 =	vmul.f32 v19, v18;
	v16 =	vadd.f32 $0.0e+00, v16;
	_ =	sdelay $0x1  }
0xef: {  	v24 =	vmul.f32 v21, v20;
	v16 =	vadd.f32 v18, v16;
	_ =	sdelay $0x1  }
0xf0: {  	v17 =	vmul.f32 v63, v62;
	v16 =	vadd.f32 v24, v16;
	_ =	sdelay $0x1  }
0xf1: {  	v16 =	vadd.f32 v17, v16;
	_ =	sdelay $0x1  }
0xf2: {  	(xrf2) =	vadd.scan.msk.f32 $0xffff, v16;
	_ =	sdelay $0x3  }
0xf3: {  	s7 =	spop (v2sf)  }
0xf4: {  	s9 =	sand.u32 $0xFFFFF80, s7  }
0xf5: {  	s8 =	spop (v2sf);
	s9 =	sadd.s32 s2, s9  }
0xf6: {  	[tilespmem:s16], [sflag:$0x3] =	stream.strided.gather [hbm4b:s9+s12], $0x2000, s11, s12, $0x38;
	[tilespmem:$0x10680] =	vst v63  }
0xf7: {  	s9 =	sand.u32 $0xFFFFF80, s8  }
0xf8: {  	s9 =	sadd.s32 s3, s9  }
0xf9: {  	[tilespmem:s17], [sflag:$0x3] =	stream.strided.gather [hbm4b:s9+s12], $0x2000, s11, s12, $0x38;
	v16, _, _ =	vpop (xrf2);
	[tilespmem:$0x10680] =	vst v63  }
0xfa: {  	s0 =	sand.u32 $0x7F, s0;
	_ =	swait.ge [sflag:s23], $0x2000  }
0xfb: {  	v25 =	vor.u32 s0, v0;
	s31 =	sand.u32 $0x7F, s31;
	[sflag:s23] =	ssyncset.done $0x0  }
0xfc: {  	v26 =	vor.u32 s31, v0;
	[sflag:s23] =	ssyncadd.s32 $0xFFFFE000  }
0xfd: {  	v27 =	vor.u32 s0, v1;
	_ =	swait.ge [sflag:s23], $0x2000  }
0xfe: {  	v28 =	vor.u32 s31, v1;
	[sflag:s23] =	ssyncset.done $0x0  }
0xff: {  	v29 =	vor.u32 s0, v2;
	[sflag:s23] =	ssyncadd.s32 $0xFFFFE000  }
0x100: {  	v30 =	vor.u32 s31, v2;
	v17 =	vld.idx.msk [tilespmem:v25+s18+$0x0], $0xffff  }
0x101: {  	v31 =	vor.u32 s0, v3;
	v18 =	vld.idx.msk [tilespmem:v26+s19+$0x0], $0xffff  }
0x102: {  	v24 =	vor.u32 s31, v3;
	v19 =	vld.idx.msk [tilespmem:v27+s18+$0x0], $0xffff  }
0x103: {  	v20 =	vld.idx.msk [tilespmem:v28+s19+$0x0], $0xffff  }
0x104: {  	v21 =	vld.idx.msk [tilespmem:v29+s18+$0x0], $0xffff  }
0x105: {  	(v2sf) =	vpush v12, $0xB;
	v22 =	vld.idx.msk [tilespmem:v30+s19+$0x0], $0xffff  }
0x106: {  	v32 =	vld.idx.msk [tilespmem:v31+s18+$0x0], $0xffff;
	v17 =	vmul.f32 v18, v17  }
0x107: {  	(v2sf) =	vpush v11, $0xB;
	v33 =	vld.idx.msk [tilespmem:v24+s19+$0x0], $0xffff  }
0x108: {  	v19 =	vmul.f32 v20, v19;
	v17 =	vadd.f32 $0.0e+00, v17;
	_ =	sdelay $0x1  }
0x109: {  	v34 =	vmul.f32 v22, v21;
	v17 =	vadd.f32 v19, v17;
	_ =	sdelay $0x1  }
0x10a: {  	v18 =	vmul.f32 v33, v32;
	v17 =	vadd.f32 v34, v17;
	_ =	sdelay $0x1  }
0x10b: {  	v17 =	vadd.f32 v18, v17;
	_ =	sdelay $0x1  }
0x10c: {  	(xrf2) =	vadd.scan.msk.f32 $0xffff, v17;
	_ =	sdelay $0x3  }
0x10d: {  	s0 =	spop (v2sf)  }
0x10e: {  	s9 =	sand.u32 $0xFFFFF80, s0  }
0x10f: {  	s31 =	spop (v2sf);
	s9 =	sadd.s32 s2, s9  }
0x110: {  	[tilespmem:s18], [sflag:$0x4] =	stream.strided.gather [hbm4b:s9+s12], $0x2000, s11, s12, $0x38;
	[tilespmem:$0x10680] =	vst v63  }
0x111: {  	s9 =	sand.u32 $0xFFFFF80, s31  }
0x112: {  	s9 =	sadd.s32 s3, s9  }
0x113: {  	[tilespmem:s19], [sflag:$0x4] =	stream.strided.gather [hbm4b:s9+s12], $0x2000, s11, s12, $0x38;
	v17, _, _ =	vpop (xrf2);
	[tilespmem:$0x10680] =	vst v63  }
0x114: {  	s1 =	sand.u32 $0x7F, s1;
	_ =	swait.ge [sflag:s20], $0x2000  }
0x115: {  	v35 =	vor.u32 s1, v0;
	s24 =	sand.u32 $0x7F, s24;
	[sflag:s20] =	ssyncset.done $0x0  }
0x116: {  	v36 =	vor.u32 s24, v0;
	[sflag:s20] =	ssyncadd.s32 $0xFFFFE000  }
0x117: {  	v37 =	vor.u32 s1, v1;
	_ =	swait.ge [sflag:s20], $0x2000  }
0x118: {  	v38 =	vor.u32 s24, v1;
	[sflag:s20] =	ssyncset.done $0x0  }
0x119: {  	v39 =	vor.u32 s1, v2;
	[sflag:s20] =	ssyncadd.s32 $0xFFFFE000  }
0x11a: {  	v40 =	vor.u32 s24, v2;
	v18 =	vld.idx.msk [tilespmem:v35+s12+$0x0], $0xffff  }
0x11b: {  	v41 =	vor.u32 s1, v3;
	v19 =	vld.idx.msk [tilespmem:v36+s13+$0x0], $0xffff  }
0x11c: {  	v25 =	vor.u32 s24, v3;
	v20 =	vld.idx.msk [tilespmem:v37+s12+$0x0], $0xffff  }
0x11d: {  	v21 =	vld.idx.msk [tilespmem:v38+s13+$0x0], $0xffff  }
0x11e: {  	v22 =	vld.idx.msk [tilespmem:v39+s12+$0x0], $0xffff  }
0x11f: {  	(v2sf) =	vpush v12, $0xC;
	v23 =	vld.idx.msk [tilespmem:v40+s13+$0x0], $0xffff  }
0x120: {  	v42 =	vld.idx.msk [tilespmem:v41+s12+$0x0], $0xffff;
	v18 =	vmul.f32 v19, v18  }
0x121: {  	(v2sf) =	vpush v11, $0xC;
	v43 =	vld.idx.msk [tilespmem:v25+s13+$0x0], $0xffff  }
0x122: {  	v20 =	vmul.f32 v21, v20;
	v18 =	vadd.f32 $0.0e+00, v18;
	_ =	sdelay $0x1  }
0x123: {  	v44 =	vmul.f32 v23, v22;
	v18 =	vadd.f32 v20, v18;
	_ =	sdelay $0x1  }
0x124: {  	v19 =	vmul.f32 v43, v42;
	v18 =	vadd.f32 v44, v18;
	_ =	sdelay $0x1  }
0x125: {  	v18 =	vadd.f32 v19, v18;
	_ =	sdelay $0x1  }
0x126: {  	(xrf2) =	vadd.scan.msk.f32 $0xffff, v18;
	_ =	sdelay $0x3  }
0x127: {  	s1 =	spop (v2sf)  }
0x128: {  	s9 =	sand.u32 $0xFFFFF80, s1  }
0x129: {  	s24 =	spop (v2sf);
	s9 =	sadd.s32 s2, s9  }
0x12a: {  	[tilespmem:s12], [sflag:$0x1] =	stream.strided.gather [hbm4b:s9+s12], $0x2000, s11, s12, $0x38;
	[tilespmem:$0x10680] =	vst v63  }
0x12b: {  	s9 =	sand.u32 $0xFFFFF80, s24  }
0x12c: {  	s9 =	sadd.s32 s3, s9  }
0x12d: {  	[tilespmem:s13], [sflag:$0x1] =	stream.strided.gather [hbm4b:s9+s12], $0x2000, s11, s12, $0x38;
	v18, _, _ =	vpop (xrf2);
	[tilespmem:$0x10680] =	vst v63  }
0x12e: {  	s5 =	sand.u32 $0x7F, s5;
	_ =	swait.ge [sflag:s21], $0x2000  }
0x12f: {  	v45 =	vor.u32 s5, v0;
	s6 =	sand.u32 $0x7F, s6;
	[sflag:s21] =	ssyncset.done $0x0  }
0x130: {  	v46 =	vor.u32 s6, v0;
	[sflag:s21] =	ssyncadd.s32 $0xFFFFE000  }
0x131: {  	v47 =	vor.u32 s5, v1;
	_ =	swait.ge [sflag:s21], $0x2000  }
0x132: {  	v48 =	vor.u32 s6, v1;
	[sflag:s21] =	ssyncset.done $0x0  }
0x133: {  	v49 =	vor.u32 s5, v2;
	[sflag:s21] =	ssyncadd.s32 $0xFFFFE000  }
0x134: {  	v50 =	vor.u32 s6, v2;
	v19 =	vld.idx.msk [tilespmem:v45+s14+$0x0], $0xffff  }
0x135: {  	v51 =	vor.u32 s5, v3;
	v20 =	vld.idx.msk [tilespmem:v46+s15+$0x0], $0xffff  }
0x136: {  	v26 =	vor.u32 s6, v3;
	v21 =	vld.idx.msk [tilespmem:v47+s14+$0x0], $0xffff  }
0x137: {  	v22 =	vld.idx.msk [tilespmem:v48+s15+$0x0], $0xffff  }
0x138: {  	v23 =	vld.idx.msk [tilespmem:v49+s14+$0x0], $0xffff  }
0x139: {  	(v2sf) =	vpush v12, $0xD;
	v24 =	vld.idx.msk [tilespmem:v50+s15+$0x0], $0xffff  }
0x13a: {  	v52 =	vld.idx.msk [tilespmem:v51+s14+$0x0], $0xffff;
	v19 =	vmul.f32 v20, v19  }
0x13b: {  	(v2sf) =	vpush v11, $0xD;
	v53 =	vld.idx.msk [tilespmem:v26+s15+$0x0], $0xffff  }
0x13c: {  	v21 =	vmul.f32 v22, v21;
	v19 =	vadd.f32 $0.0e+00, v19;
	_ =	sdelay $0x1  }
0x13d: {  	v54 =	vmul.f32 v24, v23;
	v19 =	vadd.f32 v21, v19;
	_ =	sdelay $0x1  }
0x13e: {  	v20 =	vmul.f32 v53, v52;
	v19 =	vadd.f32 v54, v19;
	_ =	sdelay $0x1  }
0x13f: {  	v19 =	vadd.f32 v20, v19;
	_ =	sdelay $0x1  }
0x140: {  	(xrf2) =	vadd.scan.msk.f32 $0xffff, v19;
	_ =	sdelay $0x3  }
0x141: {  	s5 =	spop (v2sf)  }
0x142: {  	s9 =	sand.u32 $0xFFFFF80, s5  }
0x143: {  	s6 =	spop (v2sf);
	s9 =	sadd.s32 s2, s9  }
0x144: {  	[tilespmem:s14], [sflag:$0x2] =	stream.strided.gather [hbm4b:s9+s12], $0x2000, s11, s12, $0x38;
	[tilespmem:$0x10680] =	vst v63  }
0x145: {  	s9 =	sand.u32 $0xFFFFF80, s6  }
0x146: {  	s9 =	sadd.s32 s3, s9  }
0x147: {  	[tilespmem:s15], [sflag:$0x2] =	stream.strided.gather [hbm4b:s9+s12], $0x2000, s11, s12, $0x38;
	v19, _, _ =	vpop (xrf2);
	[tilespmem:$0x10680] =	vst v63  }
0x148: {  	s7 =	sand.u32 $0x7F, s7;
	_ =	swait.ge [sflag:s22], $0x2000  }
0x149: {  	v55 =	vor.u32 s7, v0;
	s8 =	sand.u32 $0x7F, s8;
	[sflag:s22] =	ssyncset.done $0x0  }
0x14a: {  	v56 =	vor.u32 s8, v0;
	[sflag:s22] =	ssyncadd.s32 $0xFFFFE000  }
0x14b: {  	v57 =	vor.u32 s7, v1;
	_ =	swait.ge [sflag:s22], $0x2000  }
0x14c: {  	v58 =	vor.u32 s8, v1;
	[sflag:s22] =	ssyncset.done $0x0  }
0x14d: {  	v59 =	vor.u32 s7, v2;
	[sflag:s22] =	ssyncadd.s32 $0xFFFFE000  }
0x14e: {  	v60 =	vor.u32 s8, v2;
	v20 =	vld.idx.msk [tilespmem:v55+s16+$0x0], $0xffff  }
0x14f: {  	v61 =	vor.u32 s7, v3;
	v21 =	vld.idx.msk [tilespmem:v56+s17+$0x0], $0xffff  }
0x150: {  	v27 =	vor.u32 s8, v3;
	v22 =	vld.idx.msk [tilespmem:v57+s16+$0x0], $0xffff  }
0x151: {  	v23 =	vld.idx.msk [tilespmem:v58+s17+$0x0], $0xffff  }
0x152: {  	v24 =	vld.idx.msk [tilespmem:v59+s16+$0x0], $0xffff  }
0x153: {  	(v2sf) =	vpush v12, $0xE;
	v25 =	vld.idx.msk [tilespmem:v60+s17+$0x0], $0xffff  }
0x154: {  	v62 =	vld.idx.msk [tilespmem:v61+s16+$0x0], $0xffff;
	v20 =	vmul.f32 v21, v20  }
0x155: {  	(v2sf) =	vpush v11, $0xE;
	v63 =	vld.idx.msk [tilespmem:v27+s17+$0x0], $0xffff  }
0x156: {  	v22 =	vmul.f32 v23, v22;
	v20 =	vadd.f32 $0.0e+00, v20;
	_ =	sdelay $0x1  }
0x157: {  	v28 =	vmul.f32 v25, v24;
	v20 =	vadd.f32 v22, v20;
	_ =	sdelay $0x1  }
0x158: {  	v21 =	vmul.f32 v63, v62;
	v20 =	vadd.f32 v28, v20;
	_ =	sdelay $0x1  }
0x159: {  	v20 =	vadd.f32 v21, v20;
	_ =	sdelay $0x1  }
0x15a: {  	(xrf2) =	vadd.scan.msk.f32 $0xffff, v20;
	_ =	sdelay $0x3  }
0x15b: {  	s7 =	spop (v2sf)  }
0x15c: {  	s9 =	sand.u32 $0xFFFFF80, s7  }
0x15d: {  	s8 =	spop (v2sf);
	s9 =	sadd.s32 s2, s9  }
0x15e: {  	[tilespmem:s16], [sflag:$0x3] =	stream.strided.gather [hbm4b:s9+s12], $0x2000, s11, s12, $0x38;
	[tilespmem:$0x10680] =	vst v63  }
0x15f: {  	s9 =	sand.u32 $0xFFFFF80, s8  }
0x160: {  	s9 =	sadd.s32 s3, s9  }
0x161: {  	[tilespmem:s17], [sflag:$0x3] =	stream.strided.gather [hbm4b:s9+s12], $0x2000, s11, s12, $0x38;
	v20, _, _ =	vpop (xrf2);
	[tilespmem:$0x10680] =	vst v63  }
0x162: {  	s0 =	sand.u32 $0x7F, s0;
	_ =	swait.ge [sflag:s23], $0x2000  }
0x163: {  	v29 =	vor.u32 s0, v0;
	s31 =	sand.u32 $0x7F, s31;
	[sflag:s23] =	ssyncset.done $0x0  }
0x164: {  	v30 =	vor.u32 s31, v0;
	[sflag:s23] =	ssyncadd.s32 $0xFFFFE000  }
0x165: {  	v31 =	vor.u32 s0, v1;
	_ =	swait.ge [sflag:s23], $0x2000  }
0x166: {  	v32 =	vor.u32 s31, v1;
	[sflag:s23] =	ssyncset.done $0x0  }
0x167: {  	v33 =	vor.u32 s0, v2;
	[sflag:s23] =	ssyncadd.s32 $0xFFFFE000  }
0x168: {  	v34 =	vor.u32 s31, v2;
	v21 =	vld.idx.msk [tilespmem:v29+s18+$0x0], $0xffff  }
0x169: {  	v35 =	vor.u32 s0, v3;
	v22 =	vld.idx.msk [tilespmem:v30+s19+$0x0], $0xffff  }
0x16a: {  	v28 =	vor.u32 s31, v3;
	v23 =	vld.idx.msk [tilespmem:v31+s18+$0x0], $0xffff  }
0x16b: {  	v24 =	vld.idx.msk [tilespmem:v32+s19+$0x0], $0xffff  }
0x16c: {  	v25 =	vld.idx.msk [tilespmem:v33+s18+$0x0], $0xffff  }
0x16d: {  	(v2sf) =	vpush v12, $0xF;
	v26 =	vld.idx.msk [tilespmem:v34+s19+$0x0], $0xffff  }
0x16e: {  	v37 =	vld.idx.msk [tilespmem:v35+s18+$0x0], $0xffff;
	v36 =	vmul.f32 v22, v21  }
0x16f: {  	(v2sf) =	vpush v11, $0xF;
	v38 =	vld.idx.msk [tilespmem:v28+s19+$0x0], $0xffff  }
0x170: {  	v40 =	vmul.f32 v24, v23;
	v39 =	vadd.f32 $0.0e+00, v36;
	_ =	sdelay $0x1  }
0x171: {  	v41 =	vmul.f32 v26, v25;
	v11 =	vadd.f32 v40, v39;
	_ =	sdelay $0x1  }
0x172: {  	v42 =	vmul.f32 v38, v37;
	v11 =	vadd.f32 v41, v11;
	_ =	sdelay $0x1  }
0x173: {  	v11 =	vadd.f32 v42, v11;
	_ =	sdelay $0x1  }
0x174: {  	(xrf2) =	vadd.scan.msk.f32 $0xffff, v11;
	_ =	sdelay $0x3  }
0x175: {  	s0 =	spop (v2sf)  }
0x176: {  	s9 =	sand.u32 $0xFFFFF80, s0  }
0x177: {  	s31 =	spop (v2sf);
	s9 =	sadd.s32 s2, s9  }
0x178: {  	[tilespmem:s18], [sflag:$0x4] =	stream.strided.gather [hbm4b:s9+s12], $0x2000, s11, s12, $0x38;
	[tilespmem:$0x10680] =	vst v63  }
0x179: {  	s9 =	sand.u32 $0xFFFFF80, s31  }
0x17a: {  	s9 =	sadd.s32 s3, s9  }
0x17b: {  	[tilespmem:s19], [sflag:$0x4] =	stream.strided.gather [hbm4b:s9+s12], $0x2000, s11, s12, $0x38;
	v11, _, _ =	vpop (xrf2);
	[tilespmem:$0x10680] =	vst v63  }
0x17c: {  	s1 =	sand.u32 $0x7F, s1;
	_ =	swait.ge [sflag:s20], $0x2000  }
0x17d: {  	v43 =	vor.u32 s1, v0;
	s24 =	sand.u32 $0x7F, s24;
	[sflag:s20] =	ssyncset.done $0x0  }
0x17e: {  	v44 =	vor.u32 s24, v0;
	[sflag:s20] =	ssyncadd.s32 $0xFFFFE000  }
0x17f: {  	v45 =	vor.u32 s1, v1;
	_ =	swait.ge [sflag:s20], $0x2000  }
0x180: {  	v46 =	vor.u32 s24, v1;
	[sflag:s20] =	ssyncset.done $0x0  }
0x181: {  	v47 =	vor.u32 s1, v2;
	[sflag:s20] =	ssyncadd.s32 $0xFFFFE000  }
0x182: {  	v48 =	vor.u32 s24, v2;
	v12 =	vld.idx.msk [tilespmem:v43+s12+$0x0], $0xffff  }
0x183: {  	v49 =	vor.u32 s1, v3;
	v21 =	vld.idx.msk [tilespmem:v44+s13+$0x0], $0xffff  }
0x184: {  	v50 =	vor.u32 s24, v3;
	v22 =	vld.idx.msk [tilespmem:v45+s12+$0x0], $0xffff  }
0x185: {  	v23 =	vld.idx.msk [tilespmem:v46+s13+$0x0], $0xffff  }
0x186: {  	v24 =	vld.idx.msk [tilespmem:v47+s12+$0x0], $0xffff  }
0x187: {  	(v2sf) =	vpush v7, $0x0;
	v25 =	vld.idx.msk [tilespmem:v48+s13+$0x0], $0xffff  }
0x188: {  	v51 =	vld.idx.msk [tilespmem:v49+s12+$0x0], $0xffff;
	v12 =	vmul.f32 v21, v12  }
0x189: {  	(v2sf) =	vpush v6, $0x0;
	v52 =	vld.idx.msk [tilespmem:v50+s13+$0x0], $0xffff  }
0x18a: {  	v22 =	vmul.f32 v23, v22;
	v12 =	vadd.f32 $0.0e+00, v12;
	_ =	sdelay $0x1  }
0x18b: {  	v53 =	vmul.f32 v25, v24;
	v12 =	vadd.f32 v22, v12;
	_ =	sdelay $0x1  }
0x18c: {  	v21 =	vmul.f32 v52, v51;
	v12 =	vadd.f32 v53, v12;
	_ =	sdelay $0x1  }
0x18d: {  	v12 =	vadd.f32 v21, v12;
	_ =	sdelay $0x1  }
0x18e: {  	(xrf2) =	vadd.scan.msk.f32 $0xffff, v12;
	_ =	sdelay $0x3  }
0x18f: {  	s9 =	spop (v2sf)  }
0x190: {  	s1 =	sand.u32 $0xFFFFF80, s9  }
0x191: {  	s24 =	spop (v2sf);
	s1 =	sadd.s32 s2, s1  }
0x192: {  	[tilespmem:s12], [sflag:$0x1] =	stream.strided.gather [hbm4b:s1+s12], $0x2000, s11, s12, $0x38;
	[tilespmem:$0x10680] =	vst v63  }
0x193: {  	s1 =	sand.u32 $0xFFFFF80, s24  }
0x194: {  	s1 =	sadd.s32 s3, s1  }
0x195: {  	[tilespmem:s13], [sflag:$0x1] =	stream.strided.gather [hbm4b:s1+s12], $0x2000, s11, s12, $0x38;
	v12, _, _ =	vpop (xrf2);
	[tilespmem:$0x10680] =	vst v63  }
0x196: {  	s9 =	sand.u32 $0x7F, s5;
	_ =	swait.ge [sflag:s21], $0x2000  }
0x197: {  	v54 =	vor.u32 s9, v0;
	s24 =	sand.u32 $0x7F, s6;
	[sflag:s21] =	ssyncset.done $0x0  }
0x198: {  	v55 =	vor.u32 s24, v0;
	[sflag:s21] =	ssyncadd.s32 $0xFFFFE000  }
0x199: {  	v56 =	vor.u32 s9, v1;
	_ =	swait.ge [sflag:s21], $0x2000  }
0x19a: {  	v57 =	vor.u32 s24, v1;
	[sflag:s21] =	ssyncset.done $0x0  }
0x19b: {  	v58 =	vor.u32 s9, v2;
	[sflag:s21] =	ssyncadd.s32 $0xFFFFE000  }
0x19c: {  	v59 =	vor.u32 s24, v2;
	v21 =	vld.idx.msk [tilespmem:v54+s14+$0x0], $0xffff  }
0x19d: {  	v60 =	vor.u32 s9, v3;
	v22 =	vld.idx.msk [tilespmem:v55+s15+$0x0], $0xffff  }
0x19e: {  	v61 =	vor.u32 s24, v3;
	v23 =	vld.idx.msk [tilespmem:v56+s14+$0x0], $0xffff  }
0x19f: {  	v24 =	vld.idx.msk [tilespmem:v57+s15+$0x0], $0xffff  }
0x1a0: {  	v25 =	vld.idx.msk [tilespmem:v58+s14+$0x0], $0xffff  }
0x1a1: {  	(v2sf) =	vpush v7, $0x1;
	v26 =	vld.idx.msk [tilespmem:v59+s15+$0x0], $0xffff  }
0x1a2: {  	v62 =	vld.idx.msk [tilespmem:v60+s14+$0x0], $0xffff;
	v21 =	vmul.f32 v22, v21  }
0x1a3: {  	(v2sf) =	vpush v6, $0x1;
	v63 =	vld.idx.msk [tilespmem:v61+s15+$0x0], $0xffff  }
0x1a4: {  	v23 =	vmul.f32 v24, v23;
	v21 =	vadd.f32 $0.0e+00, v21;
	_ =	sdelay $0x1  }
0x1a5: {  	v30 =	vmul.f32 v26, v25;
	v21 =	vadd.f32 v23, v21;
	_ =	sdelay $0x1  }
0x1a6: {  	v22 =	vmul.f32 v63, v62;
	v21 =	vadd.f32 v30, v21;
	_ =	sdelay $0x1  }
0x1a7: {  	v21 =	vadd.f32 v22, v21;
	_ =	sdelay $0x1  }
0x1a8: {  	(xrf2) =	vadd.scan.msk.f32 $0xffff, v21;
	_ =	sdelay $0x3  }
0x1a9: {  	s5 =	spop (v2sf)  }
0x1aa: {  	s1 =	sand.u32 $0xFFFFF80, s5  }
0x1ab: {  	s6 =	spop (v2sf);
	s1 =	sadd.s32 s2, s1  }
0x1ac: {  	[tilespmem:s14], [sflag:$0x2] =	stream.strided.gather [hbm4b:s1+s12], $0x2000, s11, s12, $0x38;
	[tilespmem:$0x10680] =	vst v63  }
0x1ad: {  	s1 =	sand.u32 $0xFFFFF80, s6  }
0x1ae: {  	s1 =	sadd.s32 s3, s1  }
0x1af: {  	[tilespmem:s15], [sflag:$0x2] =	stream.strided.gather [hbm4b:s1+s12], $0x2000, s11, s12, $0x38;
	v21, _, _ =	vpop (xrf2);
	[tilespmem:$0x10680] =	vst v63  }
0x1b0: {  	s7 =	sand.u32 $0x7F, s7;
	_ =	swait.ge [sflag:s22], $0x2000  }
0x1b1: {  	s8 =	sand.u32 $0x7F, s8;
	v31 =	vor.u32 s7, v0;
	[sflag:s22] =	ssyncset.done $0x0  }
0x1b2: {  	v32 =	vor.u32 s8, v0;
	[sflag:s22] =	ssyncadd.s32 $0xFFFFE000  }
0x1b3: {  	v33 =	vor.u32 s7, v1;
	_ =	swait.ge [sflag:s22], $0x2000  }
0x1b4: {  	v34 =	vor.u32 s8, v1;
	[sflag:s22] =	ssyncset.done $0x0  }
0x1b5: {  	v35 =	vor.u32 s7, v2;
	[sflag:s22] =	ssyncadd.s32 $0xFFFFE000  }
0x1b6: {  	v36 =	vor.u32 s8, v2;
	v22 =	vld.idx.msk [tilespmem:v31+s16+$0x0], $0xffff  }
0x1b7: {  	v37 =	vor.u32 s7, v3;
	v23 =	vld.idx.msk [tilespmem:v32+s17+$0x0], $0xffff  }
0x1b8: {  	v29 =	vor.u32 s8, v3;
	v24 =	vld.idx.msk [tilespmem:v33+s16+$0x0], $0xffff  }
0x1b9: {  	v25 =	vld.idx.msk [tilespmem:v34+s17+$0x0], $0xffff  }
0x1ba: {  	(v2sf) =	vpush v7, $0x2;
	v7 =	vld.idx.msk [tilespmem:v35+s16+$0x0], $0xffff  }
0x1bb: {  	v38 =	vld.idx.msk [tilespmem:v36+s17+$0x0], $0xffff  }
0x1bc: {  	v39 =	vld.idx.msk [tilespmem:v37+s16+$0x0], $0xffff;
	v22 =	vmul.f32 v23, v22  }
0x1bd: {  	(v2sf) =	vpush v6, $0x2;
	v40 =	vld.idx.msk [tilespmem:v29+s17+$0x0], $0xffff  }
0x1be: {  	v24 =	vmul.f32 v25, v24;
	v22 =	vadd.f32 $0.0e+00, v22;
	_ =	sdelay $0x1  }
0x1bf: {  	v7 =	vmul.f32 v38, v7;
	v6 =	vadd.f32 v24, v22;
	_ =	sdelay $0x1  }
0x1c0: {  	v6 =	vadd.f32 v7, v6;
	v7 =	vmul.f32 v40, v39;
	_ =	sdelay $0x1  }
0x1c1: {  	v6 =	vadd.f32 v7, v6;
	_ =	sdelay $0x1  }
0x1c2: {  	(xrf2) =	vadd.scan.msk.f32 $0xffff, v6;
	_ =	sdelay $0x3  }
0x1c3: {  	s9 =	spop (v2sf)  }
0x1c4: {  	s1 =	sand.u32 $0xFFFFF80, s9  }
0x1c5: {  	s24 =	spop (v2sf);
	s1 =	sadd.s32 s2, s1  }
0x1c6: {  	[tilespmem:s16], [sflag:$0x3] =	stream.strided.gather [hbm4b:s1+s12], $0x2000, s11, s12, $0x38;
	[tilespmem:$0x10680] =	vst v63  }
0x1c7: {  	s1 =	sand.u32 $0xFFFFF80, s24  }
0x1c8: {  	s1 =	sadd.s32 s3, s1  }
0x1c9: {  	[tilespmem:s17], [sflag:$0x3] =	stream.strided.gather [hbm4b:s1+s12], $0x2000, s11, s12, $0x38;
	v6, _, _ =	vpop (xrf2);
	[tilespmem:$0x10680] =	vst v63  }
0x1ca: {  	s0 =	sand.u32 $0x7F, s0;
	_ =	swait.ge [sflag:s23], $0x2000  }
0x1cb: {  	s31 =	sand.u32 $0x7F, s31;
	v7 =	vor.u32 s0, v0;
	[sflag:s23] =	ssyncset.done $0x0  }
0x1cc: {  	v41 =	vor.u32 s31, v0;
	[sflag:s23] =	ssyncadd.s32 $0xFFFFE000  }
0x1cd: {  	v42 =	vor.u32 s0, v1;
	_ =	swait.ge [sflag:s23], $0x2000  }
0x1ce: {  	v43 =	vor.u32 s31, v1;
	[sflag:s23] =	ssyncset.done $0x0  }
0x1cf: {  	v44 =	vor.u32 s0, v2;
	[sflag:s23] =	ssyncadd.s32 $0xFFFFE000  }
0x1d0: {  	v45 =	vor.u32 s31, v2;
	v7 =	vld.idx.msk [tilespmem:v7+s18+$0x0], $0xffff  }
0x1d1: {  	v46 =	vor.u32 s0, v3;
	v22 =	vld.idx.msk [tilespmem:v41+s19+$0x0], $0xffff  }
0x1d2: {  	v47 =	vor.u32 s31, v3;
	v23 =	vld.idx.msk [tilespmem:v42+s18+$0x0], $0xffff  }
0x1d3: {  	v24 =	vld.idx.msk [tilespmem:v43+s19+$0x0], $0xffff  }
0x1d4: {  	v25 =	vld.idx.msk [tilespmem:v44+s18+$0x0], $0xffff  }
0x1d5: {  	v26 =	vld.idx.msk [tilespmem:v45+s19+$0x0], $0xffff  }
0x1d6: {  	v48 =	vld.idx.msk [tilespmem:v46+s18+$0x0], $0xffff;
	v7 =	vmul.f32 v22, v7  }
0x1d7: {  	v49 =	vld.idx.msk [tilespmem:v47+s19+$0x0], $0xffff  }
0x1d8: {  	v23 =	vmul.f32 v24, v23;
	v7 =	vadd.f32 $0.0e+00, v7;
	_ =	sdelay $0x1  }
0x1d9: {  	v50 =	vmul.f32 v26, v25;
	v7 =	vadd.f32 v23, v7  }
0x1da: {  	v8 =	vbroadcast v8, $0xF;
	v9 =	vbroadcast v9, $0xF  }
0x1db: {  	v10 =	vbroadcast v10, $0xF;
	v22 =	vmul.f32 v49, v48;
	v7 =	vadd.f32 v50, v7  }
0x1dc: {  	v8 =	vsel vm0, v8, v9;
	v51 =	vbroadcast v13, $0xF  }
0x1dd: {  	v8 =	vsel vm1, v8, v10;
	v52 =	vbroadcast v14, $0xF;
	v7 =	vadd.f32 v22, v7  }
0x1de: {  	v8 =	vsel vm2, v8, v51;
	v53 =	vbroadcast v15, $0xF  }
0x1df: {  	v8 =	vsel vm3, v8, v52;
	(xrf2) =	vadd.scan.msk.f32 $0xffff, v7;
	v7 =	vbroadcast v16, $0xF  }
0x1e0: {  	v8 =	vsel vm4, v8, v53;
	v54 =	vbroadcast v17, $0xF  }
0x1e1: {  	v55 =	vbroadcast v18, $0xF;
	v7 =	vsel vm5, v8, v7  }
0x1e2: {  	v56 =	vbroadcast v19, $0xF;
	v7 =	vsel vm6, v7, v54  }
0x1e3: {  	v57 =	vbroadcast v20, $0xF;
	v7 =	vsel vm7, v7, v55  }
0x1e4: {  	v58 =	vbroadcast v11, $0xF;
	v7 =	vsel vm8, v7, v56  }
0x1e5: {  	v59 =	vbroadcast v12, $0xF;
	v7 =	vsel vm9, v7, v57  }
0x1e6: {  	v60 =	vbroadcast v21, $0xF;
	v7 =	vsel vm10, v7, v58  }
0x1e7: {  	v7 =	vsel vm11, v7, v59  }
0x1e8: {  	v61 =	vld [tilespmem:s28+$0x0];
	v7 =	vsel vm12, v7, v60  }
0x1e9: {  	v6 =	vbroadcast v6, $0xF;
	_ =	sdelay $0x1  }
0x1ea: {  	v6 =	vsel vm13, v7, v6;
	v7, _, _ =	vpop (xrf2)  }
0x1eb: {  	v6 =	vsel vm14, v6, v7  }
0x1ec: {  	v6 =	vmul.f32 v6, v61;
	_ =	sdelay $0x1  }
0x1ed: {  	v7 =	vand.u32 $0x7FFFFFFF, v6  }
0x1ee: {  	v7 =	vsub.f32 $0.0e+00, v7;
	_ =	sdelay $0x1  }
0x1ef: {  	v7 =	vmul.f32 $1.442695020e+00, v7;
	_ =	sdelay $0x1  }
0x1f0: {  	(erf) = vpow2.f32 v7;
	_ =	sdelay $0x8  }
0x1f1: {  	v7 =	vpop (erf)  }
0x1f2: {  	v62 =	vadd.f32 $2.000000000e+00, v7;
	_ =	sdelay $0x1  }
0x1f3: {  	(erf) = vrcp.f32 v62;
	_ =	sdelay $0x8  }
0x1f4: {  	v8 =	vpop (erf)  }
0x1f5: {  	v7 =	vmul.f32 v8, v7;
	_ =	sdelay $0x1  }
0x1f6: {  	v8 =	vmul.f32 v7, v7;
	_ =	sdelay $0x1  }
0x1f7: {  	v63 =	vmul.f32 $1.111111120e-01, v8;
	_ =	sdelay $0x1  }
0x1f8: {  	v9 =	vadd.f32 $1.428571490e-01, v63;
	_ =	sdelay $0x1  }
0x1f9: {  	v9 =	vmul.f32 v9, v8;
	_ =	sdelay $0x1  }
0x1fa: {  	v9 =	vadd.f32 $2.000000030e-01, v9;
	_ =	sdelay $0x1  }
0x1fb: {  	v9 =	vmul.f32 v9, v8;
	_ =	sdelay $0x1  }
0x1fc: {  	v9 =	vadd.f32 $3.333333430e-01, v9;
	_ =	sdelay $0x1  }
0x1fd: {  	v8 =	vmul.f32 v9, v8;
	_ =	sdelay $0x1  }
0x1fe: {  	v7 =	vadd.f32 v7, v7;
	v8 =	vadd.f32 $1.000000000e+00, v8  }
0x1ff: {  	p0 =	sne.s32 s30, $0x20  }
.Ltmp0:
0x200: {  	v7 =	vmul.f32 v8, v7;
	(pc) =	sbr.rel @p0 .LBB2_2-.Ltmp0, $4  }
0x201: {  	v6 =	vmin.f32 v6, $0.0e+00  }
0x202: {  	v6 =	vsub.f32 v6, v7  }
0x203: {  	s29 =	sadd.s32 $0x10, s29  }
0x204: {  	s26 =	sadd.s32 $0x10, s26;
	s30 =	sadd.s32 $0x1, s30;
	s28 =	sadd.s32 $0x10, s28;
	v5 =	vadd.f32 v6, v5  }
0x205: {  	_ =	swait.ge [sflag:s20], $0x2000  }
0x206: {  	[sflag:s20] =	ssyncset.done $0x0  }
0x207: {  	[sflag:s20] =	ssyncadd.s32 $0xFFFFE000  }
0x208: {  	_ =	swait.ge [sflag:s20], $0x2000  }
0x209: {  	[sflag:s20] =	ssyncset.done $0x0  }
0x20a: {  	[sflag:s20] =	ssyncadd.s32 $0xFFFFE000  }
0x20b: {  	_ =	swait.ge [sflag:s21], $0x2000  }
0x20c: {  	[sflag:s21] =	ssyncset.done $0x0  }
0x20d: {  	[sflag:s21] =	ssyncadd.s32 $0xFFFFE000  }
0x20e: {  	_ =	swait.ge [sflag:s21], $0x2000  }
0x20f: {  	[sflag:s21] =	ssyncset.done $0x0  }
0x210: {  	[sflag:s21] =	ssyncadd.s32 $0xFFFFE000  }
0x211: {  	_ =	swait.ge [sflag:s22], $0x2000  }
0x212: {  	[sflag:s22] =	ssyncset.done $0x0  }
0x213: {  	[sflag:s22] =	ssyncadd.s32 $0xFFFFE000  }
0x214: {  	_ =	swait.ge [sflag:s22], $0x2000  }
0x215: {  	[sflag:s22] =	ssyncset.done $0x0  }
0x216: {  	[sflag:s22] =	ssyncadd.s32 $0xFFFFE000  }
0x217: {  	[tilespmem:$0x10600] =	vst v5  }
0x218: {  	[tilespmem:$0x10610] =	vst v4  }
0x219: {  	[tilespmem:$0x10620] =	vst v4  }
0x21a: {  	[tilespmem:$0x10630] =	vst v4  }
0x21b: {  	[tilespmem:$0x10640] =	vst v4  }
0x21c: {  	[tilespmem:$0x10650] =	vst v4  }
0x21d: {  	[tilespmem:$0x10660] =	vst v4  }
0x21e: {  	s1 =	simm.s32 $0x10600;
	s0 =	rddreg [dreg:$0xa];
	[tilespmem:$0x10670] =	vst v4  }
0x21f: {  	[hbm4b:s0+s4] =	stream.linear.scatter [tilespmem:s1], [sflag:$0x5], $0x80, $0x38;
	[tilespmem:$0x10680] =	vst v63  }
0x220: {  	_ =	swait.ge [sflag:s10], $0x80  }
0x221: {  	s25 =	sadd.s32 $0x1, s25;
	s31 =	rddreg [dreg:$0xb]  }
0x222: {  	p0 =	sne.s32 s25, s31  }
.Ltmp1:
0x223: {  	_ = 	snop;
	(pc) =	sbr.rel @p0 .LBB2_1-.Ltmp1, $3  }
0x224: {  	_ =	sdelay $0x1  }
0x225: {  	[sflag:s10] =	ssyncset.done $0x0  }
0x226: {  	[sflag:s10] =	ssyncadd.s32 $0xFFFFFF80  }
0x227: {  	_ =	sfence.sel $0x180000  }
0x228: {  	[bflag:$0x0] =	sbarrier.arrive $0xFFFF  }
0x229: {  	_ =	strace $0x90000047  }
0x22a: {  	s0 =	stileid.u32;
	[bflag:$0x2] =	sbarrier.arrive $0xFFFF  }
0x22b: {  	p0 =	sne.s32 s0, $0x0;
	s0 =	rddreg [dreg:$0x6]  }
0x22c: {  	s0 =	sadd.s32 @!p0 $0x100000, s0  }
0x22d: {  	[sflag:s0] =	ssyncadd.tile.s32 @!p0 $0x1;
	_ =	shalt  }
.Lfunc_end2:
_tile_overlayer_lowered:
.L_overlay_start_2:
0x22e: {  	(tag) =	ssettag $0x2  }
0x22f: {  	s0 =	rddreg [dreg:$0x0];
	s2 =	stileid.u32  }
0x230: {  	s1 =	rddreg [dreg:$0x1];
	p0 =	sne.s32 s2, $0x0  }
0x231: {  	s3 =	rddreg [dreg:$0x2];
	[bflag:$0x3] =	sbarrier.arrive $0xFFFF;
	s2 =	simm.s32 @!p0 $0x1C05  }
0x232: {  	[timem:s3], [sflag:s2] =	dma.local @!p0 [hbm:s0], s1  }
0x233: {  	s0 =	simm.s32 @!p0 $0x5  }
0x234: {  	_ =	swait.ge @!p0 [sflag:s0], s1  }
0x235: {  	s1 =	ssub.s32 @!p0 $0x0, s1;
	[sflag:s0] =	ssyncset.done @!p0 $0x0  }
0x236: {  	[sflag:s0] =	ssyncadd.s32 @!p0 s1  }
0x237: {  	[bflag:$0x3] =	sbarrier.arrive $0xFFFF  }
0x238: {  	_ =	shalt  }

</sc_bundles>
